<compile_context>
chip_gen: v7x
topology: tpu7x:2x2x1
jax: 0.10.2.dev20260603
libtpu: 0.0.44.dev20260713+nightly
codegen_flags: <defaults>
</compile_context>

<pallas_src>
import functools

import jax
import jax.numpy as jnp
from jax import lax
from jax.experimental import pallas as pl
from jax.experimental.pallas import tpu as pltpu
from jax.experimental.pallas import tpu_sc as plsc

_NUM_LAYER = 3
_EMB = 128
_DE = 16
_N = 10000
_E = 320000
_TASKS = 10
_G = 128

_NC = 2
_NS = 16
_NW = _NC * _NS
_EPT = _E // _NW
_CH = 80
_NCH = _EPT // _CH
_RA = 632
_RT0 = _RA * (_NS - 1)
_RT = _N - _RT0

_MLP_B = 1000


def _sc_mesh():
    return plsc.VectorSubcoreMesh(
        core_axis_name="c", subcore_axis_name="s",
        num_cores=_NC, num_subcores=_NS)


_NBUF = 3


def _sc_gather_scatter_body(h_hbm, src_hbm, dst3_hbm, zero_hbm, out_hbm,
                            srcb0, srcb1, srcb2, dst_all, rows0, rows1, rows2,
                            acc_sh, sem0, sem1, sem2):
    c = lax.axis_index("c")
    s = lax.axis_index("s")
    srcb = [srcb0, srcb1, srcb2]
    rows = [rows0, rows1, rows2]
    sems = [sem0, sem1, sem2]
    wid = c * _NS + s

    @pl.when(s < _NS - 1)
    def _():
        pltpu.sync_copy(zero_hbm.at[pl.ds(s * _RA, _RA)],
                        acc_sh.at[pl.ds(s * _RA, _RA)])

    @pl.when(s == _NS - 1)
    def _():
        pltpu.sync_copy(zero_hbm.at[pl.ds(_RT0, _RT)],
                        acc_sh.at[pl.ds(_RT0, _RT)])

    pltpu.sync_copy(dst3_hbm.at[wid], dst_all)
    plsc.subcore_barrier()

    base = wid * _EPT

    def gather(i, j):
        pltpu.sync_copy(src_hbm.at[pl.ds(base + i * _CH, _CH)], srcb[j])
        pltpu.async_copy(h_hbm.at[srcb[j]], rows[j], sems[j])

    def drain(i, j):
        pltpu.make_async_copy(h_hbm.at[srcb[j]], rows[j], sems[j]).wait()
        pltpu.sync_copy(rows[j], acc_sh.at[dst_all.at[i]], add=True)

    for j in range(_NBUF - 1):
        gather(j, j)

    def group(q, carry):
        i0 = q * _NBUF
        for j in range(_NBUF):
            drain(i0 + j, j)
            gather(i0 + j + (_NBUF - 1), (j + _NBUF - 1) % _NBUF)
        return carry

    nq = (_NCH - _NBUF + 1) // _NBUF
    lax.fori_loop(0, nq, group, 0)

    for i in range(nq * _NBUF, _NCH):
        drain(i, i % _NBUF)
        nxt = i + _NBUF - 1
        if nxt < _NCH:
            gather(nxt, nxt % _NBUF)

    plsc.subcore_barrier()

    @pl.when(s < _NS - 1)
    def _():
        pltpu.sync_copy(acc_sh.at[pl.ds(s * _RA, _RA)],
                        out_hbm.at[c, pl.ds(s * _RA, _RA)])

    @pl.when(s == _NS - 1)
    def _():
        pltpu.sync_copy(acc_sh.at[pl.ds(_RT0, _RT)],
                        out_hbm.at[c, pl.ds(_RT0, _RT)])


@functools.lru_cache(maxsize=None)
def _sc_gather_scatter_kernel():
    return pl.kernel(
        _sc_gather_scatter_body,
        out_type=jax.ShapeDtypeStruct((_NC, _N, _EMB), jnp.float32),
        mesh=_sc_mesh(),
        scratch_types=[
            pltpu.VMEM((_CH,), jnp.int32),
            pltpu.VMEM((_CH,), jnp.int32),
            pltpu.VMEM((_CH,), jnp.int32),
            pltpu.VMEM((_NCH, _CH), jnp.int32),
            pltpu.VMEM((_CH, _EMB), jnp.float32),
            pltpu.VMEM((_CH, _EMB), jnp.float32),
            pltpu.VMEM((_CH, _EMB), jnp.float32),
            pltpu.VMEM_SHARED((_N, _EMB), jnp.float32),
            pltpu.SemaphoreType.DMA,
            pltpu.SemaphoreType.DMA,
            pltpu.SemaphoreType.DMA,
        ],
    )


def _sc_gather_scatter(h, src, dst3, zeros_big):
    return _sc_gather_scatter_kernel()(h, src, dst3, zeros_big)


def _sc_linear_scatter_body(rows_hbm, dst3_hbm, zero_hbm, out_hbm,
                            dst_all, rows0, rows1, rows2,
                            acc_sh, sem0, sem1, sem2):
    c = lax.axis_index("c")
    s = lax.axis_index("s")
    rows = [rows0, rows1, rows2]
    sems = [sem0, sem1, sem2]
    wid = c * _NS + s

    @pl.when(s < _NS - 1)
    def _():
        pltpu.sync_copy(zero_hbm.at[pl.ds(s * _RA, _RA)],
                        acc_sh.at[pl.ds(s * _RA, _RA)])

    @pl.when(s == _NS - 1)
    def _():
        pltpu.sync_copy(zero_hbm.at[pl.ds(_RT0, _RT)],
                        acc_sh.at[pl.ds(_RT0, _RT)])

    pltpu.sync_copy(dst3_hbm.at[wid], dst_all)
    plsc.subcore_barrier()

    base = wid * _EPT

    def gather(i, j):
        pltpu.async_copy(rows_hbm.at[pl.ds(base + i * _CH, _CH)],
                         rows[j], sems[j])

    def drain(i, j):
        pltpu.make_async_copy(rows_hbm.at[pl.ds(base, _CH)],
                              rows[j], sems[j]).wait()
        pltpu.sync_copy(rows[j], acc_sh.at[dst_all.at[i]], add=True)

    for j in range(_NBUF - 1):
        gather(j, j)

    def group(q, carry):
        i0 = q * _NBUF
        for j in range(_NBUF):
            drain(i0 + j, j)
            gather(i0 + j + (_NBUF - 1), (j + _NBUF - 1) % _NBUF)
        return carry

    nq = (_NCH - _NBUF + 1) // _NBUF
    lax.fori_loop(0, nq, group, 0)

    for i in range(nq * _NBUF, _NCH):
        drain(i, i % _NBUF)
        nxt = i + _NBUF - 1
        if nxt < _NCH:
            gather(nxt, nxt % _NBUF)

    plsc.subcore_barrier()

    @pl.when(s < _NS - 1)
    def _():
        pltpu.sync_copy(acc_sh.at[pl.ds(s * _RA, _RA)],
                        out_hbm.at[c, pl.ds(s * _RA, _RA)])

    @pl.when(s == _NS - 1)
    def _():
        pltpu.sync_copy(acc_sh.at[pl.ds(_RT0, _RT)],
                        out_hbm.at[c, pl.ds(_RT0, _RT)])


@functools.lru_cache(maxsize=None)
def _sc_linear_scatter_kernel():
    return pl.kernel(
        _sc_linear_scatter_body,
        out_type=jax.ShapeDtypeStruct((_NC, _N, _EMB), jnp.float32),
        mesh=_sc_mesh(),
        scratch_types=[
            pltpu.VMEM((_NCH, _CH), jnp.int32),
            pltpu.VMEM((_CH, _EMB), jnp.float32),
            pltpu.VMEM((_CH, _EMB), jnp.float32),
            pltpu.VMEM((_CH, _EMB), jnp.float32),
            pltpu.VMEM_SHARED((_N, _EMB), jnp.float32),
            pltpu.SemaphoreType.DMA,
            pltpu.SemaphoreType.DMA,
            pltpu.SemaphoreType.DMA,
        ],
    )


def _sc_edge_sums(ea_aug, dst3, zeros_big):
    return _sc_linear_scatter_kernel()(ea_aug, dst3, zeros_big)


def _mlp_body(last, p_ref, a_ref, h_ref, weh_ref, wee_ref, be_ref,
              w1_ref, b1_ref, w2_ref, b2_ref, o_ref):
    p = p_ref[0] + p_ref[1]
    a = a_ref[0] + a_ref[1]
    e = a[:, :_DE]
    deg = a[:, _DE:_DE + 1]
    z = jnp.dot(p, weh_ref[...], preferred_element_type=jnp.float32, precision=lax.Precision.HIGHEST)
    z = z + jnp.dot(e, wee_ref[...], preferred_element_type=jnp.float32, precision=lax.Precision.HIGHEST)
    z = z + deg * be_ref[...] + h_ref[...]
    hid = jnp.dot(z, w1_ref[...], preferred_element_type=jnp.float32) + b1_ref[...]
    hid = jnp.maximum(hid, 0.0)
    o = jnp.dot(hid, w2_ref[...], preferred_element_type=jnp.float32) + b2_ref[...]
    if not last:
        o = jnp.maximum(o, 0.0)
    o_ref[...] = o


def _tc_mlp(p_pair, a_pair, h, weh, wee, be, w1, b1, w2, b2, last):
    nblk = _N // _MLP_B
    full = lambda i: (0, 0)
    return pl.pallas_call(
        functools.partial(_mlp_body, last),
        grid=(nblk,),
        in_specs=[
            pl.BlockSpec((_NC, _MLP_B, _EMB), lambda i: (0, i, 0)),
            pl.BlockSpec((_NC, _MLP_B, _EMB), lambda i: (0, i, 0)),
            pl.BlockSpec((_MLP_B, _EMB), lambda i: (i, 0)),
            pl.BlockSpec((_EMB, _EMB), full),
            pl.BlockSpec((_DE, _EMB), full),
            pl.BlockSpec((1, _EMB), full),
            pl.BlockSpec((_EMB, 2 * _EMB), full),
            pl.BlockSpec((1, 2 * _EMB), full),
            pl.BlockSpec((2 * _EMB, _EMB), full),
            pl.BlockSpec((1, _EMB), full),
        ],
        out_specs=pl.BlockSpec((_MLP_B, _EMB), lambda i: (i, 0)),
        out_shape=jax.ShapeDtypeStruct((_N, _EMB), jnp.float32),
    )(p_pair, a_pair, h, weh, wee, be, w1, b1, w2, b2)


def _pool_body(h_ref, batch_ref, wg1_ref, bg1_ref, wg2_ref, bg2_ref, o_ref):
    b = batch_ref[...]
    g_iota = lax.broadcasted_iota(jnp.int32, (_G, _N), 0)
    n_iota = lax.broadcasted_iota(jnp.int32, (_G, _N), 1)
    eq = b == g_iota
    lastidx = jnp.max(jnp.where(eq, n_iota, -1), axis=1, keepdims=True)
    present = lastidx >= 0
    pres_row = jnp.where(present, 1.0, 0.0).reshape(1, _G)
    r_iota = lax.broadcasted_iota(jnp.int32, (_G, _G), 0)
    c_iota = lax.broadcasted_iota(jnp.int32, (_G, _G), 1)
    tri = jnp.where(r_iota < c_iota, 1.0, 0.0)
    ranks = jnp.dot(pres_row, tri, preferred_element_type=jnp.float32, precision=lax.Precision.HIGHEST).astype(jnp.int32)
    nb = jnp.sum(pres_row)
    sel = jnp.where(eq & (n_iota == lastidx), 1.0, 0.0)
    m = jnp.dot(sel, h_ref[...], preferred_element_type=jnp.float32, precision=lax.Precision.HIGHEST)
    k_iota = lax.broadcasted_iota(jnp.int32, (_G, _G), 0)
    reord = jnp.where((ranks == k_iota) & (pres_row > 0), 1.0, 0.0)
    sup = jnp.dot(reord, m, preferred_element_type=jnp.float32, precision=lax.Precision.HIGHEST)
    krow = lax.broadcasted_iota(jnp.int32, (_G, 1), 0)
    sup = jnp.where(krow >= nb.astype(jnp.int32), h_ref[0:1, :], sup)
    v = jnp.dot(sup, wg1_ref[...], preferred_element_type=jnp.float32) + bg1_ref[...]
    v = jnp.where(v > 0, v, jnp.exp(jnp.minimum(v, 0.0)) - 1.0)
    o_ref[...] = jnp.dot(v, wg2_ref[...], preferred_element_type=jnp.float32) + bg2_ref[...]


def _tc_pool(h, batch_row, wg1, bg1, wg2, bg2):
    return pl.pallas_call(
        _pool_body,
        out_shape=jax.ShapeDtypeStruct((_G, _TASKS), jnp.float32),
    )(h, batch_row, wg1, bg1, wg2, bg2)


def kernel(x, edge_index, edge_attr, batch, W_edge, b_edge, W1, b1, W2, b2,
           Wg1, bg1, Wg2, bg2):
    src = edge_index[0]
    dst = edge_index[1]
    dst3 = dst.reshape(_NW, _NCH, _CH)
    zeros_big = jnp.zeros((_N, _EMB), jnp.float32)
    ea_aug = jnp.concatenate(
        [edge_attr, jnp.ones((_E, 1), jnp.float32),
         jnp.zeros((_E, _EMB - _DE - 1), jnp.float32)], axis=1)

    a_pair = _sc_edge_sums(ea_aug, dst3, zeros_big)

    h = x
    for l in range(_NUM_LAYER):
        p_pair = _sc_gather_scatter(h, src, dst3, zeros_big)
        h = _tc_mlp(p_pair, a_pair, h,
                    W_edge[l, :_EMB], W_edge[l, _EMB:],
                    b_edge[l].reshape(1, _EMB),
                    W1[l], b1[l].reshape(1, 2 * _EMB),
                    W2[l], b2[l].reshape(1, _EMB),
                    last=(l == _NUM_LAYER - 1))

    return _tc_pool(h, batch.reshape(1, _N), Wg1, bg1.reshape(1, _EMB // 2),
                    Wg2, bg2.reshape(1, _TASKS))

# --- scband reference (transcript-rebuilt; emitter-appended) ---
"""Pipeline reference for scband-gintrain-80633716015171 (READ-ONLY COPY).

The authoritative reference and input builder live on the scoring server;
editing this copy changes nothing except your own understanding.
"""

import jax, jax.numpy as jnp
import numpy as np

NUM_LAYER = 3
EMB = 128
D_EDGE = 16
N_NODES = 10000
N_EDGES = 320000
NUM_TASKS = 10
N_GRAPHS = 128


def setup_inputs(seed: int = 0) -> dict:
    key = jax.random.key(seed)
    ks = jax.random.split(key, 20)
    x = jax.random.normal(ks[0], (N_NODES, EMB), dtype=jnp.float32)
    edge_index = jax.random.randint(ks[1], (2, N_EDGES), 0, N_NODES, dtype=jnp.int32)
    edge_attr = jax.random.normal(ks[2], (N_EDGES, D_EDGE), dtype=jnp.float32)
    batch = jnp.sort(jax.random.randint(ks[3], (N_NODES,), 0, N_GRAPHS, dtype=jnp.int32))
    s = 0.05
    W_edge = jax.random.normal(ks[4], (NUM_LAYER, EMB + D_EDGE, EMB), dtype=jnp.float32) * s
    b_edge = jnp.zeros((NUM_LAYER, EMB), dtype=jnp.float32)
    W1 = jax.random.normal(ks[5], (NUM_LAYER, EMB, 2 * EMB), dtype=jnp.float32) * s
    b1 = jnp.zeros((NUM_LAYER, 2 * EMB), dtype=jnp.float32)
    W2 = jax.random.normal(ks[6], (NUM_LAYER, 2 * EMB, EMB), dtype=jnp.float32) * s
    b2 = jnp.zeros((NUM_LAYER, EMB), dtype=jnp.float32)
    Wg1 = jax.random.normal(ks[7], (EMB, EMB // 2), dtype=jnp.float32) * s
    bg1 = jnp.zeros((EMB // 2,), dtype=jnp.float32)
    Wg2 = jax.random.normal(ks[8], (EMB // 2, NUM_TASKS), dtype=jnp.float32) * s
    bg2 = jnp.zeros((NUM_TASKS,), dtype=jnp.float32)
    return {"x": x, "edge_index": edge_index, "edge_attr": edge_attr, "batch": batch,
            "W_edge": W_edge, "b_edge": b_edge, "W1": W1, "b1": b1, "W2": W2, "b2": b2,
            "Wg1": Wg1, "bg1": bg1, "Wg2": Wg2, "bg2": bg2}


def reference(x, edge_index, edge_attr, batch, W_edge, b_edge, W1, b1, W2, b2, Wg1, bg1, Wg2, bg2):
    src = edge_index[0]
    dst = edge_index[1]
    h = x
    for l in range(NUM_LAYER):
        # GIN layer with edge features incorporated by concatenation
        m = jnp.concatenate([h[src], edge_attr], axis=1) @ W_edge[l] + b_edge[l]
        agg = jnp.zeros((h.shape[0], EMB), dtype=h.dtype).at[dst].add(m)
        z = agg + h  # (1 + eps) * h with eps = 0
        h = jax.nn.relu(z @ W1[l] + b1[l]) @ W2[l] + b2[l]
        if l != NUM_LAYER - 1:
            h = jax.nn.relu(h)
    # JK = 'last': node representation is output of last layer
    # super_node_rep: take last node of each graph (boundaries of sorted batch vector)
    mask = jnp.concatenate([batch[:-1] != batch[1:], jnp.array([True])])
    idx = jnp.where(mask, size=N_GRAPHS)[0]
    sup = h[idx]
    h1 = jax.nn.elu(sup @ Wg1 + bg1)
    out = h1 @ Wg2 + bg2
    return out

if __name__ == "__main__":
    import jax
    _d = setup_inputs()
    print(jax.jit(kernel)(*tuple(_d.values())))

</pallas_src>

<mosaic_0001>
#map = affine_map<(d0, d1) -> (0, 0)>
#map1 = affine_map<(d0, d1) -> (0, 0, 0)>
module attributes {stable_mosaic.version = 14 : i64} {
  func.func @_sc_linear_scatter_body(%arg0: i32, %arg1: i32, %arg2: memref<320000x128xf32, #tpu.memory_space<hbm>>, %arg3: memref<32x125x80xi32, #tpu.memory_space<hbm>>, %arg4: memref<10000x128xf32, #tpu.memory_space<hbm>>, %arg5: memref<2x10000x128xf32, #tpu.memory_space<hbm>>, %arg6: memref<125x80xi32, #tpu.memory_space<vmem>>, %arg7: memref<80x128xf32, #tpu.memory_space<vmem>>, %arg8: memref<80x128xf32, #tpu.memory_space<vmem>>, %arg9: memref<80x128xf32, #tpu.memory_space<vmem>>, %arg10: memref<10000x128xf32, #tpu.memory_space<vmem_shared>>, %arg11: memref<!tpu.dma_semaphore, #tpu.memory_space<semaphore_mem>>, %arg12: memref<!tpu.dma_semaphore, #tpu.memory_space<semaphore_mem>>, %arg13: memref<!tpu.dma_semaphore, #tpu.memory_space<semaphore_mem>>) attributes {dimension_semantics = [#tpu.dimension_semantics<core_parallel>, #tpu.dimension_semantics<subcore_parallel>], iteration_bounds = array<i64: 2, 16>, scalar_prefetch = 0 : i64, scratch_operands = 8 : i64, tpu.core_type = #tpu.core_type<sc_vector_subcore>, window_params = [{transform_indices = #map}, {transform_indices = #map1}, {transform_indices = #map}, {transform_indices = #map1}]} {
    %mul3A = arith.constant 16 : i32
    %mul3A_0 = arith.muli %arg0, %mul3A : i32
    %add3A = arith.addi %mul3A_0, %arg1 : i32
    %lt3A = arith.constant 15 : i32
    %lt3A_1 = arith.cmpi slt, %arg1, %lt3A : i32
    %convert_element_type3A = arith.extui %lt3A_1 : i1 to i32
    %cond3A = arith.constant 0 : i32
    %cond3A_2 = arith.cmpi ne, %convert_element_type3A, %cond3A : i32
    scf.if %cond3A_2 {
      %mul3A_44 = arith.constant 632 : i32
      %mul3A_45 = arith.muli %arg1, %mul3A_44 : i32
      %mul3A_46 = arith.constant 632 : i32
      %mul3A_47 = arith.muli %arg1, %mul3A_46 : i32
      "tpu.region"() ({
        %run_scoped3A_48 = tpu.sem_alloc : memref<!tpu.dma_semaphore, #tpu.memory_space<semaphore_mem>>
        %dma_start3A_49 = arith.constant 0 : i32
        %dma_start3A_50 = tpu.memref_slice %arg10[%mul3A_47, %dma_start3A_49] : memref<10000x128xf32, #tpu.memory_space<vmem_shared>> -> memref<632x128xf32, #tpu.memory_space<vmem_shared>>
        %dma_start3A_51 = arith.constant 0 : i32
        %dma_start3A_52 = tpu.memref_slice %arg4[%mul3A_45, %dma_start3A_51] : memref<10000x128xf32, #tpu.memory_space<hbm>> -> memref<632x128xf32, #tpu.memory_space<hbm>>
        tpu.enqueue_dma source(%dma_start3A_52 : memref<632x128xf32, #tpu.memory_space<hbm>>) target(%dma_start3A_50 : memref<632x128xf32, #tpu.memory_space<vmem_shared>>) target_semaphore(%run_scoped3A_48 : memref<!tpu.dma_semaphore, #tpu.memory_space<semaphore_mem>>)
        %dma_wait3A_53 = arith.constant 0 : i32
        %dma_wait3A_54 = tpu.memref_slice %arg10[%mul3A_47, %dma_wait3A_53] : memref<10000x128xf32, #tpu.memory_space<vmem_shared>> -> memref<632x128xf32, #tpu.memory_space<vmem_shared>>
        %dma_wait3A_55 = arith.constant 0 : i32
        %dma_wait3A_56 = tpu.memref_slice %arg4[%mul3A_45, %dma_wait3A_55] : memref<10000x128xf32, #tpu.memory_space<hbm>> -> memref<632x128xf32, #tpu.memory_space<hbm>>
        tpu.wait_dma2 semaphore(%run_scoped3A_48 : memref<!tpu.dma_semaphore, #tpu.memory_space<semaphore_mem>>) src(%dma_wait3A_56 : memref<632x128xf32, #tpu.memory_space<hbm>>) dst(%dma_wait3A_54 : memref<632x128xf32, #tpu.memory_space<vmem_shared>>)
        tpu.yield
      }) : () -> ()
    } else {
    }
    %eq3A = arith.constant 15 : i32
    %eq3A_3 = arith.cmpi eq, %arg1, %eq3A : i32
    %convert_element_type3A_4 = arith.extui %eq3A_3 : i1 to i32
    %cond3A_5 = arith.constant 0 : i32
    %cond3A_6 = arith.cmpi ne, %convert_element_type3A_4, %cond3A_5 : i32
    scf.if %cond3A_6 {
      "tpu.region"() ({
        %run_scoped3A_44 = tpu.sem_alloc : memref<!tpu.dma_semaphore, #tpu.memory_space<semaphore_mem>>
        %dma_start3A_45 = arith.constant 9480 : i32
        %dma_start3A_46 = arith.constant 0 : i32
        %dma_start3A_47 = tpu.memref_slice %arg10[%dma_start3A_45, %dma_start3A_46] : memref<10000x128xf32, #tpu.memory_space<vmem_shared>> -> memref<520x128xf32, #tpu.memory_space<vmem_shared>>
        %dma_start3A_48 = arith.constant 9480 : i32
        %dma_start3A_49 = arith.constant 0 : i32
        %dma_start3A_50 = tpu.memref_slice %arg4[%dma_start3A_48, %dma_start3A_49] : memref<10000x128xf32, #tpu.memory_space<hbm>> -> memref<520x128xf32, #tpu.memory_space<hbm>>
        tpu.enqueue_dma source(%dma_start3A_50 : memref<520x128xf32, #tpu.memory_space<hbm>>) target(%dma_start3A_47 : memref<520x128xf32, #tpu.memory_space<vmem_shared>>) target_semaphore(%run_scoped3A_44 : memref<!tpu.dma_semaphore, #tpu.memory_space<semaphore_mem>>)
        %dma_wait3A_51 = arith.constant 9480 : i32
        %dma_wait3A_52 = arith.constant 0 : i32
        %dma_wait3A_53 = tpu.memref_slice %arg10[%dma_wait3A_51, %dma_wait3A_52] : memref<10000x128xf32, #tpu.memory_space<vmem_shared>> -> memref<520x128xf32, #tpu.memory_space<vmem_shared>>
        %dma_wait3A_54 = arith.constant 9480 : i32
        %dma_wait3A_55 = arith.constant 0 : i32
        %dma_wait3A_56 = tpu.memref_slice %arg4[%dma_wait3A_54, %dma_wait3A_55] : memref<10000x128xf32, #tpu.memory_space<hbm>> -> memref<520x128xf32, #tpu.memory_space<hbm>>
        tpu.wait_dma2 semaphore(%run_scoped3A_44 : memref<!tpu.dma_semaphore, #tpu.memory_space<semaphore_mem>>) src(%dma_wait3A_56 : memref<520x128xf32, #tpu.memory_space<hbm>>) dst(%dma_wait3A_53 : memref<520x128xf32, #tpu.memory_space<vmem_shared>>)
        tpu.yield
      }) : () -> ()
    } else {
    }
    "tpu.region"() ({
      %run_scoped3A_44 = tpu.sem_alloc : memref<!tpu.dma_semaphore, #tpu.memory_space<semaphore_mem>>
      %dma_start3A_45 = arith.constant 0 : i32
      %dma_start3A_46 = arith.constant 0 : i32
      %dma_start3A_47 = tpu.memref_slice %arg3[%add3A, %dma_start3A_45, %dma_start3A_46] : memref<32x125x80xi32, #tpu.memory_space<hbm>> -> memref<1x125x80xi32, #tpu.memory_space<hbm>>
      %dma_start3A_48 = tpu.memref_squeeze %dma_start3A_47 : memref<1x125x80xi32, #tpu.memory_space<hbm>> -> memref<125x80xi32, #tpu.memory_space<hbm>>
      %dma_start3A_49 = arith.constant 0 : i32
      %dma_start3A_50 = arith.constant 0 : i32
      %dma_start3A_51 = tpu.memref_slice %arg3[%add3A, %dma_start3A_49, %dma_start3A_50] : memref<32x125x80xi32, #tpu.memory_space<hbm>> -> memref<1x125x80xi32, #tpu.memory_space<hbm>>
      %dma_start3A_52 = tpu.memref_squeeze %dma_start3A_51 : memref<1x125x80xi32, #tpu.memory_space<hbm>> -> memref<125x80xi32, #tpu.memory_space<hbm>>
      tpu.enqueue_dma source(%dma_start3A_52 : memref<125x80xi32, #tpu.memory_space<hbm>>) target(%arg6 : memref<125x80xi32, #tpu.memory_space<vmem>>) target_semaphore(%run_scoped3A_44 : memref<!tpu.dma_semaphore, #tpu.memory_space<semaphore_mem>>)
      %dma_wait3A_53 = arith.constant 0 : i32
      %dma_wait3A_54 = arith.constant 0 : i32
      %dma_wait3A_55 = tpu.memref_slice %arg3[%add3A, %dma_wait3A_53, %dma_wait3A_54] : memref<32x125x80xi32, #tpu.memory_space<hbm>> -> memref<1x125x80xi32, #tpu.memory_space<hbm>>
      %dma_wait3A_56 = tpu.memref_squeeze %dma_wait3A_55 : memref<1x125x80xi32, #tpu.memory_space<hbm>> -> memref<125x80xi32, #tpu.memory_space<hbm>>
      %dma_wait3A_57 = arith.constant 0 : i32
      %dma_wait3A_58 = arith.constant 0 : i32
      %dma_wait3A_59 = tpu.memref_slice %arg3[%add3A, %dma_wait3A_57, %dma_wait3A_58] : memref<32x125x80xi32, #tpu.memory_space<hbm>> -> memref<1x125x80xi32, #tpu.memory_space<hbm>>
      %dma_wait3A_60 = tpu.memref_squeeze %dma_wait3A_59 : memref<1x125x80xi32, #tpu.memory_space<hbm>> -> memref<125x80xi32, #tpu.memory_space<hbm>>
      tpu.wait_dma2 semaphore(%run_scoped3A_44 : memref<!tpu.dma_semaphore, #tpu.memory_space<semaphore_mem>>) src(%dma_wait3A_60 : memref<125x80xi32, #tpu.memory_space<hbm>>) dst(%arg6 : memref<125x80xi32, #tpu.memory_space<vmem>>)
      tpu.yield
    }) : () -> ()
    %barrier3A = arith.constant 0 : index
    tpu.barrier barrier_id(%barrier3A)
    %mul3A_7 = arith.constant 10000 : i32
    %mul3A_8 = arith.muli %add3A, %mul3A_7 : i32
    %add3A_9 = arith.constant 0 : i32
    %add3A_10 = arith.addi %mul3A_8, %add3A_9 : i32
    %dma_start3A = arith.constant 0 : i32
    %dma_start3A_11 = tpu.memref_slice %arg2[%add3A_10, %dma_start3A] : memref<320000x128xf32, #tpu.memory_space<hbm>> -> memref<80x128xf32, #tpu.memory_space<hbm>>
    %dma_start3A_12 = arith.constant 0 : i32
    %dma_start3A_13 = tpu.memref_slice %arg2[%add3A_10, %dma_start3A_12] : memref<320000x128xf32, #tpu.memory_space<hbm>> -> memref<80x128xf32, #tpu.memory_space<hbm>>
    tpu.enqueue_dma source(%dma_start3A_13 : memref<80x128xf32, #tpu.memory_space<hbm>>) target(%arg7 : memref<80x128xf32, #tpu.memory_space<vmem>>) target_semaphore(%arg11 : memref<!tpu.dma_semaphore, #tpu.memory_space<semaphore_mem>>)
    %add3A_14 = arith.constant 80 : i32
    %add3A_15 = arith.addi %mul3A_8, %add3A_14 : i32
    %dma_start3A_16 = arith.constant 0 : i32
    %dma_start3A_17 = tpu.memref_slice %arg2[%add3A_15, %dma_start3A_16] : memref<320000x128xf32, #tpu.memory_space<hbm>> -> memref<80x128xf32, #tpu.memory_space<hbm>>
    %dma_start3A_18 = arith.constant 0 : i32
    %dma_start3A_19 = tpu.memref_slice %arg2[%add3A_15, %dma_start3A_18] : memref<320000x128xf32, #tpu.memory_space<hbm>> -> memref<80x128xf32, #tpu.memory_space<hbm>>
    tpu.enqueue_dma source(%dma_start3A_19 : memref<80x128xf32, #tpu.memory_space<hbm>>) target(%arg8 : memref<80x128xf32, #tpu.memory_space<vmem>>) target_semaphore(%arg12 : memref<!tpu.dma_semaphore, #tpu.memory_space<semaphore_mem>>)
    %scan3A = arith.constant 0 : i32
    %scan3A_20 = arith.constant 0 : i32
    %scan3A_21 = arith.constant 41 : i32
    %scan3A_22 = arith.addi %scan3A_20, %scan3A_21 : i32
    %scan3A_23 = arith.constant 1 : i32
    scf.for %scan3A_44 = %scan3A_20 to %scan3A_22 step %scan3A_23  : i32 {
      %mul3A_45 = arith.constant 3 : i32
      %mul3A_46 = arith.muli %scan3A_44, %mul3A_45 : i32
      %add3A_47 = arith.constant 0 : i32
      %add3A_48 = arith.addi %mul3A_46, %add3A_47 : i32
      %dma_wait3A_49 = arith.constant 0 : i32
      %dma_wait3A_50 = tpu.memref_slice %arg2[%mul3A_8, %dma_wait3A_49] : memref<320000x128xf32, #tpu.memory_space<hbm>> -> memref<80x128xf32, #tpu.memory_space<hbm>>
      %dma_wait3A_51 = arith.constant 0 : i32
      %dma_wait3A_52 = tpu.memref_slice %arg2[%mul3A_8, %dma_wait3A_51] : memref<320000x128xf32, #tpu.memory_space<hbm>> -> memref<80x128xf32, #tpu.memory_space<hbm>>
      tpu.wait_dma2 semaphore(%arg11 : memref<!tpu.dma_semaphore, #tpu.memory_space<semaphore_mem>>) src(%dma_wait3A_52 : memref<80x128xf32, #tpu.memory_space<hbm>>) dst(%arg7 : memref<80x128xf32, #tpu.memory_space<vmem>>)
      "tpu.region"() ({
        %run_scoped3A_98 = tpu.sem_alloc : memref<!tpu.dma_semaphore, #tpu.memory_space<semaphore_mem>>
        %dma_start3A_99 = arith.constant 0 : i32
        %dma_start3A_100 = tpu.memref_slice %arg6[%add3A_48, %dma_start3A_99] : memref<125x80xi32, #tpu.memory_space<vmem>> -> memref<1x80xi32, #tpu.memory_space<vmem>>
        %dma_start3A_101 = tpu.memref_squeeze %dma_start3A_100 : memref<1x80xi32, #tpu.memory_space<vmem>> -> memref<80xi32, #tpu.memory_space<vmem>>
        %dma_start3A_102 = arith.constant 0 : i32
        %dma_start3A_103 = arith.constant 0 : i32
        %dma_start3A_104 = tpu.memref_slice %arg10[%dma_start3A_102, %dma_start3A_103] : memref<10000x128xf32, #tpu.memory_space<vmem_shared>> -> memref<10000x128xf32, #tpu.memory_space<vmem_shared>>
        tpu.enqueue_indirect_dma source(%arg7 : memref<80x128xf32, #tpu.memory_space<vmem>>) target(%dma_start3A_104 : memref<10000x128xf32, #tpu.memory_space<vmem_shared>>) offsets(%dma_start3A_101 : memref<80xi32, #tpu.memory_space<vmem>>) semaphore(%run_scoped3A_98 : memref<!tpu.dma_semaphore, #tpu.memory_space<semaphore_mem>>) {add = true}
        %dma_wait3A_105 = arith.constant 0 : i32
        %dma_wait3A_106 = tpu.memref_slice %arg6[%add3A_48, %dma_wait3A_105] : memref<125x80xi32, #tpu.memory_space<vmem>> -> memref<1x80xi32, #tpu.memory_space<vmem>>
        %dma_wait3A_107 = tpu.memref_squeeze %dma_wait3A_106 : memref<1x80xi32, #tpu.memory_space<vmem>> -> memref<80xi32, #tpu.memory_space<vmem>>
        %dma_wait3A_108 = arith.constant 0 : i32
        %dma_wait3A_109 = arith.constant 0 : i32
        %dma_wait3A_110 = tpu.memref_slice %arg10[%dma_wait3A_108, %dma_wait3A_109] : memref<10000x128xf32, #tpu.memory_space<vmem_shared>> -> memref<10000x128xf32, #tpu.memory_space<vmem_shared>>
        tpu.wait_indirect_dma semaphore(%run_scoped3A_98 : memref<!tpu.dma_semaphore, #tpu.memory_space<semaphore_mem>>) src(%arg7 : memref<80x128xf32, #tpu.memory_space<vmem>>) dst(%dma_wait3A_110 : memref<10000x128xf32, #tpu.memory_space<vmem_shared>>)
        tpu.yield
      }) : () -> ()
      %add3A_53 = arith.constant 0 : i32
      %add3A_54 = arith.addi %mul3A_46, %add3A_53 : i32
      %add3A_55 = arith.constant 2 : i32
      %add3A_56 = arith.addi %add3A_54, %add3A_55 : i32
      %mul3A_57 = arith.constant 80 : i32
      %mul3A_58 = arith.muli %add3A_56, %mul3A_57 : i32
      %add3A_59 = arith.addi %mul3A_8, %mul3A_58 : i32
      %dma_start3A_60 = arith.constant 0 : i32
      %dma_start3A_61 = tpu.memref_slice %arg2[%add3A_59, %dma_start3A_60] : memref<320000x128xf32, #tpu.memory_space<hbm>> -> memref<80x128xf32, #tpu.memory_space<hbm>>
      %dma_start3A_62 = arith.constant 0 : i32
      %dma_start3A_63 = tpu.memref_slice %arg2[%add3A_59, %dma_start3A_62] : memref<320000x128xf32, #tpu.memory_space<hbm>> -> memref<80x128xf32, #tpu.memory_space<hbm>>
      tpu.enqueue_dma source(%dma_start3A_63 : memref<80x128xf32, #tpu.memory_space<hbm>>) target(%arg9 : memref<80x128xf32, #tpu.memory_space<vmem>>) target_semaphore(%arg13 : memref<!tpu.dma_semaphore, #tpu.memory_space<semaphore_mem>>)
      %add3A_64 = arith.constant 1 : i32
      %add3A_65 = arith.addi %mul3A_46, %add3A_64 : i32
      %dma_wait3A_66 = arith.constant 0 : i32
      %dma_wait3A_67 = tpu.memref_slice %arg2[%mul3A_8, %dma_wait3A_66] : memref<320000x128xf32, #tpu.memory_space<hbm>> -> memref<80x128xf32, #tpu.memory_space<hbm>>
      %dma_wait3A_68 = arith.constant 0 : i32
      %dma_wait3A_69 = tpu.memref_slice %arg2[%mul3A_8, %dma_wait3A_68] : memref<320000x128xf32, #tpu.memory_space<hbm>> -> memref<80x128xf32, #tpu.memory_space<hbm>>
      tpu.wait_dma2 semaphore(%arg12 : memref<!tpu.dma_semaphore, #tpu.memory_space<semaphore_mem>>) src(%dma_wait3A_69 : memref<80x128xf32, #tpu.memory_space<hbm>>) dst(%arg8 : memref<80x128xf32, #tpu.memory_space<vmem>>)
      "tpu.region"() ({
        %run_scoped3A_98 = tpu.sem_alloc : memref<!tpu.dma_semaphore, #tpu.memory_space<semaphore_mem>>
        %dma_start3A_99 = arith.constant 0 : i32
        %dma_start3A_100 = tpu.memref_slice %arg6[%add3A_65, %dma_start3A_99] : memref<125x80xi32, #tpu.memory_space<vmem>> -> memref<1x80xi32, #tpu.memory_space<vmem>>
        %dma_start3A_101 = tpu.memref_squeeze %dma_start3A_100 : memref<1x80xi32, #tpu.memory_space<vmem>> -> memref<80xi32, #tpu.memory_space<vmem>>
        %dma_start3A_102 = arith.constant 0 : i32
        %dma_start3A_103 = arith.constant 0 : i32
        %dma_start3A_104 = tpu.memref_slice %arg10[%dma_start3A_102, %dma_start3A_103] : memref<10000x128xf32, #tpu.memory_space<vmem_shared>> -> memref<10000x128xf32, #tpu.memory_space<vmem_shared>>
        tpu.enqueue_indirect_dma source(%arg8 : memref<80x128xf32, #tpu.memory_space<vmem>>) target(%dma_start3A_104 : memref<10000x128xf32, #tpu.memory_space<vmem_shared>>) offsets(%dma_start3A_101 : memref<80xi32, #tpu.memory_space<vmem>>) semaphore(%run_scoped3A_98 : memref<!tpu.dma_semaphore, #tpu.memory_space<semaphore_mem>>) {add = true}
        %dma_wait3A_105 = arith.constant 0 : i32
        %dma_wait3A_106 = tpu.memref_slice %arg6[%add3A_65, %dma_wait3A_105] : memref<125x80xi32, #tpu.memory_space<vmem>> -> memref<1x80xi32, #tpu.memory_space<vmem>>
        %dma_wait3A_107 = tpu.memref_squeeze %dma_wait3A_106 : memref<1x80xi32, #tpu.memory_space<vmem>> -> memref<80xi32, #tpu.memory_space<vmem>>
        %dma_wait3A_108 = arith.constant 0 : i32
        %dma_wait3A_109 = arith.constant 0 : i32
        %dma_wait3A_110 = tpu.memref_slice %arg10[%dma_wait3A_108, %dma_wait3A_109] : memref<10000x128xf32, #tpu.memory_space<vmem_shared>> -> memref<10000x128xf32, #tpu.memory_space<vmem_shared>>
        tpu.wait_indirect_dma semaphore(%run_scoped3A_98 : memref<!tpu.dma_semaphore, #tpu.memory_space<semaphore_mem>>) src(%arg8 : memref<80x128xf32, #tpu.memory_space<vmem>>) dst(%dma_wait3A_110 : memref<10000x128xf32, #tpu.memory_space<vmem_shared>>)
        tpu.yield
      }) : () -> ()
      %add3A_70 = arith.constant 1 : i32
      %add3A_71 = arith.addi %mul3A_46, %add3A_70 : i32
      %add3A_72 = arith.constant 2 : i32
      %add3A_73 = arith.addi %add3A_71, %add3A_72 : i32
      %mul3A_74 = arith.constant 80 : i32
      %mul3A_75 = arith.muli %add3A_73, %mul3A_74 : i32
      %add3A_76 = arith.addi %mul3A_8, %mul3A_75 : i32
      %dma_start3A_77 = arith.constant 0 : i32
      %dma_start3A_78 = tpu.memref_slice %arg2[%add3A_76, %dma_start3A_77] : memref<320000x128xf32, #tpu.memory_space<hbm>> -> memref<80x128xf32, #tpu.memory_space<hbm>>
      %dma_start3A_79 = arith.constant 0 : i32
      %dma_start3A_80 = tpu.memref_slice %arg2[%add3A_76, %dma_start3A_79] : memref<320000x128xf32, #tpu.memory_space<hbm>> -> memref<80x128xf32, #tpu.memory_space<hbm>>
      tpu.enqueue_dma source(%dma_start3A_80 : memref<80x128xf32, #tpu.memory_space<hbm>>) target(%arg7 : memref<80x128xf32, #tpu.memory_space<vmem>>) target_semaphore(%arg11 : memref<!tpu.dma_semaphore, #tpu.memory_space<semaphore_mem>>)
      %add3A_81 = arith.constant 2 : i32
      %add3A_82 = arith.addi %mul3A_46, %add3A_81 : i32
      %dma_wait3A_83 = arith.constant 0 : i32
      %dma_wait3A_84 = tpu.memref_slice %arg2[%mul3A_8, %dma_wait3A_83] : memref<320000x128xf32, #tpu.memory_space<hbm>> -> memref<80x128xf32, #tpu.memory_space<hbm>>
      %dma_wait3A_85 = arith.constant 0 : i32
      %dma_wait3A_86 = tpu.memref_slice %arg2[%mul3A_8, %dma_wait3A_85] : memref<320000x128xf32, #tpu.memory_space<hbm>> -> memref<80x128xf32, #tpu.memory_space<hbm>>
      tpu.wait_dma2 semaphore(%arg13 : memref<!tpu.dma_semaphore, #tpu.memory_space<semaphore_mem>>) src(%dma_wait3A_86 : memref<80x128xf32, #tpu.memory_space<hbm>>) dst(%arg9 : memref<80x128xf32, #tpu.memory_space<vmem>>)
      "tpu.region"() ({
        %run_scoped3A_98 = tpu.sem_alloc : memref<!tpu.dma_semaphore, #tpu.memory_space<semaphore_mem>>
        %dma_start3A_99 = arith.constant 0 : i32
        %dma_start3A_100 = tpu.memref_slice %arg6[%add3A_82, %dma_start3A_99] : memref<125x80xi32, #tpu.memory_space<vmem>> -> memref<1x80xi32, #tpu.memory_space<vmem>>
        %dma_start3A_101 = tpu.memref_squeeze %dma_start3A_100 : memref<1x80xi32, #tpu.memory_space<vmem>> -> memref<80xi32, #tpu.memory_space<vmem>>
        %dma_start3A_102 = arith.constant 0 : i32
        %dma_start3A_103 = arith.constant 0 : i32
        %dma_start3A_104 = tpu.memref_slice %arg10[%dma_start3A_102, %dma_start3A_103] : memref<10000x128xf32, #tpu.memory_space<vmem_shared>> -> memref<10000x128xf32, #tpu.memory_space<vmem_shared>>
        tpu.enqueue_indirect_dma source(%arg9 : memref<80x128xf32, #tpu.memory_space<vmem>>) target(%dma_start3A_104 : memref<10000x128xf32, #tpu.memory_space<vmem_shared>>) offsets(%dma_start3A_101 : memref<80xi32, #tpu.memory_space<vmem>>) semaphore(%run_scoped3A_98 : memref<!tpu.dma_semaphore, #tpu.memory_space<semaphore_mem>>) {add = true}
        %dma_wait3A_105 = arith.constant 0 : i32
        %dma_wait3A_106 = tpu.memref_slice %arg6[%add3A_82, %dma_wait3A_105] : memref<125x80xi32, #tpu.memory_space<vmem>> -> memref<1x80xi32, #tpu.memory_space<vmem>>
        %dma_wait3A_107 = tpu.memref_squeeze %dma_wait3A_106 : memref<1x80xi32, #tpu.memory_space<vmem>> -> memref<80xi32, #tpu.memory_space<vmem>>
        %dma_wait3A_108 = arith.constant 0 : i32
        %dma_wait3A_109 = arith.constant 0 : i32
        %dma_wait3A_110 = tpu.memref_slice %arg10[%dma_wait3A_108, %dma_wait3A_109] : memref<10000x128xf32, #tpu.memory_space<vmem_shared>> -> memref<10000x128xf32, #tpu.memory_space<vmem_shared>>
        tpu.wait_indirect_dma semaphore(%run_scoped3A_98 : memref<!tpu.dma_semaphore, #tpu.memory_space<semaphore_mem>>) src(%arg9 : memref<80x128xf32, #tpu.memory_space<vmem>>) dst(%dma_wait3A_110 : memref<10000x128xf32, #tpu.memory_space<vmem_shared>>)
        tpu.yield
      }) : () -> ()
      %add3A_87 = arith.constant 2 : i32
      %add3A_88 = arith.addi %mul3A_46, %add3A_87 : i32
      %add3A_89 = arith.constant 2 : i32
      %add3A_90 = arith.addi %add3A_88, %add3A_89 : i32
      %mul3A_91 = arith.constant 80 : i32
      %mul3A_92 = arith.muli %add3A_90, %mul3A_91 : i32
      %add3A_93 = arith.addi %mul3A_8, %mul3A_92 : i32
      %dma_start3A_94 = arith.constant 0 : i32
      %dma_start3A_95 = tpu.memref_slice %arg2[%add3A_93, %dma_start3A_94] : memref<320000x128xf32, #tpu.memory_space<hbm>> -> memref<80x128xf32, #tpu.memory_space<hbm>>
      %dma_start3A_96 = arith.constant 0 : i32
      %dma_start3A_97 = tpu.memref_slice %arg2[%add3A_93, %dma_start3A_96] : memref<320000x128xf32, #tpu.memory_space<hbm>> -> memref<80x128xf32, #tpu.memory_space<hbm>>
      tpu.enqueue_dma source(%dma_start3A_97 : memref<80x128xf32, #tpu.memory_space<hbm>>) target(%arg8 : memref<80x128xf32, #tpu.memory_space<vmem>>) target_semaphore(%arg12 : memref<!tpu.dma_semaphore, #tpu.memory_space<semaphore_mem>>)
    }
    %scan3A_24 = arith.constant 41 : i32
    %dma_wait3A = arith.constant 0 : i32
    %dma_wait3A_25 = tpu.memref_slice %arg2[%mul3A_8, %dma_wait3A] : memref<320000x128xf32, #tpu.memory_space<hbm>> -> memref<80x128xf32, #tpu.memory_space<hbm>>
    %dma_wait3A_26 = arith.constant 0 : i32
    %dma_wait3A_27 = tpu.memref_slice %arg2[%mul3A_8, %dma_wait3A_26] : memref<320000x128xf32, #tpu.memory_space<hbm>> -> memref<80x128xf32, #tpu.memory_space<hbm>>
    tpu.wait_dma2 semaphore(%arg11 : memref<!tpu.dma_semaphore, #tpu.memory_space<semaphore_mem>>) src(%dma_wait3A_27 : memref<80x128xf32, #tpu.memory_space<hbm>>) dst(%arg7 : memref<80x128xf32, #tpu.memory_space<vmem>>)
    %run_scoped3A = arith.constant 123 : i32
    "tpu.region"() ({
      %run_scoped3A_44 = tpu.sem_alloc : memref<!tpu.dma_semaphore, #tpu.memory_space<semaphore_mem>>
      %dma_start3A_45 = arith.constant 0 : i32
      %dma_start3A_46 = tpu.memref_slice %arg6[%run_scoped3A, %dma_start3A_45] : memref<125x80xi32, #tpu.memory_space<vmem>> -> memref<1x80xi32, #tpu.memory_space<vmem>>
      %dma_start3A_47 = tpu.memref_squeeze %dma_start3A_46 : memref<1x80xi32, #tpu.memory_space<vmem>> -> memref<80xi32, #tpu.memory_space<vmem>>
      %dma_start3A_48 = arith.constant 0 : i32
      %dma_start3A_49 = arith.constant 0 : i32
      %dma_start3A_50 = tpu.memref_slice %arg10[%dma_start3A_48, %dma_start3A_49] : memref<10000x128xf32, #tpu.memory_space<vmem_shared>> -> memref<10000x128xf32, #tpu.memory_space<vmem_shared>>
      tpu.enqueue_indirect_dma source(%arg7 : memref<80x128xf32, #tpu.memory_space<vmem>>) target(%dma_start3A_50 : memref<10000x128xf32, #tpu.memory_space<vmem_shared>>) offsets(%dma_start3A_47 : memref<80xi32, #tpu.memory_space<vmem>>) semaphore(%run_scoped3A_44 : memref<!tpu.dma_semaphore, #tpu.memory_space<semaphore_mem>>) {add = true}
      %dma_wait3A_51 = arith.constant 0 : i32
      %dma_wait3A_52 = tpu.memref_slice %arg6[%run_scoped3A, %dma_wait3A_51] : memref<125x80xi32, #tpu.memory_space<vmem>> -> memref<1x80xi32, #tpu.memory_space<vmem>>
      %dma_wait3A_53 = tpu.memref_squeeze %dma_wait3A_52 : memref<1x80xi32, #tpu.memory_space<vmem>> -> memref<80xi32, #tpu.memory_space<vmem>>
      %dma_wait3A_54 = arith.constant 0 : i32
      %dma_wait3A_55 = arith.constant 0 : i32
      %dma_wait3A_56 = tpu.memref_slice %arg10[%dma_wait3A_54, %dma_wait3A_55] : memref<10000x128xf32, #tpu.memory_space<vmem_shared>> -> memref<10000x128xf32, #tpu.memory_space<vmem_shared>>
      tpu.wait_indirect_dma semaphore(%run_scoped3A_44 : memref<!tpu.dma_semaphore, #tpu.memory_space<semaphore_mem>>) src(%arg7 : memref<80x128xf32, #tpu.memory_space<vmem>>) dst(%dma_wait3A_56 : memref<10000x128xf32, #tpu.memory_space<vmem_shared>>)
      tpu.yield
    }) : () -> ()
    %dma_wait3A_28 = arith.constant 0 : i32
    %dma_wait3A_29 = tpu.memref_slice %arg2[%mul3A_8, %dma_wait3A_28] : memref<320000x128xf32, #tpu.memory_space<hbm>> -> memref<80x128xf32, #tpu.memory_space<hbm>>
    %dma_wait3A_30 = arith.constant 0 : i32
    %dma_wait3A_31 = tpu.memref_slice %arg2[%mul3A_8, %dma_wait3A_30] : memref<320000x128xf32, #tpu.memory_space<hbm>> -> memref<80x128xf32, #tpu.memory_space<hbm>>
    tpu.wait_dma2 semaphore(%arg12 : memref<!tpu.dma_semaphore, #tpu.memory_space<semaphore_mem>>) src(%dma_wait3A_31 : memref<80x128xf32, #tpu.memory_space<hbm>>) dst(%arg8 : memref<80x128xf32, #tpu.memory_space<vmem>>)
    %run_scoped3A_32 = arith.constant 124 : i32
    "tpu.region"() ({
      %run_scoped3A_44 = tpu.sem_alloc : memref<!tpu.dma_semaphore, #tpu.memory_space<semaphore_mem>>
      %dma_start3A_45 = arith.constant 0 : i32
      %dma_start3A_46 = tpu.memref_slice %arg6[%run_scoped3A_32, %dma_start3A_45] : memref<125x80xi32, #tpu.memory_space<vmem>> -> memref<1x80xi32, #tpu.memory_space<vmem>>
      %dma_start3A_47 = tpu.memref_squeeze %dma_start3A_46 : memref<1x80xi32, #tpu.memory_space<vmem>> -> memref<80xi32, #tpu.memory_space<vmem>>
      %dma_start3A_48 = arith.constant 0 : i32
      %dma_start3A_49 = arith.constant 0 : i32
      %dma_start3A_50 = tpu.memref_slice %arg10[%dma_start3A_48, %dma_start3A_49] : memref<10000x128xf32, #tpu.memory_space<vmem_shared>> -> memref<10000x128xf32, #tpu.memory_space<vmem_shared>>
      tpu.enqueue_indirect_dma source(%arg8 : memref<80x128xf32, #tpu.memory_space<vmem>>) target(%dma_start3A_50 : memref<10000x128xf32, #tpu.memory_space<vmem_shared>>) offsets(%dma_start3A_47 : memref<80xi32, #tpu.memory_space<vmem>>) semaphore(%run_scoped3A_44 : memref<!tpu.dma_semaphore, #tpu.memory_space<semaphore_mem>>) {add = true}
      %dma_wait3A_51 = arith.constant 0 : i32
      %dma_wait3A_52 = tpu.memref_slice %arg6[%run_scoped3A_32, %dma_wait3A_51] : memref<125x80xi32, #tpu.memory_space<vmem>> -> memref<1x80xi32, #tpu.memory_space<vmem>>
      %dma_wait3A_53 = tpu.memref_squeeze %dma_wait3A_52 : memref<1x80xi32, #tpu.memory_space<vmem>> -> memref<80xi32, #tpu.memory_space<vmem>>
      %dma_wait3A_54 = arith.constant 0 : i32
      %dma_wait3A_55 = arith.constant 0 : i32
      %dma_wait3A_56 = tpu.memref_slice %arg10[%dma_wait3A_54, %dma_wait3A_55] : memref<10000x128xf32, #tpu.memory_space<vmem_shared>> -> memref<10000x128xf32, #tpu.memory_space<vmem_shared>>
      tpu.wait_indirect_dma semaphore(%run_scoped3A_44 : memref<!tpu.dma_semaphore, #tpu.memory_space<semaphore_mem>>) src(%arg8 : memref<80x128xf32, #tpu.memory_space<vmem>>) dst(%dma_wait3A_56 : memref<10000x128xf32, #tpu.memory_space<vmem_shared>>)
      tpu.yield
    }) : () -> ()
    %barrier3A_33 = arith.constant 0 : index
    tpu.barrier barrier_id(%barrier3A_33)
    %lt3A_34 = arith.constant 15 : i32
    %lt3A_35 = arith.cmpi slt, %arg1, %lt3A_34 : i32
    %convert_element_type3A_36 = arith.extui %lt3A_35 : i1 to i32
    %cond3A_37 = arith.constant 0 : i32
    %cond3A_38 = arith.cmpi ne, %convert_element_type3A_36, %cond3A_37 : i32
    scf.if %cond3A_38 {
      %mul3A_44 = arith.constant 632 : i32
      %mul3A_45 = arith.muli %arg1, %mul3A_44 : i32
      %mul3A_46 = arith.constant 632 : i32
      %mul3A_47 = arith.muli %arg1, %mul3A_46 : i32
      "tpu.region"() ({
        %run_scoped3A_48 = tpu.sem_alloc : memref<!tpu.dma_semaphore, #tpu.memory_space<semaphore_mem>>
        %dma_start3A_49 = arith.constant 0 : i32
        %dma_start3A_50 = tpu.memref_slice %arg5[%arg0, %mul3A_47, %dma_start3A_49] : memref<2x10000x128xf32, #tpu.memory_space<hbm>> -> memref<1x632x128xf32, #tpu.memory_space<hbm>>
        %dma_start3A_51 = tpu.memref_squeeze %dma_start3A_50 : memref<1x632x128xf32, #tpu.memory_space<hbm>> -> memref<632x128xf32, #tpu.memory_space<hbm>>
        %dma_start3A_52 = arith.constant 0 : i32
        %dma_start3A_53 = tpu.memref_slice %arg10[%mul3A_45, %dma_start3A_52] : memref<10000x128xf32, #tpu.memory_space<vmem_shared>> -> memref<632x128xf32, #tpu.memory_space<vmem_shared>>
        tpu.enqueue_dma source(%dma_start3A_53 : memref<632x128xf32, #tpu.memory_space<vmem_shared>>) target(%dma_start3A_51 : memref<632x128xf32, #tpu.memory_space<hbm>>) target_semaphore(%run_scoped3A_48 : memref<!tpu.dma_semaphore, #tpu.memory_space<semaphore_mem>>)
        %dma_wait3A_54 = arith.constant 0 : i32
        %dma_wait3A_55 = tpu.memref_slice %arg5[%arg0, %mul3A_47, %dma_wait3A_54] : memref<2x10000x128xf32, #tpu.memory_space<hbm>> -> memref<1x632x128xf32, #tpu.memory_space<hbm>>
        %dma_wait3A_56 = tpu.memref_squeeze %dma_wait3A_55 : memref<1x632x128xf32, #tpu.memory_space<hbm>> -> memref<632x128xf32, #tpu.memory_space<hbm>>
        %dma_wait3A_57 = arith.constant 0 : i32
        %dma_wait3A_58 = tpu.memref_slice %arg10[%mul3A_45, %dma_wait3A_57] : memref<10000x128xf32, #tpu.memory_space<vmem_shared>> -> memref<632x128xf32, #tpu.memory_space<vmem_shared>>
        tpu.wait_dma2 semaphore(%run_scoped3A_48 : memref<!tpu.dma_semaphore, #tpu.memory_space<semaphore_mem>>) src(%dma_wait3A_58 : memref<632x128xf32, #tpu.memory_space<vmem_shared>>) dst(%dma_wait3A_56 : memref<632x128xf32, #tpu.memory_space<hbm>>)
        tpu.yield
      }) : () -> ()
    } else {
    }
    %eq3A_39 = arith.constant 15 : i32
    %eq3A_40 = arith.cmpi eq, %arg1, %eq3A_39 : i32
    %convert_element_type3A_41 = arith.extui %eq3A_40 : i1 to i32
    %cond3A_42 = arith.constant 0 : i32
    %cond3A_43 = arith.cmpi ne, %convert_element_type3A_41, %cond3A_42 : i32
    scf.if %cond3A_43 {
      "tpu.region"() ({
        %run_scoped3A_44 = tpu.sem_alloc : memref<!tpu.dma_semaphore, #tpu.memory_space<semaphore_mem>>
        %dma_start3A_45 = arith.constant 9480 : i32
        %dma_start3A_46 = arith.constant 0 : i32
        %dma_start3A_47 = tpu.memref_slice %arg5[%arg0, %dma_start3A_45, %dma_start3A_46] : memref<2x10000x128xf32, #tpu.memory_space<hbm>> -> memref<1x520x128xf32, #tpu.memory_space<hbm>>
        %dma_start3A_48 = tpu.memref_squeeze %dma_start3A_47 : memref<1x520x128xf32, #tpu.memory_space<hbm>> -> memref<520x128xf32, #tpu.memory_space<hbm>>
        %dma_start3A_49 = arith.constant 9480 : i32
        %dma_start3A_50 = arith.constant 0 : i32
        %dma_start3A_51 = tpu.memref_slice %arg10[%dma_start3A_49, %dma_start3A_50] : memref<10000x128xf32, #tpu.memory_space<vmem_shared>> -> memref<520x128xf32, #tpu.memory_space<vmem_shared>>
        tpu.enqueue_dma source(%dma_start3A_51 : memref<520x128xf32, #tpu.memory_space<vmem_shared>>) target(%dma_start3A_48 : memref<520x128xf32, #tpu.memory_space<hbm>>) target_semaphore(%run_scoped3A_44 : memref<!tpu.dma_semaphore, #tpu.memory_space<semaphore_mem>>)
        %dma_wait3A_52 = arith.constant 9480 : i32
        %dma_wait3A_53 = arith.constant 0 : i32
        %dma_wait3A_54 = tpu.memref_slice %arg5[%arg0, %dma_wait3A_52, %dma_wait3A_53] : memref<2x10000x128xf32, #tpu.memory_space<hbm>> -> memref<1x520x128xf32, #tpu.memory_space<hbm>>
        %dma_wait3A_55 = tpu.memref_squeeze %dma_wait3A_54 : memref<1x520x128xf32, #tpu.memory_space<hbm>> -> memref<520x128xf32, #tpu.memory_space<hbm>>
        %dma_wait3A_56 = arith.constant 9480 : i32
        %dma_wait3A_57 = arith.constant 0 : i32
        %dma_wait3A_58 = tpu.memref_slice %arg10[%dma_wait3A_56, %dma_wait3A_57] : memref<10000x128xf32, #tpu.memory_space<vmem_shared>> -> memref<520x128xf32, #tpu.memory_space<vmem_shared>>
        tpu.wait_dma2 semaphore(%run_scoped3A_44 : memref<!tpu.dma_semaphore, #tpu.memory_space<semaphore_mem>>) src(%dma_wait3A_58 : memref<520x128xf32, #tpu.memory_space<vmem_shared>>) dst(%dma_wait3A_55 : memref<520x128xf32, #tpu.memory_space<hbm>>)
        tpu.yield
      }) : () -> ()
    } else {
    }
    return
  }
}

#map = affine_map<(d0, d1) -> (0, 0)>
#map1 = affine_map<(d0, d1) -> (0)>
#map2 = affine_map<(d0, d1) -> (0, 0, 0)>
module attributes {stable_mosaic.version = 14 : i64} {
  func.func @_sc_gather_scatter_body(%arg0: i32, %arg1: i32, %arg2: memref<10000x128xf32, #tpu.memory_space<hbm>>, %arg3: memref<320000xi32, #tpu.memory_space<hbm>>, %arg4: memref<32x125x80xi32, #tpu.memory_space<hbm>>, %arg5: memref<10000x128xf32, #tpu.memory_space<hbm>>, %arg6: memref<2x10000x128xf32, #tpu.memory_space<hbm>>, %arg7: memref<80xi32, #tpu.memory_space<vmem>>, %arg8: memref<80xi32, #tpu.memory_space<vmem>>, %arg9: memref<80xi32, #tpu.memory_space<vmem>>, %arg10: memref<125x80xi32, #tpu.memory_space<vmem>>, %arg11: memref<80x128xf32, #tpu.memory_space<vmem>>, %arg12: memref<80x128xf32, #tpu.memory_space<vmem>>, %arg13: memref<80x128xf32, #tpu.memory_space<vmem>>, %arg14: memref<10000x128xf32, #tpu.memory_space<vmem_shared>>, %arg15: memref<!tpu.dma_semaphore, #tpu.memory_space<semaphore_mem>>, %arg16: memref<!tpu.dma_semaphore, #tpu.memory_space<semaphore_mem>>, %arg17: memref<!tpu.dma_semaphore, #tpu.memory_space<semaphore_mem>>) attributes {dimension_semantics = [#tpu.dimension_semantics<core_parallel>, #tpu.dimension_semantics<subcore_parallel>], iteration_bounds = array<i64: 2, 16>, scalar_prefetch = 0 : i64, scratch_operands = 11 : i64, tpu.core_type = #tpu.core_type<sc_vector_subcore>, window_params = [{transform_indices = #map}, {transform_indices = #map1}, {transform_indices = #map2}, {transform_indices = #map}, {transform_indices = #map2}]} {
    %mul3A = arith.constant 16 : i32
    %mul3A_0 = arith.muli %arg0, %mul3A : i32
    %add3A = arith.addi %mul3A_0, %arg1 : i32
    %lt3A = arith.constant 15 : i32
    %lt3A_1 = arith.cmpi slt, %arg1, %lt3A : i32
    %convert_element_type3A = arith.extui %lt3A_1 : i1 to i32
    %cond3A = arith.constant 0 : i32
    %cond3A_2 = arith.cmpi ne, %convert_element_type3A, %cond3A : i32
    scf.if %cond3A_2 {
      %mul3A_40 = arith.constant 632 : i32
      %mul3A_41 = arith.muli %arg1, %mul3A_40 : i32
      %mul3A_42 = arith.constant 632 : i32
      %mul3A_43 = arith.muli %arg1, %mul3A_42 : i32
      "tpu.region"() ({
        %run_scoped3A_44 = tpu.sem_alloc : memref<!tpu.dma_semaphore, #tpu.memory_space<semaphore_mem>>
        %dma_start3A_45 = arith.constant 0 : i32
        %dma_start3A_46 = tpu.memref_slice %arg14[%mul3A_43, %dma_start3A_45] : memref<10000x128xf32, #tpu.memory_space<vmem_shared>> -> memref<632x128xf32, #tpu.memory_space<vmem_shared>>
        %dma_start3A_47 = arith.constant 0 : i32
        %dma_start3A_48 = tpu.memref_slice %arg5[%mul3A_41, %dma_start3A_47] : memref<10000x128xf32, #tpu.memory_space<hbm>> -> memref<632x128xf32, #tpu.memory_space<hbm>>
        tpu.enqueue_dma source(%dma_start3A_48 : memref<632x128xf32, #tpu.memory_space<hbm>>) target(%dma_start3A_46 : memref<632x128xf32, #tpu.memory_space<vmem_shared>>) target_semaphore(%run_scoped3A_44 : memref<!tpu.dma_semaphore, #tpu.memory_space<semaphore_mem>>)
        %dma_wait3A_49 = arith.constant 0 : i32
        %dma_wait3A_50 = tpu.memref_slice %arg14[%mul3A_43, %dma_wait3A_49] : memref<10000x128xf32, #tpu.memory_space<vmem_shared>> -> memref<632x128xf32, #tpu.memory_space<vmem_shared>>
        %dma_wait3A_51 = arith.constant 0 : i32
        %dma_wait3A_52 = tpu.memref_slice %arg5[%mul3A_41, %dma_wait3A_51] : memref<10000x128xf32, #tpu.memory_space<hbm>> -> memref<632x128xf32, #tpu.memory_space<hbm>>
        tpu.wait_dma2 semaphore(%run_scoped3A_44 : memref<!tpu.dma_semaphore, #tpu.memory_space<semaphore_mem>>) src(%dma_wait3A_52 : memref<632x128xf32, #tpu.memory_space<hbm>>) dst(%dma_wait3A_50 : memref<632x128xf32, #tpu.memory_space<vmem_shared>>)
        tpu.yield
      }) : () -> ()
    } else {
    }
    %eq3A = arith.constant 15 : i32
    %eq3A_3 = arith.cmpi eq, %arg1, %eq3A : i32
    %convert_element_type3A_4 = arith.extui %eq3A_3 : i1 to i32
    %cond3A_5 = arith.constant 0 : i32
    %cond3A_6 = arith.cmpi ne, %convert_element_type3A_4, %cond3A_5 : i32
    scf.if %cond3A_6 {
      "tpu.region"() ({
        %run_scoped3A_40 = tpu.sem_alloc : memref<!tpu.dma_semaphore, #tpu.memory_space<semaphore_mem>>
        %dma_start3A_41 = arith.constant 9480 : i32
        %dma_start3A_42 = arith.constant 0 : i32
        %dma_start3A_43 = tpu.memref_slice %arg14[%dma_start3A_41, %dma_start3A_42] : memref<10000x128xf32, #tpu.memory_space<vmem_shared>> -> memref<520x128xf32, #tpu.memory_space<vmem_shared>>
        %dma_start3A_44 = arith.constant 9480 : i32
        %dma_start3A_45 = arith.constant 0 : i32
        %dma_start3A_46 = tpu.memref_slice %arg5[%dma_start3A_44, %dma_start3A_45] : memref<10000x128xf32, #tpu.memory_space<hbm>> -> memref<520x128xf32, #tpu.memory_space<hbm>>
        tpu.enqueue_dma source(%dma_start3A_46 : memref<520x128xf32, #tpu.memory_space<hbm>>) target(%dma_start3A_43 : memref<520x128xf32, #tpu.memory_space<vmem_shared>>) target_semaphore(%run_scoped3A_40 : memref<!tpu.dma_semaphore, #tpu.memory_space<semaphore_mem>>)
        %dma_wait3A_47 = arith.constant 9480 : i32
        %dma_wait3A_48 = arith.constant 0 : i32
        %dma_wait3A_49 = tpu.memref_slice %arg14[%dma_wait3A_47, %dma_wait3A_48] : memref<10000x128xf32, #tpu.memory_space<vmem_shared>> -> memref<520x128xf32, #tpu.memory_space<vmem_shared>>
        %dma_wait3A_50 = arith.constant 9480 : i32
        %dma_wait3A_51 = arith.constant 0 : i32
        %dma_wait3A_52 = tpu.memref_slice %arg5[%dma_wait3A_50, %dma_wait3A_51] : memref<10000x128xf32, #tpu.memory_space<hbm>> -> memref<520x128xf32, #tpu.memory_space<hbm>>
        tpu.wait_dma2 semaphore(%run_scoped3A_40 : memref<!tpu.dma_semaphore, #tpu.memory_space<semaphore_mem>>) src(%dma_wait3A_52 : memref<520x128xf32, #tpu.memory_space<hbm>>) dst(%dma_wait3A_49 : memref<520x128xf32, #tpu.memory_space<vmem_shared>>)
        tpu.yield
      }) : () -> ()
    } else {
    }
    "tpu.region"() ({
      %run_scoped3A_40 = tpu.sem_alloc : memref<!tpu.dma_semaphore, #tpu.memory_space<semaphore_mem>>
      %dma_start3A_41 = arith.constant 0 : i32
      %dma_start3A_42 = arith.constant 0 : i32
      %dma_start3A_43 = tpu.memref_slice %arg4[%add3A, %dma_start3A_41, %dma_start3A_42] : memref<32x125x80xi32, #tpu.memory_space<hbm>> -> memref<1x125x80xi32, #tpu.memory_space<hbm>>
      %dma_start3A_44 = tpu.memref_squeeze %dma_start3A_43 : memref<1x125x80xi32, #tpu.memory_space<hbm>> -> memref<125x80xi32, #tpu.memory_space<hbm>>
      %dma_start3A_45 = arith.constant 0 : i32
      %dma_start3A_46 = arith.constant 0 : i32
      %dma_start3A_47 = tpu.memref_slice %arg4[%add3A, %dma_start3A_45, %dma_start3A_46] : memref<32x125x80xi32, #tpu.memory_space<hbm>> -> memref<1x125x80xi32, #tpu.memory_space<hbm>>
      %dma_start3A_48 = tpu.memref_squeeze %dma_start3A_47 : memref<1x125x80xi32, #tpu.memory_space<hbm>> -> memref<125x80xi32, #tpu.memory_space<hbm>>
      tpu.enqueue_dma source(%dma_start3A_48 : memref<125x80xi32, #tpu.memory_space<hbm>>) target(%arg10 : memref<125x80xi32, #tpu.memory_space<vmem>>) target_semaphore(%run_scoped3A_40 : memref<!tpu.dma_semaphore, #tpu.memory_space<semaphore_mem>>)
      %dma_wait3A_49 = arith.constant 0 : i32
      %dma_wait3A_50 = arith.constant 0 : i32
      %dma_wait3A_51 = tpu.memref_slice %arg4[%add3A, %dma_wait3A_49, %dma_wait3A_50] : memref<32x125x80xi32, #tpu.memory_space<hbm>> -> memref<1x125x80xi32, #tpu.memory_space<hbm>>
      %dma_wait3A_52 = tpu.memref_squeeze %dma_wait3A_51 : memref<1x125x80xi32, #tpu.memory_space<hbm>> -> memref<125x80xi32, #tpu.memory_space<hbm>>
      %dma_wait3A_53 = arith.constant 0 : i32
      %dma_wait3A_54 = arith.constant 0 : i32
      %dma_wait3A_55 = tpu.memref_slice %arg4[%add3A, %dma_wait3A_53, %dma_wait3A_54] : memref<32x125x80xi32, #tpu.memory_space<hbm>> -> memref<1x125x80xi32, #tpu.memory_space<hbm>>
      %dma_wait3A_56 = tpu.memref_squeeze %dma_wait3A_55 : memref<1x125x80xi32, #tpu.memory_space<hbm>> -> memref<125x80xi32, #tpu.memory_space<hbm>>
      tpu.wait_dma2 semaphore(%run_scoped3A_40 : memref<!tpu.dma_semaphore, #tpu.memory_space<semaphore_mem>>) src(%dma_wait3A_56 : memref<125x80xi32, #tpu.memory_space<hbm>>) dst(%arg10 : memref<125x80xi32, #tpu.memory_space<vmem>>)
      tpu.yield
    }) : () -> ()
    %barrier3A = arith.constant 0 : index
    tpu.barrier barrier_id(%barrier3A)
    %mul3A_7 = arith.constant 10000 : i32
    %mul3A_8 = arith.muli %add3A, %mul3A_7 : i32
    %add3A_9 = arith.constant 0 : i32
    %add3A_10 = arith.addi %mul3A_8, %add3A_9 : i32
    "tpu.region"() ({
      %run_scoped3A_40 = tpu.sem_alloc : memref<!tpu.dma_semaphore, #tpu.memory_space<semaphore_mem>>
      %dma_start3A_41 = tpu.memref_slice %arg3[%add3A_10] : memref<320000xi32, #tpu.memory_space<hbm>> -> memref<80xi32, #tpu.memory_space<hbm>>
      %dma_start3A_42 = tpu.memref_slice %arg3[%add3A_10] : memref<320000xi32, #tpu.memory_space<hbm>> -> memref<80xi32, #tpu.memory_space<hbm>>
      tpu.enqueue_dma source(%dma_start3A_42 : memref<80xi32, #tpu.memory_space<hbm>>) target(%arg7 : memref<80xi32, #tpu.memory_space<vmem>>) target_semaphore(%run_scoped3A_40 : memref<!tpu.dma_semaphore, #tpu.memory_space<semaphore_mem>>)
      %dma_wait3A_43 = tpu.memref_slice %arg3[%add3A_10] : memref<320000xi32, #tpu.memory_space<hbm>> -> memref<80xi32, #tpu.memory_space<hbm>>
      %dma_wait3A_44 = tpu.memref_slice %arg3[%add3A_10] : memref<320000xi32, #tpu.memory_space<hbm>> -> memref<80xi32, #tpu.memory_space<hbm>>
      tpu.wait_dma2 semaphore(%run_scoped3A_40 : memref<!tpu.dma_semaphore, #tpu.memory_space<semaphore_mem>>) src(%dma_wait3A_44 : memref<80xi32, #tpu.memory_space<hbm>>) dst(%arg7 : memref<80xi32, #tpu.memory_space<vmem>>)
      tpu.yield
    }) : () -> ()
    %dma_start3A = arith.constant 0 : i32
    %dma_start3A_11 = arith.constant 0 : i32
    %dma_start3A_12 = tpu.memref_slice %arg2[%dma_start3A, %dma_start3A_11] : memref<10000x128xf32, #tpu.memory_space<hbm>> -> memref<10000x128xf32, #tpu.memory_space<hbm>>
    tpu.enqueue_indirect_dma source(%dma_start3A_12 : memref<10000x128xf32, #tpu.memory_space<hbm>>) target(%arg11 : memref<80x128xf32, #tpu.memory_space<vmem>>) offsets(%arg7 : memref<80xi32, #tpu.memory_space<vmem>>) semaphore(%arg15 : memref<!tpu.dma_semaphore, #tpu.memory_space<semaphore_mem>>)
    %add3A_13 = arith.constant 80 : i32
    %add3A_14 = arith.addi %mul3A_8, %add3A_13 : i32
    "tpu.region"() ({
      %run_scoped3A_40 = tpu.sem_alloc : memref<!tpu.dma_semaphore, #tpu.memory_space<semaphore_mem>>
      %dma_start3A_41 = tpu.memref_slice %arg3[%add3A_14] : memref<320000xi32, #tpu.memory_space<hbm>> -> memref<80xi32, #tpu.memory_space<hbm>>
      %dma_start3A_42 = tpu.memref_slice %arg3[%add3A_14] : memref<320000xi32, #tpu.memory_space<hbm>> -> memref<80xi32, #tpu.memory_space<hbm>>
      tpu.enqueue_dma source(%dma_start3A_42 : memref<80xi32, #tpu.memory_space<hbm>>) target(%arg8 : memref<80xi32, #tpu.memory_space<vmem>>) target_semaphore(%run_scoped3A_40 : memref<!tpu.dma_semaphore, #tpu.memory_space<semaphore_mem>>)
      %dma_wait3A_43 = tpu.memref_slice %arg3[%add3A_14] : memref<320000xi32, #tpu.memory_space<hbm>> -> memref<80xi32, #tpu.memory_space<hbm>>
      %dma_wait3A_44 = tpu.memref_slice %arg3[%add3A_14] : memref<320000xi32, #tpu.memory_space<hbm>> -> memref<80xi32, #tpu.memory_space<hbm>>
      tpu.wait_dma2 semaphore(%run_scoped3A_40 : memref<!tpu.dma_semaphore, #tpu.memory_space<semaphore_mem>>) src(%dma_wait3A_44 : memref<80xi32, #tpu.memory_space<hbm>>) dst(%arg8 : memref<80xi32, #tpu.memory_space<vmem>>)
      tpu.yield
    }) : () -> ()
    %dma_start3A_15 = arith.constant 0 : i32
    %dma_start3A_16 = arith.constant 0 : i32
    %dma_start3A_17 = tpu.memref_slice %arg2[%dma_start3A_15, %dma_start3A_16] : memref<10000x128xf32, #tpu.memory_space<hbm>> -> memref<10000x128xf32, #tpu.memory_space<hbm>>
    tpu.enqueue_indirect_dma source(%dma_start3A_17 : memref<10000x128xf32, #tpu.memory_space<hbm>>) target(%arg12 : memref<80x128xf32, #tpu.memory_space<vmem>>) offsets(%arg8 : memref<80xi32, #tpu.memory_space<vmem>>) semaphore(%arg16 : memref<!tpu.dma_semaphore, #tpu.memory_space<semaphore_mem>>)
    %scan3A = arith.constant 0 : i32
    %scan3A_18 = arith.constant 0 : i32
    %scan3A_19 = arith.constant 41 : i32
    %scan3A_20 = arith.addi %scan3A_18, %scan3A_19 : i32
    %scan3A_21 = arith.constant 1 : i32
    scf.for %scan3A_40 = %scan3A_18 to %scan3A_20 step %scan3A_21  : i32 {
      %mul3A_41 = arith.constant 3 : i32
      %mul3A_42 = arith.muli %scan3A_40, %mul3A_41 : i32
      %add3A_43 = arith.constant 0 : i32
      %add3A_44 = arith.addi %mul3A_42, %add3A_43 : i32
      %dma_wait3A_45 = arith.constant 0 : i32
      %dma_wait3A_46 = arith.constant 0 : i32
      %dma_wait3A_47 = tpu.memref_slice %arg2[%dma_wait3A_45, %dma_wait3A_46] : memref<10000x128xf32, #tpu.memory_space<hbm>> -> memref<10000x128xf32, #tpu.memory_space<hbm>>
      tpu.wait_indirect_dma semaphore(%arg15 : memref<!tpu.dma_semaphore, #tpu.memory_space<semaphore_mem>>) src(%dma_wait3A_47 : memref<10000x128xf32, #tpu.memory_space<hbm>>) dst(%arg11 : memref<80x128xf32, #tpu.memory_space<vmem>>)
      "tpu.region"() ({
        %run_scoped3A_88 = tpu.sem_alloc : memref<!tpu.dma_semaphore, #tpu.memory_space<semaphore_mem>>
        %dma_start3A_89 = arith.constant 0 : i32
        %dma_start3A_90 = tpu.memref_slice %arg10[%add3A_44, %dma_start3A_89] : memref<125x80xi32, #tpu.memory_space<vmem>> -> memref<1x80xi32, #tpu.memory_space<vmem>>
        %dma_start3A_91 = tpu.memref_squeeze %dma_start3A_90 : memref<1x80xi32, #tpu.memory_space<vmem>> -> memref<80xi32, #tpu.memory_space<vmem>>
        %dma_start3A_92 = arith.constant 0 : i32
        %dma_start3A_93 = arith.constant 0 : i32
        %dma_start3A_94 = tpu.memref_slice %arg14[%dma_start3A_92, %dma_start3A_93] : memref<10000x128xf32, #tpu.memory_space<vmem_shared>> -> memref<10000x128xf32, #tpu.memory_space<vmem_shared>>
        tpu.enqueue_indirect_dma source(%arg11 : memref<80x128xf32, #tpu.memory_space<vmem>>) target(%dma_start3A_94 : memref<10000x128xf32, #tpu.memory_space<vmem_shared>>) offsets(%dma_start3A_91 : memref<80xi32, #tpu.memory_space<vmem>>) semaphore(%run_scoped3A_88 : memref<!tpu.dma_semaphore, #tpu.memory_space<semaphore_mem>>) {add = true}
        %dma_wait3A_95 = arith.constant 0 : i32
        %dma_wait3A_96 = tpu.memref_slice %arg10[%add3A_44, %dma_wait3A_95] : memref<125x80xi32, #tpu.memory_space<vmem>> -> memref<1x80xi32, #tpu.memory_space<vmem>>
        %dma_wait3A_97 = tpu.memref_squeeze %dma_wait3A_96 : memref<1x80xi32, #tpu.memory_space<vmem>> -> memref<80xi32, #tpu.memory_space<vmem>>
        %dma_wait3A_98 = arith.constant 0 : i32
        %dma_wait3A_99 = arith.constant 0 : i32
        %dma_wait3A_100 = tpu.memref_slice %arg14[%dma_wait3A_98, %dma_wait3A_99] : memref<10000x128xf32, #tpu.memory_space<vmem_shared>> -> memref<10000x128xf32, #tpu.memory_space<vmem_shared>>
        tpu.wait_indirect_dma semaphore(%run_scoped3A_88 : memref<!tpu.dma_semaphore, #tpu.memory_space<semaphore_mem>>) src(%arg11 : memref<80x128xf32, #tpu.memory_space<vmem>>) dst(%dma_wait3A_100 : memref<10000x128xf32, #tpu.memory_space<vmem_shared>>)
        tpu.yield
      }) : () -> ()
      %add3A_48 = arith.constant 0 : i32
      %add3A_49 = arith.addi %mul3A_42, %add3A_48 : i32
      %add3A_50 = arith.constant 2 : i32
      %add3A_51 = arith.addi %add3A_49, %add3A_50 : i32
      %mul3A_52 = arith.constant 80 : i32
      %mul3A_53 = arith.muli %add3A_51, %mul3A_52 : i32
      %add3A_54 = arith.addi %mul3A_8, %mul3A_53 : i32
      "tpu.region"() ({
        %run_scoped3A_88 = tpu.sem_alloc : memref<!tpu.dma_semaphore, #tpu.memory_space<semaphore_mem>>
        %dma_start3A_89 = tpu.memref_slice %arg3[%add3A_54] : memref<320000xi32, #tpu.memory_space<hbm>> -> memref<80xi32, #tpu.memory_space<hbm>>
        %dma_start3A_90 = tpu.memref_slice %arg3[%add3A_54] : memref<320000xi32, #tpu.memory_space<hbm>> -> memref<80xi32, #tpu.memory_space<hbm>>
        tpu.enqueue_dma source(%dma_start3A_90 : memref<80xi32, #tpu.memory_space<hbm>>) target(%arg9 : memref<80xi32, #tpu.memory_space<vmem>>) target_semaphore(%run_scoped3A_88 : memref<!tpu.dma_semaphore, #tpu.memory_space<semaphore_mem>>)
        %dma_wait3A_91 = tpu.memref_slice %arg3[%add3A_54] : memref<320000xi32, #tpu.memory_space<hbm>> -> memref<80xi32, #tpu.memory_space<hbm>>
        %dma_wait3A_92 = tpu.memref_slice %arg3[%add3A_54] : memref<320000xi32, #tpu.memory_space<hbm>> -> memref<80xi32, #tpu.memory_space<hbm>>
        tpu.wait_dma2 semaphore(%run_scoped3A_88 : memref<!tpu.dma_semaphore, #tpu.memory_space<semaphore_mem>>) src(%dma_wait3A_92 : memref<80xi32, #tpu.memory_space<hbm>>) dst(%arg9 : memref<80xi32, #tpu.memory_space<vmem>>)
        tpu.yield
      }) : () -> ()
      %dma_start3A_55 = arith.constant 0 : i32
      %dma_start3A_56 = arith.constant 0 : i32
      %dma_start3A_57 = tpu.memref_slice %arg2[%dma_start3A_55, %dma_start3A_56] : memref<10000x128xf32, #tpu.memory_space<hbm>> -> memref<10000x128xf32, #tpu.memory_space<hbm>>
      tpu.enqueue_indirect_dma source(%dma_start3A_57 : memref<10000x128xf32, #tpu.memory_space<hbm>>) target(%arg13 : memref<80x128xf32, #tpu.memory_space<vmem>>) offsets(%arg9 : memref<80xi32, #tpu.memory_space<vmem>>) semaphore(%arg17 : memref<!tpu.dma_semaphore, #tpu.memory_space<semaphore_mem>>)
      %add3A_58 = arith.constant 1 : i32
      %add3A_59 = arith.addi %mul3A_42, %add3A_58 : i32
      %dma_wait3A_60 = arith.constant 0 : i32
      %dma_wait3A_61 = arith.constant 0 : i32
      %dma_wait3A_62 = tpu.memref_slice %arg2[%dma_wait3A_60, %dma_wait3A_61] : memref<10000x128xf32, #tpu.memory_space<hbm>> -> memref<10000x128xf32, #tpu.memory_space<hbm>>
      tpu.wait_indirect_dma semaphore(%arg16 : memref<!tpu.dma_semaphore, #tpu.memory_space<semaphore_mem>>) src(%dma_wait3A_62 : memref<10000x128xf32, #tpu.memory_space<hbm>>) dst(%arg12 : memref<80x128xf32, #tpu.memory_space<vmem>>)
      "tpu.region"() ({
        %run_scoped3A_88 = tpu.sem_alloc : memref<!tpu.dma_semaphore, #tpu.memory_space<semaphore_mem>>
        %dma_start3A_89 = arith.constant 0 : i32
        %dma_start3A_90 = tpu.memref_slice %arg10[%add3A_59, %dma_start3A_89] : memref<125x80xi32, #tpu.memory_space<vmem>> -> memref<1x80xi32, #tpu.memory_space<vmem>>
        %dma_start3A_91 = tpu.memref_squeeze %dma_start3A_90 : memref<1x80xi32, #tpu.memory_space<vmem>> -> memref<80xi32, #tpu.memory_space<vmem>>
        %dma_start3A_92 = arith.constant 0 : i32
        %dma_start3A_93 = arith.constant 0 : i32
        %dma_start3A_94 = tpu.memref_slice %arg14[%dma_start3A_92, %dma_start3A_93] : memref<10000x128xf32, #tpu.memory_space<vmem_shared>> -> memref<10000x128xf32, #tpu.memory_space<vmem_shared>>
        tpu.enqueue_indirect_dma source(%arg12 : memref<80x128xf32, #tpu.memory_space<vmem>>) target(%dma_start3A_94 : memref<10000x128xf32, #tpu.memory_space<vmem_shared>>) offsets(%dma_start3A_91 : memref<80xi32, #tpu.memory_space<vmem>>) semaphore(%run_scoped3A_88 : memref<!tpu.dma_semaphore, #tpu.memory_space<semaphore_mem>>) {add = true}
        %dma_wait3A_95 = arith.constant 0 : i32
        %dma_wait3A_96 = tpu.memref_slice %arg10[%add3A_59, %dma_wait3A_95] : memref<125x80xi32, #tpu.memory_space<vmem>> -> memref<1x80xi32, #tpu.memory_space<vmem>>
        %dma_wait3A_97 = tpu.memref_squeeze %dma_wait3A_96 : memref<1x80xi32, #tpu.memory_space<vmem>> -> memref<80xi32, #tpu.memory_space<vmem>>
        %dma_wait3A_98 = arith.constant 0 : i32
        %dma_wait3A_99 = arith.constant 0 : i32
        %dma_wait3A_100 = tpu.memref_slice %arg14[%dma_wait3A_98, %dma_wait3A_99] : memref<10000x128xf32, #tpu.memory_space<vmem_shared>> -> memref<10000x128xf32, #tpu.memory_space<vmem_shared>>
        tpu.wait_indirect_dma semaphore(%run_scoped3A_88 : memref<!tpu.dma_semaphore, #tpu.memory_space<semaphore_mem>>) src(%arg12 : memref<80x128xf32, #tpu.memory_space<vmem>>) dst(%dma_wait3A_100 : memref<10000x128xf32, #tpu.memory_space<vmem_shared>>)
        tpu.yield
      }) : () -> ()
      %add3A_63 = arith.constant 1 : i32
      %add3A_64 = arith.addi %mul3A_42, %add3A_63 : i32
      %add3A_65 = arith.constant 2 : i32
      %add3A_66 = arith.addi %add3A_64, %add3A_65 : i32
      %mul3A_67 = arith.constant 80 : i32
      %mul3A_68 = arith.muli %add3A_66, %mul3A_67 : i32
      %add3A_69 = arith.addi %mul3A_8, %mul3A_68 : i32
      "tpu.region"() ({
        %run_scoped3A_88 = tpu.sem_alloc : memref<!tpu.dma_semaphore, #tpu.memory_space<semaphore_mem>>
        %dma_start3A_89 = tpu.memref_slice %arg3[%add3A_69] : memref<320000xi32, #tpu.memory_space<hbm>> -> memref<80xi32, #tpu.memory_space<hbm>>
        %dma_start3A_90 = tpu.memref_slice %arg3[%add3A_69] : memref<320000xi32, #tpu.memory_space<hbm>> -> memref<80xi32, #tpu.memory_space<hbm>>
        tpu.enqueue_dma source(%dma_start3A_90 : memref<80xi32, #tpu.memory_space<hbm>>) target(%arg7 : memref<80xi32, #tpu.memory_space<vmem>>) target_semaphore(%run_scoped3A_88 : memref<!tpu.dma_semaphore, #tpu.memory_space<semaphore_mem>>)
        %dma_wait3A_91 = tpu.memref_slice %arg3[%add3A_69] : memref<320000xi32, #tpu.memory_space<hbm>> -> memref<80xi32, #tpu.memory_space<hbm>>
        %dma_wait3A_92 = tpu.memref_slice %arg3[%add3A_69] : memref<320000xi32, #tpu.memory_space<hbm>> -> memref<80xi32, #tpu.memory_space<hbm>>
        tpu.wait_dma2 semaphore(%run_scoped3A_88 : memref<!tpu.dma_semaphore, #tpu.memory_space<semaphore_mem>>) src(%dma_wait3A_92 : memref<80xi32, #tpu.memory_space<hbm>>) dst(%arg7 : memref<80xi32, #tpu.memory_space<vmem>>)
        tpu.yield
      }) : () -> ()
      %dma_start3A_70 = arith.constant 0 : i32
      %dma_start3A_71 = arith.constant 0 : i32
      %dma_start3A_72 = tpu.memref_slice %arg2[%dma_start3A_70, %dma_start3A_71] : memref<10000x128xf32, #tpu.memory_space<hbm>> -> memref<10000x128xf32, #tpu.memory_space<hbm>>
      tpu.enqueue_indirect_dma source(%dma_start3A_72 : memref<10000x128xf32, #tpu.memory_space<hbm>>) target(%arg11 : memref<80x128xf32, #tpu.memory_space<vmem>>) offsets(%arg7 : memref<80xi32, #tpu.memory_space<vmem>>) semaphore(%arg15 : memref<!tpu.dma_semaphore, #tpu.memory_space<semaphore_mem>>)
      %add3A_73 = arith.constant 2 : i32
      %add3A_74 = arith.addi %mul3A_42, %add3A_73 : i32
      %dma_wait3A_75 = arith.constant 0 : i32
      %dma_wait3A_76 = arith.constant 0 : i32
      %dma_wait3A_77 = tpu.memref_slice %arg2[%dma_wait3A_75, %dma_wait3A_76] : memref<10000x128xf32, #tpu.memory_space<hbm>> -> memref<10000x128xf32, #tpu.memory_space<hbm>>
      tpu.wait_indirect_dma semaphore(%arg17 : memref<!tpu.dma_semaphore, #tpu.memory_space<semaphore_mem>>) src(%dma_wait3A_77 : memref<10000x128xf32, #tpu.memory_space<hbm>>) dst(%arg13 : memref<80x128xf32, #tpu.memory_space<vmem>>)
      "tpu.region"() ({
        %run_scoped3A_88 = tpu.sem_alloc : memref<!tpu.dma_semaphore, #tpu.memory_space<semaphore_mem>>
        %dma_start3A_89 = arith.constant 0 : i32
        %dma_start3A_90 = tpu.memref_slice %arg10[%add3A_74, %dma_start3A_89] : memref<125x80xi32, #tpu.memory_space<vmem>> -> memref<1x80xi32, #tpu.memory_space<vmem>>
        %dma_start3A_91 = tpu.memref_squeeze %dma_start3A_90 : memref<1x80xi32, #tpu.memory_space<vmem>> -> memref<80xi32, #tpu.memory_space<vmem>>
        %dma_start3A_92 = arith.constant 0 : i32
        %dma_start3A_93 = arith.constant 0 : i32
        %dma_start3A_94 = tpu.memref_slice %arg14[%dma_start3A_92, %dma_start3A_93] : memref<10000x128xf32, #tpu.memory_space<vmem_shared>> -> memref<10000x128xf32, #tpu.memory_space<vmem_shared>>
        tpu.enqueue_indirect_dma source(%arg13 : memref<80x128xf32, #tpu.memory_space<vmem>>) target(%dma_start3A_94 : memref<10000x128xf32, #tpu.memory_space<vmem_shared>>) offsets(%dma_start3A_91 : memref<80xi32, #tpu.memory_space<vmem>>) semaphore(%run_scoped3A_88 : memref<!tpu.dma_semaphore, #tpu.memory_space<semaphore_mem>>) {add = true}
        %dma_wait3A_95 = arith.constant 0 : i32
        %dma_wait3A_96 = tpu.memref_slice %arg10[%add3A_74, %dma_wait3A_95] : memref<125x80xi32, #tpu.memory_space<vmem>> -> memref<1x80xi32, #tpu.memory_space<vmem>>
        %dma_wait3A_97 = tpu.memref_squeeze %dma_wait3A_96 : memref<1x80xi32, #tpu.memory_space<vmem>> -> memref<80xi32, #tpu.memory_space<vmem>>
        %dma_wait3A_98 = arith.constant 0 : i32
        %dma_wait3A_99 = arith.constant 0 : i32
        %dma_wait3A_100 = tpu.memref_slice %arg14[%dma_wait3A_98, %dma_wait3A_99] : memref<10000x128xf32, #tpu.memory_space<vmem_shared>> -> memref<10000x128xf32, #tpu.memory_space<vmem_shared>>
        tpu.wait_indirect_dma semaphore(%run_scoped3A_88 : memref<!tpu.dma_semaphore, #tpu.memory_space<semaphore_mem>>) src(%arg13 : memref<80x128xf32, #tpu.memory_space<vmem>>) dst(%dma_wait3A_100 : memref<10000x128xf32, #tpu.memory_space<vmem_shared>>)
        tpu.yield
      }) : () -> ()
      %add3A_78 = arith.constant 2 : i32
      %add3A_79 = arith.addi %mul3A_42, %add3A_78 : i32
      %add3A_80 = arith.constant 2 : i32
      %add3A_81 = arith.addi %add3A_79, %add3A_80 : i32
      %mul3A_82 = arith.constant 80 : i32
      %mul3A_83 = arith.muli %add3A_81, %mul3A_82 : i32
      %add3A_84 = arith.addi %mul3A_8, %mul3A_83 : i32
      "tpu.region"() ({
        %run_scoped3A_88 = tpu.sem_alloc : memref<!tpu.dma_semaphore, #tpu.memory_space<semaphore_mem>>
        %dma_start3A_89 = tpu.memref_slice %arg3[%add3A_84] : memref<320000xi32, #tpu.memory_space<hbm>> -> memref<80xi32, #tpu.memory_space<hbm>>
        %dma_start3A_90 = tpu.memref_slice %arg3[%add3A_84] : memref<320000xi32, #tpu.memory_space<hbm>> -> memref<80xi32, #tpu.memory_space<hbm>>
        tpu.enqueue_dma source(%dma_start3A_90 : memref<80xi32, #tpu.memory_space<hbm>>) target(%arg8 : memref<80xi32, #tpu.memory_space<vmem>>) target_semaphore(%run_scoped3A_88 : memref<!tpu.dma_semaphore, #tpu.memory_space<semaphore_mem>>)
        %dma_wait3A_91 = tpu.memref_slice %arg3[%add3A_84] : memref<320000xi32, #tpu.memory_space<hbm>> -> memref<80xi32, #tpu.memory_space<hbm>>
        %dma_wait3A_92 = tpu.memref_slice %arg3[%add3A_84] : memref<320000xi32, #tpu.memory_space<hbm>> -> memref<80xi32, #tpu.memory_space<hbm>>
        tpu.wait_dma2 semaphore(%run_scoped3A_88 : memref<!tpu.dma_semaphore, #tpu.memory_space<semaphore_mem>>) src(%dma_wait3A_92 : memref<80xi32, #tpu.memory_space<hbm>>) dst(%arg8 : memref<80xi32, #tpu.memory_space<vmem>>)
        tpu.yield
      }) : () -> ()
      %dma_start3A_85 = arith.constant 0 : i32
      %dma_start3A_86 = arith.constant 0 : i32
      %dma_start3A_87 = tpu.memref_slice %arg2[%dma_start3A_85, %dma_start3A_86] : memref<10000x128xf32, #tpu.memory_space<hbm>> -> memref<10000x128xf32, #tpu.memory_space<hbm>>
      tpu.enqueue_indirect_dma source(%dma_start3A_87 : memref<10000x128xf32, #tpu.memory_space<hbm>>) target(%arg12 : memref<80x128xf32, #tpu.memory_space<vmem>>) offsets(%arg8 : memref<80xi32, #tpu.memory_space<vmem>>) semaphore(%arg16 : memref<!tpu.dma_semaphore, #tpu.memory_space<semaphore_mem>>)
    }
    %scan3A_22 = arith.constant 41 : i32
    %dma_wait3A = arith.constant 0 : i32
    %dma_wait3A_23 = arith.constant 0 : i32
    %dma_wait3A_24 = tpu.memref_slice %arg2[%dma_wait3A, %dma_wait3A_23] : memref<10000x128xf32, #tpu.memory_space<hbm>> -> memref<10000x128xf32, #tpu.memory_space<hbm>>
    tpu.wait_indirect_dma semaphore(%arg15 : memref<!tpu.dma_semaphore, #tpu.memory_space<semaphore_mem>>) src(%dma_wait3A_24 : memref<10000x128xf32, #tpu.memory_space<hbm>>) dst(%arg11 : memref<80x128xf32, #tpu.memory_space<vmem>>)
    %run_scoped3A = arith.constant 123 : i32
    "tpu.region"() ({
      %run_scoped3A_40 = tpu.sem_alloc : memref<!tpu.dma_semaphore, #tpu.memory_space<semaphore_mem>>
      %dma_start3A_41 = arith.constant 0 : i32
      %dma_start3A_42 = tpu.memref_slice %arg10[%run_scoped3A, %dma_start3A_41] : memref<125x80xi32, #tpu.memory_space<vmem>> -> memref<1x80xi32, #tpu.memory_space<vmem>>
      %dma_start3A_43 = tpu.memref_squeeze %dma_start3A_42 : memref<1x80xi32, #tpu.memory_space<vmem>> -> memref<80xi32, #tpu.memory_space<vmem>>
      %dma_start3A_44 = arith.constant 0 : i32
      %dma_start3A_45 = arith.constant 0 : i32
      %dma_start3A_46 = tpu.memref_slice %arg14[%dma_start3A_44, %dma_start3A_45] : memref<10000x128xf32, #tpu.memory_space<vmem_shared>> -> memref<10000x128xf32, #tpu.memory_space<vmem_shared>>
      tpu.enqueue_indirect_dma source(%arg11 : memref<80x128xf32, #tpu.memory_space<vmem>>) target(%dma_start3A_46 : memref<10000x128xf32, #tpu.memory_space<vmem_shared>>) offsets(%dma_start3A_43 : memref<80xi32, #tpu.memory_space<vmem>>) semaphore(%run_scoped3A_40 : memref<!tpu.dma_semaphore, #tpu.memory_space<semaphore_mem>>) {add = true}
      %dma_wait3A_47 = arith.constant 0 : i32
      %dma_wait3A_48 = tpu.memref_slice %arg10[%run_scoped3A, %dma_wait3A_47] : memref<125x80xi32, #tpu.memory_space<vmem>> -> memref<1x80xi32, #tpu.memory_space<vmem>>
      %dma_wait3A_49 = tpu.memref_squeeze %dma_wait3A_48 : memref<1x80xi32, #tpu.memory_space<vmem>> -> memref<80xi32, #tpu.memory_space<vmem>>
      %dma_wait3A_50 = arith.constant 0 : i32
      %dma_wait3A_51 = arith.constant 0 : i32
      %dma_wait3A_52 = tpu.memref_slice %arg14[%dma_wait3A_50, %dma_wait3A_51] : memref<10000x128xf32, #tpu.memory_space<vmem_shared>> -> memref<10000x128xf32, #tpu.memory_space<vmem_shared>>
      tpu.wait_indirect_dma semaphore(%run_scoped3A_40 : memref<!tpu.dma_semaphore, #tpu.memory_space<semaphore_mem>>) src(%arg11 : memref<80x128xf32, #tpu.memory_space<vmem>>) dst(%dma_wait3A_52 : memref<10000x128xf32, #tpu.memory_space<vmem_shared>>)
      tpu.yield
    }) : () -> ()
    %dma_wait3A_25 = arith.constant 0 : i32
    %dma_wait3A_26 = arith.constant 0 : i32
    %dma_wait3A_27 = tpu.memref_slice %arg2[%dma_wait3A_25, %dma_wait3A_26] : memref<10000x128xf32, #tpu.memory_space<hbm>> -> memref<10000x128xf32, #tpu.memory_space<hbm>>
    tpu.wait_indirect_dma semaphore(%arg16 : memref<!tpu.dma_semaphore, #tpu.memory_space<semaphore_mem>>) src(%dma_wait3A_27 : memref<10000x128xf32, #tpu.memory_space<hbm>>) dst(%arg12 : memref<80x128xf32, #tpu.memory_space<vmem>>)
    %run_scoped3A_28 = arith.constant 124 : i32
    "tpu.region"() ({
      %run_scoped3A_40 = tpu.sem_alloc : memref<!tpu.dma_semaphore, #tpu.memory_space<semaphore_mem>>
      %dma_start3A_41 = arith.constant 0 : i32
      %dma_start3A_42 = tpu.memref_slice %arg10[%run_scoped3A_28, %dma_start3A_41] : memref<125x80xi32, #tpu.memory_space<vmem>> -> memref<1x80xi32, #tpu.memory_space<vmem>>
      %dma_start3A_43 = tpu.memref_squeeze %dma_start3A_42 : memref<1x80xi32, #tpu.memory_space<vmem>> -> memref<80xi32, #tpu.memory_space<vmem>>
      %dma_start3A_44 = arith.constant 0 : i32
      %dma_start3A_45 = arith.constant 0 : i32
      %dma_start3A_46 = tpu.memref_slice %arg14[%dma_start3A_44, %dma_start3A_45] : memref<10000x128xf32, #tpu.memory_space<vmem_shared>> -> memref<10000x128xf32, #tpu.memory_space<vmem_shared>>
      tpu.enqueue_indirect_dma source(%arg12 : memref<80x128xf32, #tpu.memory_space<vmem>>) target(%dma_start3A_46 : memref<10000x128xf32, #tpu.memory_space<vmem_shared>>) offsets(%dma_start3A_43 : memref<80xi32, #tpu.memory_space<vmem>>) semaphore(%run_scoped3A_40 : memref<!tpu.dma_semaphore, #tpu.memory_space<semaphore_mem>>) {add = true}
      %dma_wait3A_47 = arith.constant 0 : i32
      %dma_wait3A_48 = tpu.memref_slice %arg10[%run_scoped3A_28, %dma_wait3A_47] : memref<125x80xi32, #tpu.memory_space<vmem>> -> memref<1x80xi32, #tpu.memory_space<vmem>>
      %dma_wait3A_49 = tpu.memref_squeeze %dma_wait3A_48 : memref<1x80xi32, #tpu.memory_space<vmem>> -> memref<80xi32, #tpu.memory_space<vmem>>
      %dma_wait3A_50 = arith.constant 0 : i32
      %dma_wait3A_51 = arith.constant 0 : i32
      %dma_wait3A_52 = tpu.memref_slice %arg14[%dma_wait3A_50, %dma_wait3A_51] : memref<10000x128xf32, #tpu.memory_space<vmem_shared>> -> memref<10000x128xf32, #tpu.memory_space<vmem_shared>>
      tpu.wait_indirect_dma semaphore(%run_scoped3A_40 : memref<!tpu.dma_semaphore, #tpu.memory_space<semaphore_mem>>) src(%arg12 : memref<80x128xf32, #tpu.memory_space<vmem>>) dst(%dma_wait3A_52 : memref<10000x128xf32, #tpu.memory_space<vmem_shared>>)
      tpu.yield
    }) : () -> ()
    %barrier3A_29 = arith.constant 0 : index
    tpu.barrier barrier_id(%barrier3A_29)
    %lt3A_30 = arith.constant 15 : i32
    %lt3A_31 = arith.cmpi slt, %arg1, %lt3A_30 : i32
    %convert_element_type3A_32 = arith.extui %lt3A_31 : i1 to i32
    %cond3A_33 = arith.constant 0 : i32
    %cond3A_34 = arith.cmpi ne, %convert_element_type3A_32, %cond3A_33 : i32
    scf.if %cond3A_34 {
      %mul3A_40 = arith.constant 632 : i32
      %mul3A_41 = arith.muli %arg1, %mul3A_40 : i32
      %mul3A_42 = arith.constant 632 : i32
      %mul3A_43 = arith.muli %arg1, %mul3A_42 : i32
      "tpu.region"() ({
        %run_scoped3A_44 = tpu.sem_alloc : memref<!tpu.dma_semaphore, #tpu.memory_space<semaphore_mem>>
        %dma_start3A_45 = arith.constant 0 : i32
        %dma_start3A_46 = tpu.memref_slice %arg6[%arg0, %mul3A_43, %dma_start3A_45] : memref<2x10000x128xf32, #tpu.memory_space<hbm>> -> memref<1x632x128xf32, #tpu.memory_space<hbm>>
        %dma_start3A_47 = tpu.memref_squeeze %dma_start3A_46 : memref<1x632x128xf32, #tpu.memory_space<hbm>> -> memref<632x128xf32, #tpu.memory_space<hbm>>
        %dma_start3A_48 = arith.constant 0 : i32
        %dma_start3A_49 = tpu.memref_slice %arg14[%mul3A_41, %dma_start3A_48] : memref<10000x128xf32, #tpu.memory_space<vmem_shared>> -> memref<632x128xf32, #tpu.memory_space<vmem_shared>>
        tpu.enqueue_dma source(%dma_start3A_49 : memref<632x128xf32, #tpu.memory_space<vmem_shared>>) target(%dma_start3A_47 : memref<632x128xf32, #tpu.memory_space<hbm>>) target_semaphore(%run_scoped3A_44 : memref<!tpu.dma_semaphore, #tpu.memory_space<semaphore_mem>>)
        %dma_wait3A_50 = arith.constant 0 : i32
        %dma_wait3A_51 = tpu.memref_slice %arg6[%arg0, %mul3A_43, %dma_wait3A_50] : memref<2x10000x128xf32, #tpu.memory_space<hbm>> -> memref<1x632x128xf32, #tpu.memory_space<hbm>>
        %dma_wait3A_52 = tpu.memref_squeeze %dma_wait3A_51 : memref<1x632x128xf32, #tpu.memory_space<hbm>> -> memref<632x128xf32, #tpu.memory_space<hbm>>
        %dma_wait3A_53 = arith.constant 0 : i32
        %dma_wait3A_54 = tpu.memref_slice %arg14[%mul3A_41, %dma_wait3A_53] : memref<10000x128xf32, #tpu.memory_space<vmem_shared>> -> memref<632x128xf32, #tpu.memory_space<vmem_shared>>
        tpu.wait_dma2 semaphore(%run_scoped3A_44 : memref<!tpu.dma_semaphore, #tpu.memory_space<semaphore_mem>>) src(%dma_wait3A_54 : memref<632x128xf32, #tpu.memory_space<vmem_shared>>) dst(%dma_wait3A_52 : memref<632x128xf32, #tpu.memory_space<hbm>>)
        tpu.yield
      }) : () -> ()
    } else {
    }
    %eq3A_35 = arith.constant 15 : i32
    %eq3A_36 = arith.cmpi eq, %arg1, %eq3A_35 : i32
    %convert_element_type3A_37 = arith.extui %eq3A_36 : i1 to i32
    %cond3A_38 = arith.constant 0 : i32
    %cond3A_39 = arith.cmpi ne, %convert_element_type3A_37, %cond3A_38 : i32
    scf.if %cond3A_39 {
      "tpu.region"() ({
        %run_scoped3A_40 = tpu.sem_alloc : memref<!tpu.dma_semaphore, #tpu.memory_space<semaphore_mem>>
        %dma_start3A_41 = arith.constant 9480 : i32
        %dma_start3A_42 = arith.constant 0 : i32
        %dma_start3A_43 = tpu.memref_slice %arg6[%arg0, %dma_start3A_41, %dma_start3A_42] : memref<2x10000x128xf32, #tpu.memory_space<hbm>> -> memref<1x520x128xf32, #tpu.memory_space<hbm>>
        %dma_start3A_44 = tpu.memref_squeeze %dma_start3A_43 : memref<1x520x128xf32, #tpu.memory_space<hbm>> -> memref<520x128xf32, #tpu.memory_space<hbm>>
        %dma_start3A_45 = arith.constant 9480 : i32
        %dma_start3A_46 = arith.constant 0 : i32
        %dma_start3A_47 = tpu.memref_slice %arg14[%dma_start3A_45, %dma_start3A_46] : memref<10000x128xf32, #tpu.memory_space<vmem_shared>> -> memref<520x128xf32, #tpu.memory_space<vmem_shared>>
        tpu.enqueue_dma source(%dma_start3A_47 : memref<520x128xf32, #tpu.memory_space<vmem_shared>>) target(%dma_start3A_44 : memref<520x128xf32, #tpu.memory_space<hbm>>) target_semaphore(%run_scoped3A_40 : memref<!tpu.dma_semaphore, #tpu.memory_space<semaphore_mem>>)
        %dma_wait3A_48 = arith.constant 9480 : i32
        %dma_wait3A_49 = arith.constant 0 : i32
        %dma_wait3A_50 = tpu.memref_slice %arg6[%arg0, %dma_wait3A_48, %dma_wait3A_49] : memref<2x10000x128xf32, #tpu.memory_space<hbm>> -> memref<1x520x128xf32, #tpu.memory_space<hbm>>
        %dma_wait3A_51 = tpu.memref_squeeze %dma_wait3A_50 : memref<1x520x128xf32, #tpu.memory_space<hbm>> -> memref<520x128xf32, #tpu.memory_space<hbm>>
        %dma_wait3A_52 = arith.constant 9480 : i32
        %dma_wait3A_53 = arith.constant 0 : i32
        %dma_wait3A_54 = tpu.memref_slice %arg14[%dma_wait3A_52, %dma_wait3A_53] : memref<10000x128xf32, #tpu.memory_space<vmem_shared>> -> memref<520x128xf32, #tpu.memory_space<vmem_shared>>
        tpu.wait_dma2 semaphore(%run_scoped3A_40 : memref<!tpu.dma_semaphore, #tpu.memory_space<semaphore_mem>>) src(%dma_wait3A_54 : memref<520x128xf32, #tpu.memory_space<vmem_shared>>) dst(%dma_wait3A_51 : memref<520x128xf32, #tpu.memory_space<hbm>>)
        tpu.yield
      }) : () -> ()
    } else {
    }
    return
  }
}

#map = affine_map<(d0, d1) -> (0, 0)>
#map1 = affine_map<(d0, d1) -> (0)>
#map2 = affine_map<(d0, d1) -> (0, 0, 0)>
module attributes {stable_mosaic.version = 14 : i64} {
  func.func @_sc_gather_scatter_body(%arg0: i32, %arg1: i32, %arg2: memref<10000x128xf32, #tpu.memory_space<hbm>>, %arg3: memref<320000xi32, #tpu.memory_space<hbm>>, %arg4: memref<32x125x80xi32, #tpu.memory_space<hbm>>, %arg5: memref<10000x128xf32, #tpu.memory_space<hbm>>, %arg6: memref<2x10000x128xf32, #tpu.memory_space<hbm>>, %arg7: memref<80xi32, #tpu.memory_space<vmem>>, %arg8: memref<80xi32, #tpu.memory_space<vmem>>, %arg9: memref<80xi32, #tpu.memory_space<vmem>>, %arg10: memref<125x80xi32, #tpu.memory_space<vmem>>, %arg11: memref<80x128xf32, #tpu.memory_space<vmem>>, %arg12: memref<80x128xf32, #tpu.memory_space<vmem>>, %arg13: memref<80x128xf32, #tpu.memory_space<vmem>>, %arg14: memref<10000x128xf32, #tpu.memory_space<vmem_shared>>, %arg15: memref<!tpu.dma_semaphore, #tpu.memory_space<semaphore_mem>>, %arg16: memref<!tpu.dma_semaphore, #tpu.memory_space<semaphore_mem>>, %arg17: memref<!tpu.dma_semaphore, #tpu.memory_space<semaphore_mem>>) attributes {dimension_semantics = [#tpu.dimension_semantics<core_parallel>, #tpu.dimension_semantics<subcore_parallel>], iteration_bounds = array<i64: 2, 16>, scalar_prefetch = 0 : i64, scratch_operands = 11 : i64, tpu.core_type = #tpu.core_type<sc_vector_subcore>, window_params = [{transform_indices = #map}, {transform_indices = #map1}, {transform_indices = #map2}, {transform_indices = #map}, {transform_indices = #map2}]} {
    %mul3A = arith.constant 16 : i32
    %mul3A_0 = arith.muli %arg0, %mul3A : i32
    %add3A = arith.addi %mul3A_0, %arg1 : i32
    %lt3A = arith.constant 15 : i32
    %lt3A_1 = arith.cmpi slt, %arg1, %lt3A : i32
    %convert_element_type3A = arith.extui %lt3A_1 : i1 to i32
    %cond3A = arith.constant 0 : i32
    %cond3A_2 = arith.cmpi ne, %convert_element_type3A, %cond3A : i32
    scf.if %cond3A_2 {
      %mul3A_40 = arith.constant 632 : i32
      %mul3A_41 = arith.muli %arg1, %mul3A_40 : i32
      %mul3A_42 = arith.constant 632 : i32
      %mul3A_43 = arith.muli %arg1, %mul3A_42 : i32
      "tpu.region"() ({
        %run_scoped3A_44 = tpu.sem_alloc : memref<!tpu.dma_semaphore, #tpu.memory_space<semaphore_mem>>
        %dma_start3A_45 = arith.constant 0 : i32
        %dma_start3A_46 = tpu.memref_slice %arg14[%mul3A_43, %dma_start3A_45] : memref<10000x128xf32, #tpu.memory_space<vmem_shared>> -> memref<632x128xf32, #tpu.memory_space<vmem_shared>>
        %dma_start3A_47 = arith.constant 0 : i32
        %dma_start3A_48 = tpu.memref_slice %arg5[%mul3A_41, %dma_start3A_47] : memref<10000x128xf32, #tpu.memory_space<hbm>> -> memref<632x128xf32, #tpu.memory_space<hbm>>
        tpu.enqueue_dma source(%dma_start3A_48 : memref<632x128xf32, #tpu.memory_space<hbm>>) target(%dma_start3A_46 : memref<632x128xf32, #tpu.memory_space<vmem_shared>>) target_semaphore(%run_scoped3A_44 : memref<!tpu.dma_semaphore, #tpu.memory_space<semaphore_mem>>)
        %dma_wait3A_49 = arith.constant 0 : i32
        %dma_wait3A_50 = tpu.memref_slice %arg14[%mul3A_43, %dma_wait3A_49] : memref<10000x128xf32, #tpu.memory_space<vmem_shared>> -> memref<632x128xf32, #tpu.memory_space<vmem_shared>>
        %dma_wait3A_51 = arith.constant 0 : i32
        %dma_wait3A_52 = tpu.memref_slice %arg5[%mul3A_41, %dma_wait3A_51] : memref<10000x128xf32, #tpu.memory_space<hbm>> -> memref<632x128xf32, #tpu.memory_space<hbm>>
        tpu.wait_dma2 semaphore(%run_scoped3A_44 : memref<!tpu.dma_semaphore, #tpu.memory_space<semaphore_mem>>) src(%dma_wait3A_52 : memref<632x128xf32, #tpu.memory_space<hbm>>) dst(%dma_wait3A_50 : memref<632x128xf32, #tpu.memory_space<vmem_shared>>)
        tpu.yield
      }) : () -> ()
    } else {
    }
    %eq3A = arith.constant 15 : i32
    %eq3A_3 = arith.cmpi eq, %arg1, %eq3A : i32
    %convert_element_type3A_4 = arith.extui %eq3A_3 : i1 to i32
    %cond3A_5 = arith.constant 0 : i32
    %cond3A_6 = arith.cmpi ne, %convert_element_type3A_4, %cond3A_5 : i32
    scf.if %cond3A_6 {
      "tpu.region"() ({
        %run_scoped3A_40 = tpu.sem_alloc : memref<!tpu.dma_semaphore, #tpu.memory_space<semaphore_mem>>
        %dma_start3A_41 = arith.constant 9480 : i32
        %dma_start3A_42 = arith.constant 0 : i32
        %dma_start3A_43 = tpu.memref_slice %arg14[%dma_start3A_41, %dma_start3A_42] : memref<10000x128xf32, #tpu.memory_space<vmem_shared>> -> memref<520x128xf32, #tpu.memory_space<vmem_shared>>
        %dma_start3A_44 = arith.constant 9480 : i32
        %dma_start3A_45 = arith.constant 0 : i32
        %dma_start3A_46 = tpu.memref_slice %arg5[%dma_start3A_44, %dma_start3A_45] : memref<10000x128xf32, #tpu.memory_space<hbm>> -> memref<520x128xf32, #tpu.memory_space<hbm>>
        tpu.enqueue_dma source(%dma_start3A_46 : memref<520x128xf32, #tpu.memory_space<hbm>>) target(%dma_start3A_43 : memref<520x128xf32, #tpu.memory_space<vmem_shared>>) target_semaphore(%run_scoped3A_40 : memref<!tpu.dma_semaphore, #tpu.memory_space<semaphore_mem>>)
        %dma_wait3A_47 = arith.constant 9480 : i32
        %dma_wait3A_48 = arith.constant 0 : i32
        %dma_wait3A_49 = tpu.memref_slice %arg14[%dma_wait3A_47, %dma_wait3A_48] : memref<10000x128xf32, #tpu.memory_space<vmem_shared>> -> memref<520x128xf32, #tpu.memory_space<vmem_shared>>
        %dma_wait3A_50 = arith.constant 9480 : i32
        %dma_wait3A_51 = arith.constant 0 : i32
        %dma_wait3A_52 = tpu.memref_slice %arg5[%dma_wait3A_50, %dma_wait3A_51] : memref<10000x128xf32, #tpu.memory_space<hbm>> -> memref<520x128xf32, #tpu.memory_space<hbm>>
        tpu.wait_dma2 semaphore(%run_scoped3A_40 : memref<!tpu.dma_semaphore, #tpu.memory_space<semaphore_mem>>) src(%dma_wait3A_52 : memref<520x128xf32, #tpu.memory_space<hbm>>) dst(%dma_wait3A_49 : memref<520x128xf32, #tpu.memory_space<vmem_shared>>)
        tpu.yield
      }) : () -> ()
    } else {
    }
    "tpu.region"() ({
      %run_scoped3A_40 = tpu.sem_alloc : memref<!tpu.dma_semaphore, #tpu.memory_space<semaphore_mem>>
      %dma_start3A_41 = arith.constant 0 : i32
      %dma_start3A_42 = arith.constant 0 : i32
      %dma_start3A_43 = tpu.memref_slice %arg4[%add3A, %dma_start3A_41, %dma_start3A_42] : memref<32x125x80xi32, #tpu.memory_space<hbm>> -> memref<1x125x80xi32, #tpu.memory_space<hbm>>
      %dma_start3A_44 = tpu.memref_squeeze %dma_start3A_43 : memref<1x125x80xi32, #tpu.memory_space<hbm>> -> memref<125x80xi32, #tpu.memory_space<hbm>>
      %dma_start3A_45 = arith.constant 0 : i32
      %dma_start3A_46 = arith.constant 0 : i32
      %dma_start3A_47 = tpu.memref_slice %arg4[%add3A, %dma_start3A_45, %dma_start3A_46] : memref<32x125x80xi32, #tpu.memory_space<hbm>> -> memref<1x125x80xi32, #tpu.memory_space<hbm>>
      %dma_start3A_48 = tpu.memref_squeeze %dma_start3A_47 : memref<1x125x80xi32, #tpu.memory_space<hbm>> -> memref<125x80xi32, #tpu.memory_space<hbm>>
      tpu.enqueue_dma source(%dma_start3A_48 : memref<125x80xi32, #tpu.memory_space<hbm>>) target(%arg10 : memref<125x80xi32, #tpu.memory_space<vmem>>) target_semaphore(%run_scoped3A_40 : memref<!tpu.dma_semaphore, #tpu.memory_space<semaphore_mem>>)
      %dma_wait3A_49 = arith.constant 0 : i32
      %dma_wait3A_50 = arith.constant 0 : i32
      %dma_wait3A_51 = tpu.memref_slice %arg4[%add3A, %dma_wait3A_49, %dma_wait3A_50] : memref<32x125x80xi32, #tpu.memory_space<hbm>> -> memref<1x125x80xi32, #tpu.memory_space<hbm>>
      %dma_wait3A_52 = tpu.memref_squeeze %dma_wait3A_51 : memref<1x125x80xi32, #tpu.memory_space<hbm>> -> memref<125x80xi32, #tpu.memory_space<hbm>>
      %dma_wait3A_53 = arith.constant 0 : i32
      %dma_wait3A_54 = arith.constant 0 : i32
      %dma_wait3A_55 = tpu.memref_slice %arg4[%add3A, %dma_wait3A_53, %dma_wait3A_54] : memref<32x125x80xi32, #tpu.memory_space<hbm>> -> memref<1x125x80xi32, #tpu.memory_space<hbm>>
      %dma_wait3A_56 = tpu.memref_squeeze %dma_wait3A_55 : memref<1x125x80xi32, #tpu.memory_space<hbm>> -> memref<125x80xi32, #tpu.memory_space<hbm>>
      tpu.wait_dma2 semaphore(%run_scoped3A_40 : memref<!tpu.dma_semaphore, #tpu.memory_space<semaphore_mem>>) src(%dma_wait3A_56 : memref<125x80xi32, #tpu.memory_space<hbm>>) dst(%arg10 : memref<125x80xi32, #tpu.memory_space<vmem>>)
      tpu.yield
    }) : () -> ()
    %barrier3A = arith.constant 0 : index
    tpu.barrier barrier_id(%barrier3A)
    %mul3A_7 = arith.constant 10000 : i32
    %mul3A_8 = arith.muli %add3A, %mul3A_7 : i32
    %add3A_9 = arith.constant 0 : i32
    %add3A_10 = arith.addi %mul3A_8, %add3A_9 : i32
    "tpu.region"() ({
      %run_scoped3A_40 = tpu.sem_alloc : memref<!tpu.dma_semaphore, #tpu.memory_space<semaphore_mem>>
      %dma_start3A_41 = tpu.memref_slice %arg3[%add3A_10] : memref<320000xi32, #tpu.memory_space<hbm>> -> memref<80xi32, #tpu.memory_space<hbm>>
      %dma_start3A_42 = tpu.memref_slice %arg3[%add3A_10] : memref<320000xi32, #tpu.memory_space<hbm>> -> memref<80xi32, #tpu.memory_space<hbm>>
      tpu.enqueue_dma source(%dma_start3A_42 : memref<80xi32, #tpu.memory_space<hbm>>) target(%arg7 : memref<80xi32, #tpu.memory_space<vmem>>) target_semaphore(%run_scoped3A_40 : memref<!tpu.dma_semaphore, #tpu.memory_space<semaphore_mem>>)
      %dma_wait3A_43 = tpu.memref_slice %arg3[%add3A_10] : memref<320000xi32, #tpu.memory_space<hbm>> -> memref<80xi32, #tpu.memory_space<hbm>>
      %dma_wait3A_44 = tpu.memref_slice %arg3[%add3A_10] : memref<320000xi32, #tpu.memory_space<hbm>> -> memref<80xi32, #tpu.memory_space<hbm>>
      tpu.wait_dma2 semaphore(%run_scoped3A_40 : memref<!tpu.dma_semaphore, #tpu.memory_space<semaphore_mem>>) src(%dma_wait3A_44 : memref<80xi32, #tpu.memory_space<hbm>>) dst(%arg7 : memref<80xi32, #tpu.memory_space<vmem>>)
      tpu.yield
    }) : () -> ()
    %dma_start3A = arith.constant 0 : i32
    %dma_start3A_11 = arith.constant 0 : i32
    %dma_start3A_12 = tpu.memref_slice %arg2[%dma_start3A, %dma_start3A_11] : memref<10000x128xf32, #tpu.memory_space<hbm>> -> memref<10000x128xf32, #tpu.memory_space<hbm>>
    tpu.enqueue_indirect_dma source(%dma_start3A_12 : memref<10000x128xf32, #tpu.memory_space<hbm>>) target(%arg11 : memref<80x128xf32, #tpu.memory_space<vmem>>) offsets(%arg7 : memref<80xi32, #tpu.memory_space<vmem>>) semaphore(%arg15 : memref<!tpu.dma_semaphore, #tpu.memory_space<semaphore_mem>>)
    %add3A_13 = arith.constant 80 : i32
    %add3A_14 = arith.addi %mul3A_8, %add3A_13 : i32
    "tpu.region"() ({
      %run_scoped3A_40 = tpu.sem_alloc : memref<!tpu.dma_semaphore, #tpu.memory_space<semaphore_mem>>
      %dma_start3A_41 = tpu.memref_slice %arg3[%add3A_14] : memref<320000xi32, #tpu.memory_space<hbm>> -> memref<80xi32, #tpu.memory_space<hbm>>
      %dma_start3A_42 = tpu.memref_slice %arg3[%add3A_14] : memref<320000xi32, #tpu.memory_space<hbm>> -> memref<80xi32, #tpu.memory_space<hbm>>
      tpu.enqueue_dma source(%dma_start3A_42 : memref<80xi32, #tpu.memory_space<hbm>>) target(%arg8 : memref<80xi32, #tpu.memory_space<vmem>>) target_semaphore(%run_scoped3A_40 : memref<!tpu.dma_semaphore, #tpu.memory_space<semaphore_mem>>)
      %dma_wait3A_43 = tpu.memref_slice %arg3[%add3A_14] : memref<320000xi32, #tpu.memory_space<hbm>> -> memref<80xi32, #tpu.memory_space<hbm>>
      %dma_wait3A_44 = tpu.memref_slice %arg3[%add3A_14] : memref<320000xi32, #tpu.memory_space<hbm>> -> memref<80xi32, #tpu.memory_space<hbm>>
      tpu.wait_dma2 semaphore(%run_scoped3A_40 : memref<!tpu.dma_semaphore, #tpu.memory_space<semaphore_mem>>) src(%dma_wait3A_44 : memref<80xi32, #tpu.memory_space<hbm>>) dst(%arg8 : memref<80xi32, #tpu.memory_space<vmem>>)
      tpu.yield
    }) : () -> ()
    %dma_start3A_15 = arith.constant 0 : i32
    %dma_start3A_16 = arith.constant 0 : i32
    %dma_start3A_17 = tpu.memref_slice %arg2[%dma_start3A_15, %dma_start3A_16] : memref<10000x128xf32, #tpu.memory_space<hbm>> -> memref<10000x128xf32, #tpu.memory_space<hbm>>
    tpu.enqueue_indirect_dma source(%dma_start3A_17 : memref<10000x128xf32, #tpu.memory_space<hbm>>) target(%arg12 : memref<80x128xf32, #tpu.memory_space<vmem>>) offsets(%arg8 : memref<80xi32, #tpu.memory_space<vmem>>) semaphore(%arg16 : memref<!tpu.dma_semaphore, #tpu.memory_space<semaphore_mem>>)
    %scan3A = arith.constant 0 : i32
    %scan3A_18 = arith.constant 0 : i32
    %scan3A_19 = arith.constant 41 : i32
    %scan3A_20 = arith.addi %scan3A_18, %scan3A_19 : i32
    %scan3A_21 = arith.constant 1 : i32
    scf.for %scan3A_40 = %scan3A_18 to %scan3A_20 step %scan3A_21  : i32 {
      %mul3A_41 = arith.constant 3 : i32
      %mul3A_42 = arith.muli %scan3A_40, %mul3A_41 : i32
      %add3A_43 = arith.constant 0 : i32
      %add3A_44 = arith.addi %mul3A_42, %add3A_43 : i32
      %dma_wait3A_45 = arith.constant 0 : i32
      %dma_wait3A_46 = arith.constant 0 : i32
      %dma_wait3A_47 = tpu.memref_slice %arg2[%dma_wait3A_45, %dma_wait3A_46] : memref<10000x128xf32, #tpu.memory_space<hbm>> -> memref<10000x128xf32, #tpu.memory_space<hbm>>
      tpu.wait_indirect_dma semaphore(%arg15 : memref<!tpu.dma_semaphore, #tpu.memory_space<semaphore_mem>>) src(%dma_wait3A_47 : memref<10000x128xf32, #tpu.memory_space<hbm>>) dst(%arg11 : memref<80x128xf32, #tpu.memory_space<vmem>>)
      "tpu.region"() ({
        %run_scoped3A_88 = tpu.sem_alloc : memref<!tpu.dma_semaphore, #tpu.memory_space<semaphore_mem>>
        %dma_start3A_89 = arith.constant 0 : i32
        %dma_start3A_90 = tpu.memref_slice %arg10[%add3A_44, %dma_start3A_89] : memref<125x80xi32, #tpu.memory_space<vmem>> -> memref<1x80xi32, #tpu.memory_space<vmem>>
        %dma_start3A_91 = tpu.memref_squeeze %dma_start3A_90 : memref<1x80xi32, #tpu.memory_space<vmem>> -> memref<80xi32, #tpu.memory_space<vmem>>
        %dma_start3A_92 = arith.constant 0 : i32
        %dma_start3A_93 = arith.constant 0 : i32
        %dma_start3A_94 = tpu.memref_slice %arg14[%dma_start3A_92, %dma_start3A_93] : memref<10000x128xf32, #tpu.memory_space<vmem_shared>> -> memref<10000x128xf32, #tpu.memory_space<vmem_shared>>
        tpu.enqueue_indirect_dma source(%arg11 : memref<80x128xf32, #tpu.memory_space<vmem>>) target(%dma_start3A_94 : memref<10000x128xf32, #tpu.memory_space<vmem_shared>>) offsets(%dma_start3A_91 : memref<80xi32, #tpu.memory_space<vmem>>) semaphore(%run_scoped3A_88 : memref<!tpu.dma_semaphore, #tpu.memory_space<semaphore_mem>>) {add = true}
        %dma_wait3A_95 = arith.constant 0 : i32
        %dma_wait3A_96 = tpu.memref_slice %arg10[%add3A_44, %dma_wait3A_95] : memref<125x80xi32, #tpu.memory_space<vmem>> -> memref<1x80xi32, #tpu.memory_space<vmem>>
        %dma_wait3A_97 = tpu.memref_squeeze %dma_wait3A_96 : memref<1x80xi32, #tpu.memory_space<vmem>> -> memref<80xi32, #tpu.memory_space<vmem>>
        %dma_wait3A_98 = arith.constant 0 : i32
        %dma_wait3A_99 = arith.constant 0 : i32
        %dma_wait3A_100 = tpu.memref_slice %arg14[%dma_wait3A_98, %dma_wait3A_99] : memref<10000x128xf32, #tpu.memory_space<vmem_shared>> -> memref<10000x128xf32, #tpu.memory_space<vmem_shared>>
        tpu.wait_indirect_dma semaphore(%run_scoped3A_88 : memref<!tpu.dma_semaphore, #tpu.memory_space<semaphore_mem>>) src(%arg11 : memref<80x128xf32, #tpu.memory_space<vmem>>) dst(%dma_wait3A_100 : memref<10000x128xf32, #tpu.memory_space<vmem_shared>>)
        tpu.yield
      }) : () -> ()
      %add3A_48 = arith.constant 0 : i32
      %add3A_49 = arith.addi %mul3A_42, %add3A_48 : i32
      %add3A_50 = arith.constant 2 : i32
      %add3A_51 = arith.addi %add3A_49, %add3A_50 : i32
      %mul3A_52 = arith.constant 80 : i32
      %mul3A_53 = arith.muli %add3A_51, %mul3A_52 : i32
      %add3A_54 = arith.addi %mul3A_8, %mul3A_53 : i32
      "tpu.region"() ({
        %run_scoped3A_88 = tpu.sem_alloc : memref<!tpu.dma_semaphore, #tpu.memory_space<semaphore_mem>>
        %dma_start3A_89 = tpu.memref_slice %arg3[%add3A_54] : memref<320000xi32, #tpu.memory_space<hbm>> -> memref<80xi32, #tpu.memory_space<hbm>>
        %dma_start3A_90 = tpu.memref_slice %arg3[%add3A_54] : memref<320000xi32, #tpu.memory_space<hbm>> -> memref<80xi32, #tpu.memory_space<hbm>>
        tpu.enqueue_dma source(%dma_start3A_90 : memref<80xi32, #tpu.memory_space<hbm>>) target(%arg9 : memref<80xi32, #tpu.memory_space<vmem>>) target_semaphore(%run_scoped3A_88 : memref<!tpu.dma_semaphore, #tpu.memory_space<semaphore_mem>>)
        %dma_wait3A_91 = tpu.memref_slice %arg3[%add3A_54] : memref<320000xi32, #tpu.memory_space<hbm>> -> memref<80xi32, #tpu.memory_space<hbm>>
        %dma_wait3A_92 = tpu.memref_slice %arg3[%add3A_54] : memref<320000xi32, #tpu.memory_space<hbm>> -> memref<80xi32, #tpu.memory_space<hbm>>
        tpu.wait_dma2 semaphore(%run_scoped3A_88 : memref<!tpu.dma_semaphore, #tpu.memory_space<semaphore_mem>>) src(%dma_wait3A_92 : memref<80xi32, #tpu.memory_space<hbm>>) dst(%arg9 : memref<80xi32, #tpu.memory_space<vmem>>)
        tpu.yield
      }) : () -> ()
      %dma_start3A_55 = arith.constant 0 : i32
      %dma_start3A_56 = arith.constant 0 : i32
      %dma_start3A_57 = tpu.memref_slice %arg2[%dma_start3A_55, %dma_start3A_56] : memref<10000x128xf32, #tpu.memory_space<hbm>> -> memref<10000x128xf32, #tpu.memory_space<hbm>>
      tpu.enqueue_indirect_dma source(%dma_start3A_57 : memref<10000x128xf32, #tpu.memory_space<hbm>>) target(%arg13 : memref<80x128xf32, #tpu.memory_space<vmem>>) offsets(%arg9 : memref<80xi32, #tpu.memory_space<vmem>>) semaphore(%arg17 : memref<!tpu.dma_semaphore, #tpu.memory_space<semaphore_mem>>)
      %add3A_58 = arith.constant 1 : i32
      %add3A_59 = arith.addi %mul3A_42, %add3A_58 : i32
      %dma_wait3A_60 = arith.constant 0 : i32
      %dma_wait3A_61 = arith.constant 0 : i32
      %dma_wait3A_62 = tpu.memref_slice %arg2[%dma_wait3A_60, %dma_wait3A_61] : memref<10000x128xf32, #tpu.memory_space<hbm>> -> memref<10000x128xf32, #tpu.memory_space<hbm>>
      tpu.wait_indirect_dma semaphore(%arg16 : memref<!tpu.dma_semaphore, #tpu.memory_space<semaphore_mem>>) src(%dma_wait3A_62 : memref<10000x128xf32, #tpu.memory_space<hbm>>) dst(%arg12 : memref<80x128xf32, #tpu.memory_space<vmem>>)
      "tpu.region"() ({
        %run_scoped3A_88 = tpu.sem_alloc : memref<!tpu.dma_semaphore, #tpu.memory_space<semaphore_mem>>
        %dma_start3A_89 = arith.constant 0 : i32
        %dma_start3A_90 = tpu.memref_slice %arg10[%add3A_59, %dma_start3A_89] : memref<125x80xi32, #tpu.memory_space<vmem>> -> memref<1x80xi32, #tpu.memory_space<vmem>>
        %dma_start3A_91 = tpu.memref_squeeze %dma_start3A_90 : memref<1x80xi32, #tpu.memory_space<vmem>> -> memref<80xi32, #tpu.memory_space<vmem>>
        %dma_start3A_92 = arith.constant 0 : i32
        %dma_start3A_93 = arith.constant 0 : i32
        %dma_start3A_94 = tpu.memref_slice %arg14[%dma_start3A_92, %dma_start3A_93] : memref<10000x128xf32, #tpu.memory_space<vmem_shared>> -> memref<10000x128xf32, #tpu.memory_space<vmem_shared>>
        tpu.enqueue_indirect_dma source(%arg12 : memref<80x128xf32, #tpu.memory_space<vmem>>) target(%dma_start3A_94 : memref<10000x128xf32, #tpu.memory_space<vmem_shared>>) offsets(%dma_start3A_91 : memref<80xi32, #tpu.memory_space<vmem>>) semaphore(%run_scoped3A_88 : memref<!tpu.dma_semaphore, #tpu.memory_space<semaphore_mem>>) {add = true}
        %dma_wait3A_95 = arith.constant 0 : i32
        %dma_wait3A_96 = tpu.memref_slice %arg10[%add3A_59, %dma_wait3A_95] : memref<125x80xi32, #tpu.memory_space<vmem>> -> memref<1x80xi32, #tpu.memory_space<vmem>>
        %dma_wait3A_97 = tpu.memref_squeeze %dma_wait3A_96 : memref<1x80xi32, #tpu.memory_space<vmem>> -> memref<80xi32, #tpu.memory_space<vmem>>
        %dma_wait3A_98 = arith.constant 0 : i32
        %dma_wait3A_99 = arith.constant 0 : i32
        %dma_wait3A_100 = tpu.memref_slice %arg14[%dma_wait3A_98, %dma_wait3A_99] : memref<10000x128xf32, #tpu.memory_space<vmem_shared>> -> memref<10000x128xf32, #tpu.memory_space<vmem_shared>>
        tpu.wait_indirect_dma semaphore(%run_scoped3A_88 : memref<!tpu.dma_semaphore, #tpu.memory_space<semaphore_mem>>) src(%arg12 : memref<80x128xf32, #tpu.memory_space<vmem>>) dst(%dma_wait3A_100 : memref<10000x128xf32, #tpu.memory_space<vmem_shared>>)
        tpu.yield
      }) : () -> ()
      %add3A_63 = arith.constant 1 : i32
      %add3A_64 = arith.addi %mul3A_42, %add3A_63 : i32
      %add3A_65 = arith.constant 2 : i32
      %add3A_66 = arith.addi %add3A_64, %add3A_65 : i32
      %mul3A_67 = arith.constant 80 : i32
      %mul3A_68 = arith.muli %add3A_66, %mul3A_67 : i32
      %add3A_69 = arith.addi %mul3A_8, %mul3A_68 : i32
      "tpu.region"() ({
        %run_scoped3A_88 = tpu.sem_alloc : memref<!tpu.dma_semaphore, #tpu.memory_space<semaphore_mem>>
        %dma_start3A_89 = tpu.memref_slice %arg3[%add3A_69] : memref<320000xi32, #tpu.memory_space<hbm>> -> memref<80xi32, #tpu.memory_space<hbm>>
        %dma_start3A_90 = tpu.memref_slice %arg3[%add3A_69] : memref<320000xi32, #tpu.memory_space<hbm>> -> memref<80xi32, #tpu.memory_space<hbm>>
        tpu.enqueue_dma source(%dma_start3A_90 : memref<80xi32, #tpu.memory_space<hbm>>) target(%arg7 : memref<80xi32, #tpu.memory_space<vmem>>) target_semaphore(%run_scoped3A_88 : memref<!tpu.dma_semaphore, #tpu.memory_space<semaphore_mem>>)
        %dma_wait3A_91 = tpu.memref_slice %arg3[%add3A_69] : memref<320000xi32, #tpu.memory_space<hbm>> -> memref<80xi32, #tpu.memory_space<hbm>>
        %dma_wait3A_92 = tpu.memref_slice %arg3[%add3A_69] : memref<320000xi32, #tpu.memory_space<hbm>> -> memref<80xi32, #tpu.memory_space<hbm>>
        tpu.wait_dma2 semaphore(%run_scoped3A_88 : memref<!tpu.dma_semaphore, #tpu.memory_space<semaphore_mem>>) src(%dma_wait3A_92 : memref<80xi32, #tpu.memory_space<hbm>>) dst(%arg7 : memref<80xi32, #tpu.memory_space<vmem>>)
        tpu.yield
      }) : () -> ()
      %dma_start3A_70 = arith.constant 0 : i32
      %dma_start3A_71 = arith.constant 0 : i32
      %dma_start3A_72 = tpu.memref_slice %arg2[%dma_start3A_70, %dma_start3A_71] : memref<10000x128xf32, #tpu.memory_space<hbm>> -> memref<10000x128xf32, #tpu.memory_space<hbm>>
      tpu.enqueue_indirect_dma source(%dma_start3A_72 : memref<10000x128xf32, #tpu.memory_space<hbm>>) target(%arg11 : memref<80x128xf32, #tpu.memory_space<vmem>>) offsets(%arg7 : memref<80xi32, #tpu.memory_space<vmem>>) semaphore(%arg15 : memref<!tpu.dma_semaphore, #tpu.memory_space<semaphore_mem>>)
      %add3A_73 = arith.constant 2 : i32
      %add3A_74 = arith.addi %mul3A_42, %add3A_73 : i32
      %dma_wait3A_75 = arith.constant 0 : i32
      %dma_wait3A_76 = arith.constant 0 : i32
      %dma_wait3A_77 = tpu.memref_slice %arg2[%dma_wait3A_75, %dma_wait3A_76] : memref<10000x128xf32, #tpu.memory_space<hbm>> -> memref<10000x128xf32, #tpu.memory_space<hbm>>
      tpu.wait_indirect_dma semaphore(%arg17 : memref<!tpu.dma_semaphore, #tpu.memory_space<semaphore_mem>>) src(%dma_wait3A_77 : memref<10000x128xf32, #tpu.memory_space<hbm>>) dst(%arg13 : memref<80x128xf32, #tpu.memory_space<vmem>>)
      "tpu.region"() ({
        %run_scoped3A_88 = tpu.sem_alloc : memref<!tpu.dma_semaphore, #tpu.memory_space<semaphore_mem>>
        %dma_start3A_89 = arith.constant 0 : i32
        %dma_start3A_90 = tpu.memref_slice %arg10[%add3A_74, %dma_start3A_89] : memref<125x80xi32, #tpu.memory_space<vmem>> -> memref<1x80xi32, #tpu.memory_space<vmem>>
        %dma_start3A_91 = tpu.memref_squeeze %dma_start3A_90 : memref<1x80xi32, #tpu.memory_space<vmem>> -> memref<80xi32, #tpu.memory_space<vmem>>
        %dma_start3A_92 = arith.constant 0 : i32
        %dma_start3A_93 = arith.constant 0 : i32
        %dma_start3A_94 = tpu.memref_slice %arg14[%dma_start3A_92, %dma_start3A_93] : memref<10000x128xf32, #tpu.memory_space<vmem_shared>> -> memref<10000x128xf32, #tpu.memory_space<vmem_shared>>
        tpu.enqueue_indirect_dma source(%arg13 : memref<80x128xf32, #tpu.memory_space<vmem>>) target(%dma_start3A_94 : memref<10000x128xf32, #tpu.memory_space<vmem_shared>>) offsets(%dma_start3A_91 : memref<80xi32, #tpu.memory_space<vmem>>) semaphore(%run_scoped3A_88 : memref<!tpu.dma_semaphore, #tpu.memory_space<semaphore_mem>>) {add = true}
        %dma_wait3A_95 = arith.constant 0 : i32
        %dma_wait3A_96 = tpu.memref_slice %arg10[%add3A_74, %dma_wait3A_95] : memref<125x80xi32, #tpu.memory_space<vmem>> -> memref<1x80xi32, #tpu.memory_space<vmem>>
        %dma_wait3A_97 = tpu.memref_squeeze %dma_wait3A_96 : memref<1x80xi32, #tpu.memory_space<vmem>> -> memref<80xi32, #tpu.memory_space<vmem>>
        %dma_wait3A_98 = arith.constant 0 : i32
        %dma_wait3A_99 = arith.constant 0 : i32
        %dma_wait3A_100 = tpu.memref_slice %arg14[%dma_wait3A_98, %dma_wait3A_99] : memref<10000x128xf32, #tpu.memory_space<vmem_shared>> -> memref<10000x128xf32, #tpu.memory_space<vmem_shared>>
        tpu.wait_indirect_dma semaphore(%run_scoped3A_88 : memref<!tpu.dma_semaphore, #tpu.memory_space<semaphore_mem>>) src(%arg13 : memref<80x128xf32, #tpu.memory_space<vmem>>) dst(%dma_wait3A_100 : memref<10000x128xf32, #tpu.memory_space<vmem_shared>>)
        tpu.yield
      }) : () -> ()
      %add3A_78 = arith.constant 2 : i32
      %add3A_79 = arith.addi %mul3A_42, %add3A_78 : i32
      %add3A_80 = arith.constant 2 : i32
      %add3A_81 = arith.addi %add3A_79, %add3A_80 : i32
      %mul3A_82 = arith.constant 80 : i32
      %mul3A_83 = arith.muli %add3A_81, %mul3A_82 : i32
      %add3A_84 = arith.addi %mul3A_8, %mul3A_83 : i32
      "tpu.region"() ({
        %run_scoped3A_88 = tpu.sem_alloc : memref<!tpu.dma_semaphore, #tpu.memory_space<semaphore_mem>>
        %dma_start3A_89 = tpu.memref_slice %arg3[%add3A_84] : memref<320000xi32, #tpu.memory_space<hbm>> -> memref<80xi32, #tpu.memory_space<hbm>>
        %dma_start3A_90 = tpu.memref_slice %arg3[%add3A_84] : memref<320000xi32, #tpu.memory_space<hbm>> -> memref<80xi32, #tpu.memory_space<hbm>>
        tpu.enqueue_dma source(%dma_start3A_90 : memref<80xi32, #tpu.memory_space<hbm>>) target(%arg8 : memref<80xi32, #tpu.memory_space<vmem>>) target_semaphore(%run_scoped3A_88 : memref<!tpu.dma_semaphore, #tpu.memory_space<semaphore_mem>>)
        %dma_wait3A_91 = tpu.memref_slice %arg3[%add3A_84] : memref<320000xi32, #tpu.memory_space<hbm>> -> memref<80xi32, #tpu.memory_space<hbm>>
        %dma_wait3A_92 = tpu.memref_slice %arg3[%add3A_84] : memref<320000xi32, #tpu.memory_space<hbm>> -> memref<80xi32, #tpu.memory_space<hbm>>
        tpu.wait_dma2 semaphore(%run_scoped3A_88 : memref<!tpu.dma_semaphore, #tpu.memory_space<semaphore_mem>>) src(%dma_wait3A_92 : memref<80xi32, #tpu.memory_space<hbm>>) dst(%arg8 : memref<80xi32, #tpu.memory_space<vmem>>)
        tpu.yield
      }) : () -> ()
      %dma_start3A_85 = arith.constant 0 : i32
      %dma_start3A_86 = arith.constant 0 : i32
      %dma_start3A_87 = tpu.memref_slice %arg2[%dma_start3A_85, %dma_start3A_86] : memref<10000x128xf32, #tpu.memory_space<hbm>> -> memref<10000x128xf32, #tpu.memory_space<hbm>>
      tpu.enqueue_indirect_dma source(%dma_start3A_87 : memref<10000x128xf32, #tpu.memory_space<hbm>>) target(%arg12 : memref<80x128xf32, #tpu.memory_space<vmem>>) offsets(%arg8 : memref<80xi32, #tpu.memory_space<vmem>>) semaphore(%arg16 : memref<!tpu.dma_semaphore, #tpu.memory_space<semaphore_mem>>)
    }
    %scan3A_22 = arith.constant 41 : i32
    %dma_wait3A = arith.constant 0 : i32
    %dma_wait3A_23 = arith.constant 0 : i32
    %dma_wait3A_24 = tpu.memref_slice %arg2[%dma_wait3A, %dma_wait3A_23] : memref<10000x128xf32, #tpu.memory_space<hbm>> -> memref<10000x128xf32, #tpu.memory_space<hbm>>
    tpu.wait_indirect_dma semaphore(%arg15 : memref<!tpu.dma_semaphore, #tpu.memory_space<semaphore_mem>>) src(%dma_wait3A_24 : memref<10000x128xf32, #tpu.memory_space<hbm>>) dst(%arg11 : memref<80x128xf32, #tpu.memory_space<vmem>>)
    %run_scoped3A = arith.constant 123 : i32
    "tpu.region"() ({
      %run_scoped3A_40 = tpu.sem_alloc : memref<!tpu.dma_semaphore, #tpu.memory_space<semaphore_mem>>
      %dma_start3A_41 = arith.constant 0 : i32
      %dma_start3A_42 = tpu.memref_slice %arg10[%run_scoped3A, %dma_start3A_41] : memref<125x80xi32, #tpu.memory_space<vmem>> -> memref<1x80xi32, #tpu.memory_space<vmem>>
      %dma_start3A_43 = tpu.memref_squeeze %dma_start3A_42 : memref<1x80xi32, #tpu.memory_space<vmem>> -> memref<80xi32, #tpu.memory_space<vmem>>
      %dma_start3A_44 = arith.constant 0 : i32
      %dma_start3A_45 = arith.constant 0 : i32
      %dma_start3A_46 = tpu.memref_slice %arg14[%dma_start3A_44, %dma_start3A_45] : memref<10000x128xf32, #tpu.memory_space<vmem_shared>> -> memref<10000x128xf32, #tpu.memory_space<vmem_shared>>
      tpu.enqueue_indirect_dma source(%arg11 : memref<80x128xf32, #tpu.memory_space<vmem>>) target(%dma_start3A_46 : memref<10000x128xf32, #tpu.memory_space<vmem_shared>>) offsets(%dma_start3A_43 : memref<80xi32, #tpu.memory_space<vmem>>) semaphore(%run_scoped3A_40 : memref<!tpu.dma_semaphore, #tpu.memory_space<semaphore_mem>>) {add = true}
      %dma_wait3A_47 = arith.constant 0 : i32
      %dma_wait3A_48 = tpu.memref_slice %arg10[%run_scoped3A, %dma_wait3A_47] : memref<125x80xi32, #tpu.memory_space<vmem>> -> memref<1x80xi32, #tpu.memory_space<vmem>>
      %dma_wait3A_49 = tpu.memref_squeeze %dma_wait3A_48 : memref<1x80xi32, #tpu.memory_space<vmem>> -> memref<80xi32, #tpu.memory_space<vmem>>
      %dma_wait3A_50 = arith.constant 0 : i32
      %dma_wait3A_51 = arith.constant 0 : i32
      %dma_wait3A_52 = tpu.memref_slice %arg14[%dma_wait3A_50, %dma_wait3A_51] : memref<10000x128xf32, #tpu.memory_space<vmem_shared>> -> memref<10000x128xf32, #tpu.memory_space<vmem_shared>>
      tpu.wait_indirect_dma semaphore(%run_scoped3A_40 : memref<!tpu.dma_semaphore, #tpu.memory_space<semaphore_mem>>) src(%arg11 : memref<80x128xf32, #tpu.memory_space<vmem>>) dst(%dma_wait3A_52 : memref<10000x128xf32, #tpu.memory_space<vmem_shared>>)
      tpu.yield
    }) : () -> ()
    %dma_wait3A_25 = arith.constant 0 : i32
    %dma_wait3A_26 = arith.constant 0 : i32
    %dma_wait3A_27 = tpu.memref_slice %arg2[%dma_wait3A_25, %dma_wait3A_26] : memref<10000x128xf32, #tpu.memory_space<hbm>> -> memref<10000x128xf32, #tpu.memory_space<hbm>>
    tpu.wait_indirect_dma semaphore(%arg16 : memref<!tpu.dma_semaphore, #tpu.memory_space<semaphore_mem>>) src(%dma_wait3A_27 : memref<10000x128xf32, #tpu.memory_space<hbm>>) dst(%arg12 : memref<80x128xf32, #tpu.memory_space<vmem>>)
    %run_scoped3A_28 = arith.constant 124 : i32
    "tpu.region"() ({
      %run_scoped3A_40 = tpu.sem_alloc : memref<!tpu.dma_semaphore, #tpu.memory_space<semaphore_mem>>
      %dma_start3A_41 = arith.constant 0 : i32
      %dma_start3A_42 = tpu.memref_slice %arg10[%run_scoped3A_28, %dma_start3A_41] : memref<125x80xi32, #tpu.memory_space<vmem>> -> memref<1x80xi32, #tpu.memory_space<vmem>>
      %dma_start3A_43 = tpu.memref_squeeze %dma_start3A_42 : memref<1x80xi32, #tpu.memory_space<vmem>> -> memref<80xi32, #tpu.memory_space<vmem>>
      %dma_start3A_44 = arith.constant 0 : i32
      %dma_start3A_45 = arith.constant 0 : i32
      %dma_start3A_46 = tpu.memref_slice %arg14[%dma_start3A_44, %dma_start3A_45] : memref<10000x128xf32, #tpu.memory_space<vmem_shared>> -> memref<10000x128xf32, #tpu.memory_space<vmem_shared>>
      tpu.enqueue_indirect_dma source(%arg12 : memref<80x128xf32, #tpu.memory_space<vmem>>) target(%dma_start3A_46 : memref<10000x128xf32, #tpu.memory_space<vmem_shared>>) offsets(%dma_start3A_43 : memref<80xi32, #tpu.memory_space<vmem>>) semaphore(%run_scoped3A_40 : memref<!tpu.dma_semaphore, #tpu.memory_space<semaphore_mem>>) {add = true}
      %dma_wait3A_47 = arith.constant 0 : i32
      %dma_wait3A_48 = tpu.memref_slice %arg10[%run_scoped3A_28, %dma_wait3A_47] : memref<125x80xi32, #tpu.memory_space<vmem>> -> memref<1x80xi32, #tpu.memory_space<vmem>>
      %dma_wait3A_49 = tpu.memref_squeeze %dma_wait3A_48 : memref<1x80xi32, #tpu.memory_space<vmem>> -> memref<80xi32, #tpu.memory_space<vmem>>
      %dma_wait3A_50 = arith.constant 0 : i32
      %dma_wait3A_51 = arith.constant 0 : i32
      %dma_wait3A_52 = tpu.memref_slice %arg14[%dma_wait3A_50, %dma_wait3A_51] : memref<10000x128xf32, #tpu.memory_space<vmem_shared>> -> memref<10000x128xf32, #tpu.memory_space<vmem_shared>>
      tpu.wait_indirect_dma semaphore(%run_scoped3A_40 : memref<!tpu.dma_semaphore, #tpu.memory_space<semaphore_mem>>) src(%arg12 : memref<80x128xf32, #tpu.memory_space<vmem>>) dst(%dma_wait3A_52 : memref<10000x128xf32, #tpu.memory_space<vmem_shared>>)
      tpu.yield
    }) : () -> ()
    %barrier3A_29 = arith.constant 0 : index
    tpu.barrier barrier_id(%barrier3A_29)
    %lt3A_30 = arith.constant 15 : i32
    %lt3A_31 = arith.cmpi slt, %arg1, %lt3A_30 : i32
    %convert_element_type3A_32 = arith.extui %lt3A_31 : i1 to i32
    %cond3A_33 = arith.constant 0 : i32
    %cond3A_34 = arith.cmpi ne, %convert_element_type3A_32, %cond3A_33 : i32
    scf.if %cond3A_34 {
      %mul3A_40 = arith.constant 632 : i32
      %mul3A_41 = arith.muli %arg1, %mul3A_40 : i32
      %mul3A_42 = arith.constant 632 : i32
      %mul3A_43 = arith.muli %arg1, %mul3A_42 : i32
      "tpu.region"() ({
        %run_scoped3A_44 = tpu.sem_alloc : memref<!tpu.dma_semaphore, #tpu.memory_space<semaphore_mem>>
        %dma_start3A_45 = arith.constant 0 : i32
        %dma_start3A_46 = tpu.memref_slice %arg6[%arg0, %mul3A_43, %dma_start3A_45] : memref<2x10000x128xf32, #tpu.memory_space<hbm>> -> memref<1x632x128xf32, #tpu.memory_space<hbm>>
        %dma_start3A_47 = tpu.memref_squeeze %dma_start3A_46 : memref<1x632x128xf32, #tpu.memory_space<hbm>> -> memref<632x128xf32, #tpu.memory_space<hbm>>
        %dma_start3A_48 = arith.constant 0 : i32
        %dma_start3A_49 = tpu.memref_slice %arg14[%mul3A_41, %dma_start3A_48] : memref<10000x128xf32, #tpu.memory_space<vmem_shared>> -> memref<632x128xf32, #tpu.memory_space<vmem_shared>>
        tpu.enqueue_dma source(%dma_start3A_49 : memref<632x128xf32, #tpu.memory_space<vmem_shared>>) target(%dma_start3A_47 : memref<632x128xf32, #tpu.memory_space<hbm>>) target_semaphore(%run_scoped3A_44 : memref<!tpu.dma_semaphore, #tpu.memory_space<semaphore_mem>>)
        %dma_wait3A_50 = arith.constant 0 : i32
        %dma_wait3A_51 = tpu.memref_slice %arg6[%arg0, %mul3A_43, %dma_wait3A_50] : memref<2x10000x128xf32, #tpu.memory_space<hbm>> -> memref<1x632x128xf32, #tpu.memory_space<hbm>>
        %dma_wait3A_52 = tpu.memref_squeeze %dma_wait3A_51 : memref<1x632x128xf32, #tpu.memory_space<hbm>> -> memref<632x128xf32, #tpu.memory_space<hbm>>
        %dma_wait3A_53 = arith.constant 0 : i32
        %dma_wait3A_54 = tpu.memref_slice %arg14[%mul3A_41, %dma_wait3A_53] : memref<10000x128xf32, #tpu.memory_space<vmem_shared>> -> memref<632x128xf32, #tpu.memory_space<vmem_shared>>
        tpu.wait_dma2 semaphore(%run_scoped3A_44 : memref<!tpu.dma_semaphore, #tpu.memory_space<semaphore_mem>>) src(%dma_wait3A_54 : memref<632x128xf32, #tpu.memory_space<vmem_shared>>) dst(%dma_wait3A_52 : memref<632x128xf32, #tpu.memory_space<hbm>>)
        tpu.yield
      }) : () -> ()
    } else {
    }
    %eq3A_35 = arith.constant 15 : i32
    %eq3A_36 = arith.cmpi eq, %arg1, %eq3A_35 : i32
    %convert_element_type3A_37 = arith.extui %eq3A_36 : i1 to i32
    %cond3A_38 = arith.constant 0 : i32
    %cond3A_39 = arith.cmpi ne, %convert_element_type3A_37, %cond3A_38 : i32
    scf.if %cond3A_39 {
      "tpu.region"() ({
        %run_scoped3A_40 = tpu.sem_alloc : memref<!tpu.dma_semaphore, #tpu.memory_space<semaphore_mem>>
        %dma_start3A_41 = arith.constant 9480 : i32
        %dma_start3A_42 = arith.constant 0 : i32
        %dma_start3A_43 = tpu.memref_slice %arg6[%arg0, %dma_start3A_41, %dma_start3A_42] : memref<2x10000x128xf32, #tpu.memory_space<hbm>> -> memref<1x520x128xf32, #tpu.memory_space<hbm>>
        %dma_start3A_44 = tpu.memref_squeeze %dma_start3A_43 : memref<1x520x128xf32, #tpu.memory_space<hbm>> -> memref<520x128xf32, #tpu.memory_space<hbm>>
        %dma_start3A_45 = arith.constant 9480 : i32
        %dma_start3A_46 = arith.constant 0 : i32
        %dma_start3A_47 = tpu.memref_slice %arg14[%dma_start3A_45, %dma_start3A_46] : memref<10000x128xf32, #tpu.memory_space<vmem_shared>> -> memref<520x128xf32, #tpu.memory_space<vmem_shared>>
        tpu.enqueue_dma source(%dma_start3A_47 : memref<520x128xf32, #tpu.memory_space<vmem_shared>>) target(%dma_start3A_44 : memref<520x128xf32, #tpu.memory_space<hbm>>) target_semaphore(%run_scoped3A_40 : memref<!tpu.dma_semaphore, #tpu.memory_space<semaphore_mem>>)
        %dma_wait3A_48 = arith.constant 9480 : i32
        %dma_wait3A_49 = arith.constant 0 : i32
        %dma_wait3A_50 = tpu.memref_slice %arg6[%arg0, %dma_wait3A_48, %dma_wait3A_49] : memref<2x10000x128xf32, #tpu.memory_space<hbm>> -> memref<1x520x128xf32, #tpu.memory_space<hbm>>
        %dma_wait3A_51 = tpu.memref_squeeze %dma_wait3A_50 : memref<1x520x128xf32, #tpu.memory_space<hbm>> -> memref<520x128xf32, #tpu.memory_space<hbm>>
        %dma_wait3A_52 = arith.constant 9480 : i32
        %dma_wait3A_53 = arith.constant 0 : i32
        %dma_wait3A_54 = tpu.memref_slice %arg14[%dma_wait3A_52, %dma_wait3A_53] : memref<10000x128xf32, #tpu.memory_space<vmem_shared>> -> memref<520x128xf32, #tpu.memory_space<vmem_shared>>
        tpu.wait_dma2 semaphore(%run_scoped3A_40 : memref<!tpu.dma_semaphore, #tpu.memory_space<semaphore_mem>>) src(%dma_wait3A_54 : memref<520x128xf32, #tpu.memory_space<vmem_shared>>) dst(%dma_wait3A_51 : memref<520x128xf32, #tpu.memory_space<hbm>>)
        tpu.yield
      }) : () -> ()
    } else {
    }
    return
  }
}

#map = affine_map<(d0, d1) -> (0, 0)>
#map1 = affine_map<(d0, d1) -> (0)>
#map2 = affine_map<(d0, d1) -> (0, 0, 0)>
module attributes {stable_mosaic.version = 14 : i64} {
  func.func @_sc_gather_scatter_body(%arg0: i32, %arg1: i32, %arg2: memref<10000x128xf32, #tpu.memory_space<hbm>>, %arg3: memref<320000xi32, #tpu.memory_space<hbm>>, %arg4: memref<32x125x80xi32, #tpu.memory_space<hbm>>, %arg5: memref<10000x128xf32, #tpu.memory_space<hbm>>, %arg6: memref<2x10000x128xf32, #tpu.memory_space<hbm>>, %arg7: memref<80xi32, #tpu.memory_space<vmem>>, %arg8: memref<80xi32, #tpu.memory_space<vmem>>, %arg9: memref<80xi32, #tpu.memory_space<vmem>>, %arg10: memref<125x80xi32, #tpu.memory_space<vmem>>, %arg11: memref<80x128xf32, #tpu.memory_space<vmem>>, %arg12: memref<80x128xf32, #tpu.memory_space<vmem>>, %arg13: memref<80x128xf32, #tpu.memory_space<vmem>>, %arg14: memref<10000x128xf32, #tpu.memory_space<vmem_shared>>, %arg15: memref<!tpu.dma_semaphore, #tpu.memory_space<semaphore_mem>>, %arg16: memref<!tpu.dma_semaphore, #tpu.memory_space<semaphore_mem>>, %arg17: memref<!tpu.dma_semaphore, #tpu.memory_space<semaphore_mem>>) attributes {dimension_semantics = [#tpu.dimension_semantics<core_parallel>, #tpu.dimension_semantics<subcore_parallel>], iteration_bounds = array<i64: 2, 16>, scalar_prefetch = 0 : i64, scratch_operands = 11 : i64, tpu.core_type = #tpu.core_type<sc_vector_subcore>, window_params = [{transform_indices = #map}, {transform_indices = #map1}, {transform_indices = #map2}, {transform_indices = #map}, {transform_indices = #map2}]} {
    %mul3A = arith.constant 16 : i32
    %mul3A_0 = arith.muli %arg0, %mul3A : i32
    %add3A = arith.addi %mul3A_0, %arg1 : i32
    %lt3A = arith.constant 15 : i32
    %lt3A_1 = arith.cmpi slt, %arg1, %lt3A : i32
    %convert_element_type3A = arith.extui %lt3A_1 : i1 to i32
    %cond3A = arith.constant 0 : i32
    %cond3A_2 = arith.cmpi ne, %convert_element_type3A, %cond3A : i32
    scf.if %cond3A_2 {
      %mul3A_40 = arith.constant 632 : i32
      %mul3A_41 = arith.muli %arg1, %mul3A_40 : i32
      %mul3A_42 = arith.constant 632 : i32
      %mul3A_43 = arith.muli %arg1, %mul3A_42 : i32
      "tpu.region"() ({
        %run_scoped3A_44 = tpu.sem_alloc : memref<!tpu.dma_semaphore, #tpu.memory_space<semaphore_mem>>
        %dma_start3A_45 = arith.constant 0 : i32
        %dma_start3A_46 = tpu.memref_slice %arg14[%mul3A_43, %dma_start3A_45] : memref<10000x128xf32, #tpu.memory_space<vmem_shared>> -> memref<632x128xf32, #tpu.memory_space<vmem_shared>>
        %dma_start3A_47 = arith.constant 0 : i32
        %dma_start3A_48 = tpu.memref_slice %arg5[%mul3A_41, %dma_start3A_47] : memref<10000x128xf32, #tpu.memory_space<hbm>> -> memref<632x128xf32, #tpu.memory_space<hbm>>
        tpu.enqueue_dma source(%dma_start3A_48 : memref<632x128xf32, #tpu.memory_space<hbm>>) target(%dma_start3A_46 : memref<632x128xf32, #tpu.memory_space<vmem_shared>>) target_semaphore(%run_scoped3A_44 : memref<!tpu.dma_semaphore, #tpu.memory_space<semaphore_mem>>)
        %dma_wait3A_49 = arith.constant 0 : i32
        %dma_wait3A_50 = tpu.memref_slice %arg14[%mul3A_43, %dma_wait3A_49] : memref<10000x128xf32, #tpu.memory_space<vmem_shared>> -> memref<632x128xf32, #tpu.memory_space<vmem_shared>>
        %dma_wait3A_51 = arith.constant 0 : i32
        %dma_wait3A_52 = tpu.memref_slice %arg5[%mul3A_41, %dma_wait3A_51] : memref<10000x128xf32, #tpu.memory_space<hbm>> -> memref<632x128xf32, #tpu.memory_space<hbm>>
        tpu.wait_dma2 semaphore(%run_scoped3A_44 : memref<!tpu.dma_semaphore, #tpu.memory_space<semaphore_mem>>) src(%dma_wait3A_52 : memref<632x128xf32, #tpu.memory_space<hbm>>) dst(%dma_wait3A_50 : memref<632x128xf32, #tpu.memory_space<vmem_shared>>)
        tpu.yield
      }) : () -> ()
    } else {
    }
    %eq3A = arith.constant 15 : i32
    %eq3A_3 = arith.cmpi eq, %arg1, %eq3A : i32
    %convert_element_type3A_4 = arith.extui %eq3A_3 : i1 to i32
    %cond3A_5 = arith.constant 0 : i32
    %cond3A_6 = arith.cmpi ne, %convert_element_type3A_4, %cond3A_5 : i32
    scf.if %cond3A_6 {
      "tpu.region"() ({
        %run_scoped3A_40 = tpu.sem_alloc : memref<!tpu.dma_semaphore, #tpu.memory_space<semaphore_mem>>
        %dma_start3A_41 = arith.constant 9480 : i32
        %dma_start3A_42 = arith.constant 0 : i32
        %dma_start3A_43 = tpu.memref_slice %arg14[%dma_start3A_41, %dma_start3A_42] : memref<10000x128xf32, #tpu.memory_space<vmem_shared>> -> memref<520x128xf32, #tpu.memory_space<vmem_shared>>
        %dma_start3A_44 = arith.constant 9480 : i32
        %dma_start3A_45 = arith.constant 0 : i32
        %dma_start3A_46 = tpu.memref_slice %arg5[%dma_start3A_44, %dma_start3A_45] : memref<10000x128xf32, #tpu.memory_space<hbm>> -> memref<520x128xf32, #tpu.memory_space<hbm>>
        tpu.enqueue_dma source(%dma_start3A_46 : memref<520x128xf32, #tpu.memory_space<hbm>>) target(%dma_start3A_43 : memref<520x128xf32, #tpu.memory_space<vmem_shared>>) target_semaphore(%run_scoped3A_40 : memref<!tpu.dma_semaphore, #tpu.memory_space<semaphore_mem>>)
        %dma_wait3A_47 = arith.constant 9480 : i32
        %dma_wait3A_48 = arith.constant 0 : i32
        %dma_wait3A_49 = tpu.memref_slice %arg14[%dma_wait3A_47, %dma_wait3A_48] : memref<10000x128xf32, #tpu.memory_space<vmem_shared>> -> memref<520x128xf32, #tpu.memory_space<vmem_shared>>
        %dma_wait3A_50 = arith.constant 9480 : i32
        %dma_wait3A_51 = arith.constant 0 : i32
        %dma_wait3A_52 = tpu.memref_slice %arg5[%dma_wait3A_50, %dma_wait3A_51] : memref<10000x128xf32, #tpu.memory_space<hbm>> -> memref<520x128xf32, #tpu.memory_space<hbm>>
        tpu.wait_dma2 semaphore(%run_scoped3A_40 : memref<!tpu.dma_semaphore, #tpu.memory_space<semaphore_mem>>) src(%dma_wait3A_52 : memref<520x128xf32, #tpu.memory_space<hbm>>) dst(%dma_wait3A_49 : memref<520x128xf32, #tpu.memory_space<vmem_shared>>)
        tpu.yield
      }) : () -> ()
    } else {
    }
    "tpu.region"() ({
      %run_scoped3A_40 = tpu.sem_alloc : memref<!tpu.dma_semaphore, #tpu.memory_space<semaphore_mem>>
      %dma_start3A_41 = arith.constant 0 : i32
      %dma_start3A_42 = arith.constant 0 : i32
      %dma_start3A_43 = tpu.memref_slice %arg4[%add3A, %dma_start3A_41, %dma_start3A_42] : memref<32x125x80xi32, #tpu.memory_space<hbm>> -> memref<1x125x80xi32, #tpu.memory_space<hbm>>
      %dma_start3A_44 = tpu.memref_squeeze %dma_start3A_43 : memref<1x125x80xi32, #tpu.memory_space<hbm>> -> memref<125x80xi32, #tpu.memory_space<hbm>>
      %dma_start3A_45 = arith.constant 0 : i32
      %dma_start3A_46 = arith.constant 0 : i32
      %dma_start3A_47 = tpu.memref_slice %arg4[%add3A, %dma_start3A_45, %dma_start3A_46] : memref<32x125x80xi32, #tpu.memory_space<hbm>> -> memref<1x125x80xi32, #tpu.memory_space<hbm>>
      %dma_start3A_48 = tpu.memref_squeeze %dma_start3A_47 : memref<1x125x80xi32, #tpu.memory_space<hbm>> -> memref<125x80xi32, #tpu.memory_space<hbm>>
      tpu.enqueue_dma source(%dma_start3A_48 : memref<125x80xi32, #tpu.memory_space<hbm>>) target(%arg10 : memref<125x80xi32, #tpu.memory_space<vmem>>) target_semaphore(%run_scoped3A_40 : memref<!tpu.dma_semaphore, #tpu.memory_space<semaphore_mem>>)
      %dma_wait3A_49 = arith.constant 0 : i32
      %dma_wait3A_50 = arith.constant 0 : i32
      %dma_wait3A_51 = tpu.memref_slice %arg4[%add3A, %dma_wait3A_49, %dma_wait3A_50] : memref<32x125x80xi32, #tpu.memory_space<hbm>> -> memref<1x125x80xi32, #tpu.memory_space<hbm>>
      %dma_wait3A_52 = tpu.memref_squeeze %dma_wait3A_51 : memref<1x125x80xi32, #tpu.memory_space<hbm>> -> memref<125x80xi32, #tpu.memory_space<hbm>>
      %dma_wait3A_53 = arith.constant 0 : i32
      %dma_wait3A_54 = arith.constant 0 : i32
      %dma_wait3A_55 = tpu.memref_slice %arg4[%add3A, %dma_wait3A_53, %dma_wait3A_54] : memref<32x125x80xi32, #tpu.memory_space<hbm>> -> memref<1x125x80xi32, #tpu.memory_space<hbm>>
      %dma_wait3A_56 = tpu.memref_squeeze %dma_wait3A_55 : memref<1x125x80xi32, #tpu.memory_space<hbm>> -> memref<125x80xi32, #tpu.memory_space<hbm>>
      tpu.wait_dma2 semaphore(%run_scoped3A_40 : memref<!tpu.dma_semaphore, #tpu.memory_space<semaphore_mem>>) src(%dma_wait3A_56 : memref<125x80xi32, #tpu.memory_space<hbm>>) dst(%arg10 : memref<125x80xi32, #tpu.memory_space<vmem>>)
      tpu.yield
    }) : () -> ()
    %barrier3A = arith.constant 0 : index
    tpu.barrier barrier_id(%barrier3A)
    %mul3A_7 = arith.constant 10000 : i32
    %mul3A_8 = arith.muli %add3A, %mul3A_7 : i32
    %add3A_9 = arith.constant 0 : i32
    %add3A_10 = arith.addi %mul3A_8, %add3A_9 : i32
    "tpu.region"() ({
      %run_scoped3A_40 = tpu.sem_alloc : memref<!tpu.dma_semaphore, #tpu.memory_space<semaphore_mem>>
      %dma_start3A_41 = tpu.memref_slice %arg3[%add3A_10] : memref<320000xi32, #tpu.memory_space<hbm>> -> memref<80xi32, #tpu.memory_space<hbm>>
      %dma_start3A_42 = tpu.memref_slice %arg3[%add3A_10] : memref<320000xi32, #tpu.memory_space<hbm>> -> memref<80xi32, #tpu.memory_space<hbm>>
      tpu.enqueue_dma source(%dma_start3A_42 : memref<80xi32, #tpu.memory_space<hbm>>) target(%arg7 : memref<80xi32, #tpu.memory_space<vmem>>) target_semaphore(%run_scoped3A_40 : memref<!tpu.dma_semaphore, #tpu.memory_space<semaphore_mem>>)
      %dma_wait3A_43 = tpu.memref_slice %arg3[%add3A_10] : memref<320000xi32, #tpu.memory_space<hbm>> -> memref<80xi32, #tpu.memory_space<hbm>>
      %dma_wait3A_44 = tpu.memref_slice %arg3[%add3A_10] : memref<320000xi32, #tpu.memory_space<hbm>> -> memref<80xi32, #tpu.memory_space<hbm>>
      tpu.wait_dma2 semaphore(%run_scoped3A_40 : memref<!tpu.dma_semaphore, #tpu.memory_space<semaphore_mem>>) src(%dma_wait3A_44 : memref<80xi32, #tpu.memory_space<hbm>>) dst(%arg7 : memref<80xi32, #tpu.memory_space<vmem>>)
      tpu.yield
    }) : () -> ()
    %dma_start3A = arith.constant 0 : i32
    %dma_start3A_11 = arith.constant 0 : i32
    %dma_start3A_12 = tpu.memref_slice %arg2[%dma_start3A, %dma_start3A_11] : memref<10000x128xf32, #tpu.memory_space<hbm>> -> memref<10000x128xf32, #tpu.memory_space<hbm>>
    tpu.enqueue_indirect_dma source(%dma_start3A_12 : memref<10000x128xf32, #tpu.memory_space<hbm>>) target(%arg11 : memref<80x128xf32, #tpu.memory_space<vmem>>) offsets(%arg7 : memref<80xi32, #tpu.memory_space<vmem>>) semaphore(%arg15 : memref<!tpu.dma_semaphore, #tpu.memory_space<semaphore_mem>>)
    %add3A_13 = arith.constant 80 : i32
    %add3A_14 = arith.addi %mul3A_8, %add3A_13 : i32
    "tpu.region"() ({
      %run_scoped3A_40 = tpu.sem_alloc : memref<!tpu.dma_semaphore, #tpu.memory_space<semaphore_mem>>
      %dma_start3A_41 = tpu.memref_slice %arg3[%add3A_14] : memref<320000xi32, #tpu.memory_space<hbm>> -> memref<80xi32, #tpu.memory_space<hbm>>
      %dma_start3A_42 = tpu.memref_slice %arg3[%add3A_14] : memref<320000xi32, #tpu.memory_space<hbm>> -> memref<80xi32, #tpu.memory_space<hbm>>
      tpu.enqueue_dma source(%dma_start3A_42 : memref<80xi32, #tpu.memory_space<hbm>>) target(%arg8 : memref<80xi32, #tpu.memory_space<vmem>>) target_semaphore(%run_scoped3A_40 : memref<!tpu.dma_semaphore, #tpu.memory_space<semaphore_mem>>)
      %dma_wait3A_43 = tpu.memref_slice %arg3[%add3A_14] : memref<320000xi32, #tpu.memory_space<hbm>> -> memref<80xi32, #tpu.memory_space<hbm>>
      %dma_wait3A_44 = tpu.memref_slice %arg3[%add3A_14] : memref<320000xi32, #tpu.memory_space<hbm>> -> memref<80xi32, #tpu.memory_space<hbm>>
      tpu.wait_dma2 semaphore(%run_scoped3A_40 : memref<!tpu.dma_semaphore, #tpu.memory_space<semaphore_mem>>) src(%dma_wait3A_44 : memref<80xi32, #tpu.memory_space<hbm>>) dst(%arg8 : memref<80xi32, #tpu.memory_space<vmem>>)
      tpu.yield
    }) : () -> ()
    %dma_start3A_15 = arith.constant 0 : i32
    %dma_start3A_16 = arith.constant 0 : i32
    %dma_start3A_17 = tpu.memref_slice %arg2[%dma_start3A_15, %dma_start3A_16] : memref<10000x128xf32, #tpu.memory_space<hbm>> -> memref<10000x128xf32, #tpu.memory_space<hbm>>
    tpu.enqueue_indirect_dma source(%dma_start3A_17 : memref<10000x128xf32, #tpu.memory_space<hbm>>) target(%arg12 : memref<80x128xf32, #tpu.memory_space<vmem>>) offsets(%arg8 : memref<80xi32, #tpu.memory_space<vmem>>) semaphore(%arg16 : memref<!tpu.dma_semaphore, #tpu.memory_space<semaphore_mem>>)
    %scan3A = arith.constant 0 : i32
    %scan3A_18 = arith.constant 0 : i32
    %scan3A_19 = arith.constant 41 : i32
    %scan3A_20 = arith.addi %scan3A_18, %scan3A_19 : i32
    %scan3A_21 = arith.constant 1 : i32
    scf.for %scan3A_40 = %scan3A_18 to %scan3A_20 step %scan3A_21  : i32 {
      %mul3A_41 = arith.constant 3 : i32
      %mul3A_42 = arith.muli %scan3A_40, %mul3A_41 : i32
      %add3A_43 = arith.constant 0 : i32
      %add3A_44 = arith.addi %mul3A_42, %add3A_43 : i32
      %dma_wait3A_45 = arith.constant 0 : i32
      %dma_wait3A_46 = arith.constant 0 : i32
      %dma_wait3A_47 = tpu.memref_slice %arg2[%dma_wait3A_45, %dma_wait3A_46] : memref<10000x128xf32, #tpu.memory_space<hbm>> -> memref<10000x128xf32, #tpu.memory_space<hbm>>
      tpu.wait_indirect_dma semaphore(%arg15 : memref<!tpu.dma_semaphore, #tpu.memory_space<semaphore_mem>>) src(%dma_wait3A_47 : memref<10000x128xf32, #tpu.memory_space<hbm>>) dst(%arg11 : memref<80x128xf32, #tpu.memory_space<vmem>>)
      "tpu.region"() ({
        %run_scoped3A_88 = tpu.sem_alloc : memref<!tpu.dma_semaphore, #tpu.memory_space<semaphore_mem>>
        %dma_start3A_89 = arith.constant 0 : i32
        %dma_start3A_90 = tpu.memref_slice %arg10[%add3A_44, %dma_start3A_89] : memref<125x80xi32, #tpu.memory_space<vmem>> -> memref<1x80xi32, #tpu.memory_space<vmem>>
        %dma_start3A_91 = tpu.memref_squeeze %dma_start3A_90 : memref<1x80xi32, #tpu.memory_space<vmem>> -> memref<80xi32, #tpu.memory_space<vmem>>
        %dma_start3A_92 = arith.constant 0 : i32
        %dma_start3A_93 = arith.constant 0 : i32
        %dma_start3A_94 = tpu.memref_slice %arg14[%dma_start3A_92, %dma_start3A_93] : memref<10000x128xf32, #tpu.memory_space<vmem_shared>> -> memref<10000x128xf32, #tpu.memory_space<vmem_shared>>
        tpu.enqueue_indirect_dma source(%arg11 : memref<80x128xf32, #tpu.memory_space<vmem>>) target(%dma_start3A_94 : memref<10000x128xf32, #tpu.memory_space<vmem_shared>>) offsets(%dma_start3A_91 : memref<80xi32, #tpu.memory_space<vmem>>) semaphore(%run_scoped3A_88 : memref<!tpu.dma_semaphore, #tpu.memory_space<semaphore_mem>>) {add = true}
        %dma_wait3A_95 = arith.constant 0 : i32
        %dma_wait3A_96 = tpu.memref_slice %arg10[%add3A_44, %dma_wait3A_95] : memref<125x80xi32, #tpu.memory_space<vmem>> -> memref<1x80xi32, #tpu.memory_space<vmem>>
        %dma_wait3A_97 = tpu.memref_squeeze %dma_wait3A_96 : memref<1x80xi32, #tpu.memory_space<vmem>> -> memref<80xi32, #tpu.memory_space<vmem>>
        %dma_wait3A_98 = arith.constant 0 : i32
        %dma_wait3A_99 = arith.constant 0 : i32
        %dma_wait3A_100 = tpu.memref_slice %arg14[%dma_wait3A_98, %dma_wait3A_99] : memref<10000x128xf32, #tpu.memory_space<vmem_shared>> -> memref<10000x128xf32, #tpu.memory_space<vmem_shared>>
        tpu.wait_indirect_dma semaphore(%run_scoped3A_88 : memref<!tpu.dma_semaphore, #tpu.memory_space<semaphore_mem>>) src(%arg11 : memref<80x128xf32, #tpu.memory_space<vmem>>) dst(%dma_wait3A_100 : memref<10000x128xf32, #tpu.memory_space<vmem_shared>>)
        tpu.yield
      }) : () -> ()
      %add3A_48 = arith.constant 0 : i32
      %add3A_49 = arith.addi %mul3A_42, %add3A_48 : i32
      %add3A_50 = arith.constant 2 : i32
      %add3A_51 = arith.addi %add3A_49, %add3A_50 : i32
      %mul3A_52 = arith.constant 80 : i32
      %mul3A_53 = arith.muli %add3A_51, %mul3A_52 : i32
      %add3A_54 = arith.addi %mul3A_8, %mul3A_53 : i32
      "tpu.region"() ({
        %run_scoped3A_88 = tpu.sem_alloc : memref<!tpu.dma_semaphore, #tpu.memory_space<semaphore_mem>>
        %dma_start3A_89 = tpu.memref_slice %arg3[%add3A_54] : memref<320000xi32, #tpu.memory_space<hbm>> -> memref<80xi32, #tpu.memory_space<hbm>>
        %dma_start3A_90 = tpu.memref_slice %arg3[%add3A_54] : memref<320000xi32, #tpu.memory_space<hbm>> -> memref<80xi32, #tpu.memory_space<hbm>>
        tpu.enqueue_dma source(%dma_start3A_90 : memref<80xi32, #tpu.memory_space<hbm>>) target(%arg9 : memref<80xi32, #tpu.memory_space<vmem>>) target_semaphore(%run_scoped3A_88 : memref<!tpu.dma_semaphore, #tpu.memory_space<semaphore_mem>>)
        %dma_wait3A_91 = tpu.memref_slice %arg3[%add3A_54] : memref<320000xi32, #tpu.memory_space<hbm>> -> memref<80xi32, #tpu.memory_space<hbm>>
        %dma_wait3A_92 = tpu.memref_slice %arg3[%add3A_54] : memref<320000xi32, #tpu.memory_space<hbm>> -> memref<80xi32, #tpu.memory_space<hbm>>
        tpu.wait_dma2 semaphore(%run_scoped3A_88 : memref<!tpu.dma_semaphore, #tpu.memory_space<semaphore_mem>>) src(%dma_wait3A_92 : memref<80xi32, #tpu.memory_space<hbm>>) dst(%arg9 : memref<80xi32, #tpu.memory_space<vmem>>)
        tpu.yield
      }) : () -> ()
      %dma_start3A_55 = arith.constant 0 : i32
      %dma_start3A_56 = arith.constant 0 : i32
      %dma_start3A_57 = tpu.memref_slice %arg2[%dma_start3A_55, %dma_start3A_56] : memref<10000x128xf32, #tpu.memory_space<hbm>> -> memref<10000x128xf32, #tpu.memory_space<hbm>>
      tpu.enqueue_indirect_dma source(%dma_start3A_57 : memref<10000x128xf32, #tpu.memory_space<hbm>>) target(%arg13 : memref<80x128xf32, #tpu.memory_space<vmem>>) offsets(%arg9 : memref<80xi32, #tpu.memory_space<vmem>>) semaphore(%arg17 : memref<!tpu.dma_semaphore, #tpu.memory_space<semaphore_mem>>)
      %add3A_58 = arith.constant 1 : i32
      %add3A_59 = arith.addi %mul3A_42, %add3A_58 : i32
      %dma_wait3A_60 = arith.constant 0 : i32
      %dma_wait3A_61 = arith.constant 0 : i32
      %dma_wait3A_62 = tpu.memref_slice %arg2[%dma_wait3A_60, %dma_wait3A_61] : memref<10000x128xf32, #tpu.memory_space<hbm>> -> memref<10000x128xf32, #tpu.memory_space<hbm>>
      tpu.wait_indirect_dma semaphore(%arg16 : memref<!tpu.dma_semaphore, #tpu.memory_space<semaphore_mem>>) src(%dma_wait3A_62 : memref<10000x128xf32, #tpu.memory_space<hbm>>) dst(%arg12 : memref<80x128xf32, #tpu.memory_space<vmem>>)
      "tpu.region"() ({
        %run_scoped3A_88 = tpu.sem_alloc : memref<!tpu.dma_semaphore, #tpu.memory_space<semaphore_mem>>
        %dma_start3A_89 = arith.constant 0 : i32
        %dma_start3A_90 = tpu.memref_slice %arg10[%add3A_59, %dma_start3A_89] : memref<125x80xi32, #tpu.memory_space<vmem>> -> memref<1x80xi32, #tpu.memory_space<vmem>>
        %dma_start3A_91 = tpu.memref_squeeze %dma_start3A_90 : memref<1x80xi32, #tpu.memory_space<vmem>> -> memref<80xi32, #tpu.memory_space<vmem>>
        %dma_start3A_92 = arith.constant 0 : i32
        %dma_start3A_93 = arith.constant 0 : i32
        %dma_start3A_94 = tpu.memref_slice %arg14[%dma_start3A_92, %dma_start3A_93] : memref<10000x128xf32, #tpu.memory_space<vmem_shared>> -> memref<10000x128xf32, #tpu.memory_space<vmem_shared>>
        tpu.enqueue_indirect_dma source(%arg12 : memref<80x128xf32, #tpu.memory_space<vmem>>) target(%dma_start3A_94 : memref<10000x128xf32, #tpu.memory_space<vmem_shared>>) offsets(%dma_start3A_91 : memref<80xi32, #tpu.memory_space<vmem>>) semaphore(%run_scoped3A_88 : memref<!tpu.dma_semaphore, #tpu.memory_space<semaphore_mem>>) {add = true}
        %dma_wait3A_95 = arith.constant 0 : i32
        %dma_wait3A_96 = tpu.memref_slice %arg10[%add3A_59, %dma_wait3A_95] : memref<125x80xi32, #tpu.memory_space<vmem>> -> memref<1x80xi32, #tpu.memory_space<vmem>>
        %dma_wait3A_97 = tpu.memref_squeeze %dma_wait3A_96 : memref<1x80xi32, #tpu.memory_space<vmem>> -> memref<80xi32, #tpu.memory_space<vmem>>
        %dma_wait3A_98 = arith.constant 0 : i32
        %dma_wait3A_99 = arith.constant 0 : i32
        %dma_wait3A_100 = tpu.memref_slice %arg14[%dma_wait3A_98, %dma_wait3A_99] : memref<10000x128xf32, #tpu.memory_space<vmem_shared>> -> memref<10000x128xf32, #tpu.memory_space<vmem_shared>>
        tpu.wait_indirect_dma semaphore(%run_scoped3A_88 : memref<!tpu.dma_semaphore, #tpu.memory_space<semaphore_mem>>) src(%arg12 : memref<80x128xf32, #tpu.memory_space<vmem>>) dst(%dma_wait3A_100 : memref<10000x128xf32, #tpu.memory_space<vmem_shared>>)
        tpu.yield
      }) : () -> ()
      %add3A_63 = arith.constant 1 : i32
      %add3A_64 = arith.addi %mul3A_42, %add3A_63 : i32
      %add3A_65 = arith.constant 2 : i32
      %add3A_66 = arith.addi %add3A_64, %add3A_65 : i32
      %mul3A_67 = arith.constant 80 : i32
      %mul3A_68 = arith.muli %add3A_66, %mul3A_67 : i32
      %add3A_69 = arith.addi %mul3A_8, %mul3A_68 : i32
      "tpu.region"() ({
        %run_scoped3A_88 = tpu.sem_alloc : memref<!tpu.dma_semaphore, #tpu.memory_space<semaphore_mem>>
        %dma_start3A_89 = tpu.memref_slice %arg3[%add3A_69] : memref<320000xi32, #tpu.memory_space<hbm>> -> memref<80xi32, #tpu.memory_space<hbm>>
        %dma_start3A_90 = tpu.memref_slice %arg3[%add3A_69] : memref<320000xi32, #tpu.memory_space<hbm>> -> memref<80xi32, #tpu.memory_space<hbm>>
        tpu.enqueue_dma source(%dma_start3A_90 : memref<80xi32, #tpu.memory_space<hbm>>) target(%arg7 : memref<80xi32, #tpu.memory_space<vmem>>) target_semaphore(%run_scoped3A_88 : memref<!tpu.dma_semaphore, #tpu.memory_space<semaphore_mem>>)
        %dma_wait3A_91 = tpu.memref_slice %arg3[%add3A_69] : memref<320000xi32, #tpu.memory_space<hbm>> -> memref<80xi32, #tpu.memory_space<hbm>>
        %dma_wait3A_92 = tpu.memref_slice %arg3[%add3A_69] : memref<320000xi32, #tpu.memory_space<hbm>> -> memref<80xi32, #tpu.memory_space<hbm>>
        tpu.wait_dma2 semaphore(%run_scoped3A_88 : memref<!tpu.dma_semaphore, #tpu.memory_space<semaphore_mem>>) src(%dma_wait3A_92 : memref<80xi32, #tpu.memory_space<hbm>>) dst(%arg7 : memref<80xi32, #tpu.memory_space<vmem>>)
        tpu.yield
      }) : () -> ()
      %dma_start3A_70 = arith.constant 0 : i32
      %dma_start3A_71 = arith.constant 0 : i32
      %dma_start3A_72 = tpu.memref_slice %arg2[%dma_start3A_70, %dma_start3A_71] : memref<10000x128xf32, #tpu.memory_space<hbm>> -> memref<10000x128xf32, #tpu.memory_space<hbm>>
      tpu.enqueue_indirect_dma source(%dma_start3A_72 : memref<10000x128xf32, #tpu.memory_space<hbm>>) target(%arg11 : memref<80x128xf32, #tpu.memory_space<vmem>>) offsets(%arg7 : memref<80xi32, #tpu.memory_space<vmem>>) semaphore(%arg15 : memref<!tpu.dma_semaphore, #tpu.memory_space<semaphore_mem>>)
      %add3A_73 = arith.constant 2 : i32
      %add3A_74 = arith.addi %mul3A_42, %add3A_73 : i32
      %dma_wait3A_75 = arith.constant 0 : i32
      %dma_wait3A_76 = arith.constant 0 : i32
      %dma_wait3A_77 = tpu.memref_slice %arg2[%dma_wait3A_75, %dma_wait3A_76] : memref<10000x128xf32, #tpu.memory_space<hbm>> -> memref<10000x128xf32, #tpu.memory_space<hbm>>
      tpu.wait_indirect_dma semaphore(%arg17 : memref<!tpu.dma_semaphore, #tpu.memory_space<semaphore_mem>>) src(%dma_wait3A_77 : memref<10000x128xf32, #tpu.memory_space<hbm>>) dst(%arg13 : memref<80x128xf32, #tpu.memory_space<vmem>>)
      "tpu.region"() ({
        %run_scoped3A_88 = tpu.sem_alloc : memref<!tpu.dma_semaphore, #tpu.memory_space<semaphore_mem>>
        %dma_start3A_89 = arith.constant 0 : i32
        %dma_start3A_90 = tpu.memref_slice %arg10[%add3A_74, %dma_start3A_89] : memref<125x80xi32, #tpu.memory_space<vmem>> -> memref<1x80xi32, #tpu.memory_space<vmem>>
        %dma_start3A_91 = tpu.memref_squeeze %dma_start3A_90 : memref<1x80xi32, #tpu.memory_space<vmem>> -> memref<80xi32, #tpu.memory_space<vmem>>
        %dma_start3A_92 = arith.constant 0 : i32
        %dma_start3A_93 = arith.constant 0 : i32
        %dma_start3A_94 = tpu.memref_slice %arg14[%dma_start3A_92, %dma_start3A_93] : memref<10000x128xf32, #tpu.memory_space<vmem_shared>> -> memref<10000x128xf32, #tpu.memory_space<vmem_shared>>
        tpu.enqueue_indirect_dma source(%arg13 : memref<80x128xf32, #tpu.memory_space<vmem>>) target(%dma_start3A_94 : memref<10000x128xf32, #tpu.memory_space<vmem_shared>>) offsets(%dma_start3A_91 : memref<80xi32, #tpu.memory_space<vmem>>) semaphore(%run_scoped3A_88 : memref<!tpu.dma_semaphore, #tpu.memory_space<semaphore_mem>>) {add = true}
        %dma_wait3A_95 = arith.constant 0 : i32
        %dma_wait3A_96 = tpu.memref_slice %arg10[%add3A_74, %dma_wait3A_95] : memref<125x80xi32, #tpu.memory_space<vmem>> -> memref<1x80xi32, #tpu.memory_space<vmem>>
        %dma_wait3A_97 = tpu.memref_squeeze %dma_wait3A_96 : memref<1x80xi32, #tpu.memory_space<vmem>> -> memref<80xi32, #tpu.memory_space<vmem>>
        %dma_wait3A_98 = arith.constant 0 : i32
        %dma_wait3A_99 = arith.constant 0 : i32
        %dma_wait3A_100 = tpu.memref_slice %arg14[%dma_wait3A_98, %dma_wait3A_99] : memref<10000x128xf32, #tpu.memory_space<vmem_shared>> -> memref<10000x128xf32, #tpu.memory_space<vmem_shared>>
        tpu.wait_indirect_dma semaphore(%run_scoped3A_88 : memref<!tpu.dma_semaphore, #tpu.memory_space<semaphore_mem>>) src(%arg13 : memref<80x128xf32, #tpu.memory_space<vmem>>) dst(%dma_wait3A_100 : memref<10000x128xf32, #tpu.memory_space<vmem_shared>>)
        tpu.yield
      }) : () -> ()
      %add3A_78 = arith.constant 2 : i32
      %add3A_79 = arith.addi %mul3A_42, %add3A_78 : i32
      %add3A_80 = arith.constant 2 : i32
      %add3A_81 = arith.addi %add3A_79, %add3A_80 : i32
      %mul3A_82 = arith.constant 80 : i32
      %mul3A_83 = arith.muli %add3A_81, %mul3A_82 : i32
      %add3A_84 = arith.addi %mul3A_8, %mul3A_83 : i32
      "tpu.region"() ({
        %run_scoped3A_88 = tpu.sem_alloc : memref<!tpu.dma_semaphore, #tpu.memory_space<semaphore_mem>>
        %dma_start3A_89 = tpu.memref_slice %arg3[%add3A_84] : memref<320000xi32, #tpu.memory_space<hbm>> -> memref<80xi32, #tpu.memory_space<hbm>>
        %dma_start3A_90 = tpu.memref_slice %arg3[%add3A_84] : memref<320000xi32, #tpu.memory_space<hbm>> -> memref<80xi32, #tpu.memory_space<hbm>>
        tpu.enqueue_dma source(%dma_start3A_90 : memref<80xi32, #tpu.memory_space<hbm>>) target(%arg8 : memref<80xi32, #tpu.memory_space<vmem>>) target_semaphore(%run_scoped3A_88 : memref<!tpu.dma_semaphore, #tpu.memory_space<semaphore_mem>>)
        %dma_wait3A_91 = tpu.memref_slice %arg3[%add3A_84] : memref<320000xi32, #tpu.memory_space<hbm>> -> memref<80xi32, #tpu.memory_space<hbm>>
        %dma_wait3A_92 = tpu.memref_slice %arg3[%add3A_84] : memref<320000xi32, #tpu.memory_space<hbm>> -> memref<80xi32, #tpu.memory_space<hbm>>
        tpu.wait_dma2 semaphore(%run_scoped3A_88 : memref<!tpu.dma_semaphore, #tpu.memory_space<semaphore_mem>>) src(%dma_wait3A_92 : memref<80xi32, #tpu.memory_space<hbm>>) dst(%arg8 : memref<80xi32, #tpu.memory_space<vmem>>)
        tpu.yield
      }) : () -> ()
      %dma_start3A_85 = arith.constant 0 : i32
      %dma_start3A_86 = arith.constant 0 : i32
      %dma_start3A_87 = tpu.memref_slice %arg2[%dma_start3A_85, %dma_start3A_86] : memref<10000x128xf32, #tpu.memory_space<hbm>> -> memref<10000x128xf32, #tpu.memory_space<hbm>>
      tpu.enqueue_indirect_dma source(%dma_start3A_87 : memref<10000x128xf32, #tpu.memory_space<hbm>>) target(%arg12 : memref<80x128xf32, #tpu.memory_space<vmem>>) offsets(%arg8 : memref<80xi32, #tpu.memory_space<vmem>>) semaphore(%arg16 : memref<!tpu.dma_semaphore, #tpu.memory_space<semaphore_mem>>)
    }
    %scan3A_22 = arith.constant 41 : i32
    %dma_wait3A = arith.constant 0 : i32
    %dma_wait3A_23 = arith.constant 0 : i32
    %dma_wait3A_24 = tpu.memref_slice %arg2[%dma_wait3A, %dma_wait3A_23] : memref<10000x128xf32, #tpu.memory_space<hbm>> -> memref<10000x128xf32, #tpu.memory_space<hbm>>
    tpu.wait_indirect_dma semaphore(%arg15 : memref<!tpu.dma_semaphore, #tpu.memory_space<semaphore_mem>>) src(%dma_wait3A_24 : memref<10000x128xf32, #tpu.memory_space<hbm>>) dst(%arg11 : memref<80x128xf32, #tpu.memory_space<vmem>>)
    %run_scoped3A = arith.constant 123 : i32
    "tpu.region"() ({
      %run_scoped3A_40 = tpu.sem_alloc : memref<!tpu.dma_semaphore, #tpu.memory_space<semaphore_mem>>
      %dma_start3A_41 = arith.constant 0 : i32
      %dma_start3A_42 = tpu.memref_slice %arg10[%run_scoped3A, %dma_start3A_41] : memref<125x80xi32, #tpu.memory_space<vmem>> -> memref<1x80xi32, #tpu.memory_space<vmem>>
      %dma_start3A_43 = tpu.memref_squeeze %dma_start3A_42 : memref<1x80xi32, #tpu.memory_space<vmem>> -> memref<80xi32, #tpu.memory_space<vmem>>
      %dma_start3A_44 = arith.constant 0 : i32
      %dma_start3A_45 = arith.constant 0 : i32
      %dma_start3A_46 = tpu.memref_slice %arg14[%dma_start3A_44, %dma_start3A_45] : memref<10000x128xf32, #tpu.memory_space<vmem_shared>> -> memref<10000x128xf32, #tpu.memory_space<vmem_shared>>
      tpu.enqueue_indirect_dma source(%arg11 : memref<80x128xf32, #tpu.memory_space<vmem>>) target(%dma_start3A_46 : memref<10000x128xf32, #tpu.memory_space<vmem_shared>>) offsets(%dma_start3A_43 : memref<80xi32, #tpu.memory_space<vmem>>) semaphore(%run_scoped3A_40 : memref<!tpu.dma_semaphore, #tpu.memory_space<semaphore_mem>>) {add = true}
      %dma_wait3A_47 = arith.constant 0 : i32
      %dma_wait3A_48 = tpu.memref_slice %arg10[%run_scoped3A, %dma_wait3A_47] : memref<125x80xi32, #tpu.memory_space<vmem>> -> memref<1x80xi32, #tpu.memory_space<vmem>>
      %dma_wait3A_49 = tpu.memref_squeeze %dma_wait3A_48 : memref<1x80xi32, #tpu.memory_space<vmem>> -> memref<80xi32, #tpu.memory_space<vmem>>
      %dma_wait3A_50 = arith.constant 0 : i32
      %dma_wait3A_51 = arith.constant 0 : i32
      %dma_wait3A_52 = tpu.memref_slice %arg14[%dma_wait3A_50, %dma_wait3A_51] : memref<10000x128xf32, #tpu.memory_space<vmem_shared>> -> memref<10000x128xf32, #tpu.memory_space<vmem_shared>>
      tpu.wait_indirect_dma semaphore(%run_scoped3A_40 : memref<!tpu.dma_semaphore, #tpu.memory_space<semaphore_mem>>) src(%arg11 : memref<80x128xf32, #tpu.memory_space<vmem>>) dst(%dma_wait3A_52 : memref<10000x128xf32, #tpu.memory_space<vmem_shared>>)
      tpu.yield
    }) : () -> ()
    %dma_wait3A_25 = arith.constant 0 : i32
    %dma_wait3A_26 = arith.constant 0 : i32
    %dma_wait3A_27 = tpu.memref_slice %arg2[%dma_wait3A_25, %dma_wait3A_26] : memref<10000x128xf32, #tpu.memory_space<hbm>> -> memref<10000x128xf32, #tpu.memory_space<hbm>>
    tpu.wait_indirect_dma semaphore(%arg16 : memref<!tpu.dma_semaphore, #tpu.memory_space<semaphore_mem>>) src(%dma_wait3A_27 : memref<10000x128xf32, #tpu.memory_space<hbm>>) dst(%arg12 : memref<80x128xf32, #tpu.memory_space<vmem>>)
    %run_scoped3A_28 = arith.constant 124 : i32
    "tpu.region"() ({
      %run_scoped3A_40 = tpu.sem_alloc : memref<!tpu.dma_semaphore, #tpu.memory_space<semaphore_mem>>
      %dma_start3A_41 = arith.constant 0 : i32
      %dma_start3A_42 = tpu.memref_slice %arg10[%run_scoped3A_28, %dma_start3A_41] : memref<125x80xi32, #tpu.memory_space<vmem>> -> memref<1x80xi32, #tpu.memory_space<vmem>>
      %dma_start3A_43 = tpu.memref_squeeze %dma_start3A_42 : memref<1x80xi32, #tpu.memory_space<vmem>> -> memref<80xi32, #tpu.memory_space<vmem>>
      %dma_start3A_44 = arith.constant 0 : i32
      %dma_start3A_45 = arith.constant 0 : i32
      %dma_start3A_46 = tpu.memref_slice %arg14[%dma_start3A_44, %dma_start3A_45] : memref<10000x128xf32, #tpu.memory_space<vmem_shared>> -> memref<10000x128xf32, #tpu.memory_space<vmem_shared>>
      tpu.enqueue_indirect_dma source(%arg12 : memref<80x128xf32, #tpu.memory_space<vmem>>) target(%dma_start3A_46 : memref<10000x128xf32, #tpu.memory_space<vmem_shared>>) offsets(%dma_start3A_43 : memref<80xi32, #tpu.memory_space<vmem>>) semaphore(%run_scoped3A_40 : memref<!tpu.dma_semaphore, #tpu.memory_space<semaphore_mem>>) {add = true}
      %dma_wait3A_47 = arith.constant 0 : i32
      %dma_wait3A_48 = tpu.memref_slice %arg10[%run_scoped3A_28, %dma_wait3A_47] : memref<125x80xi32, #tpu.memory_space<vmem>> -> memref<1x80xi32, #tpu.memory_space<vmem>>
      %dma_wait3A_49 = tpu.memref_squeeze %dma_wait3A_48 : memref<1x80xi32, #tpu.memory_space<vmem>> -> memref<80xi32, #tpu.memory_space<vmem>>
      %dma_wait3A_50 = arith.constant 0 : i32
      %dma_wait3A_51 = arith.constant 0 : i32
      %dma_wait3A_52 = tpu.memref_slice %arg14[%dma_wait3A_50, %dma_wait3A_51] : memref<10000x128xf32, #tpu.memory_space<vmem_shared>> -> memref<10000x128xf32, #tpu.memory_space<vmem_shared>>
      tpu.wait_indirect_dma semaphore(%run_scoped3A_40 : memref<!tpu.dma_semaphore, #tpu.memory_space<semaphore_mem>>) src(%arg12 : memref<80x128xf32, #tpu.memory_space<vmem>>) dst(%dma_wait3A_52 : memref<10000x128xf32, #tpu.memory_space<vmem_shared>>)
      tpu.yield
    }) : () -> ()
    %barrier3A_29 = arith.constant 0 : index
    tpu.barrier barrier_id(%barrier3A_29)
    %lt3A_30 = arith.constant 15 : i32
    %lt3A_31 = arith.cmpi slt, %arg1, %lt3A_30 : i32
    %convert_element_type3A_32 = arith.extui %lt3A_31 : i1 to i32
    %cond3A_33 = arith.constant 0 : i32
    %cond3A_34 = arith.cmpi ne, %convert_element_type3A_32, %cond3A_33 : i32
    scf.if %cond3A_34 {
      %mul3A_40 = arith.constant 632 : i32
      %mul3A_41 = arith.muli %arg1, %mul3A_40 : i32
      %mul3A_42 = arith.constant 632 : i32
      %mul3A_43 = arith.muli %arg1, %mul3A_42 : i32
      "tpu.region"() ({
        %run_scoped3A_44 = tpu.sem_alloc : memref<!tpu.dma_semaphore, #tpu.memory_space<semaphore_mem>>
        %dma_start3A_45 = arith.constant 0 : i32
        %dma_start3A_46 = tpu.memref_slice %arg6[%arg0, %mul3A_43, %dma_start3A_45] : memref<2x10000x128xf32, #tpu.memory_space<hbm>> -> memref<1x632x128xf32, #tpu.memory_space<hbm>>
        %dma_start3A_47 = tpu.memref_squeeze %dma_start3A_46 : memref<1x632x128xf32, #tpu.memory_space<hbm>> -> memref<632x128xf32, #tpu.memory_space<hbm>>
        %dma_start3A_48 = arith.constant 0 : i32
        %dma_start3A_49 = tpu.memref_slice %arg14[%mul3A_41, %dma_start3A_48] : memref<10000x128xf32, #tpu.memory_space<vmem_shared>> -> memref<632x128xf32, #tpu.memory_space<vmem_shared>>
        tpu.enqueue_dma source(%dma_start3A_49 : memref<632x128xf32, #tpu.memory_space<vmem_shared>>) target(%dma_start3A_47 : memref<632x128xf32, #tpu.memory_space<hbm>>) target_semaphore(%run_scoped3A_44 : memref<!tpu.dma_semaphore, #tpu.memory_space<semaphore_mem>>)
        %dma_wait3A_50 = arith.constant 0 : i32
        %dma_wait3A_51 = tpu.memref_slice %arg6[%arg0, %mul3A_43, %dma_wait3A_50] : memref<2x10000x128xf32, #tpu.memory_space<hbm>> -> memref<1x632x128xf32, #tpu.memory_space<hbm>>
        %dma_wait3A_52 = tpu.memref_squeeze %dma_wait3A_51 : memref<1x632x128xf32, #tpu.memory_space<hbm>> -> memref<632x128xf32, #tpu.memory_space<hbm>>
        %dma_wait3A_53 = arith.constant 0 : i32
        %dma_wait3A_54 = tpu.memref_slice %arg14[%mul3A_41, %dma_wait3A_53] : memref<10000x128xf32, #tpu.memory_space<vmem_shared>> -> memref<632x128xf32, #tpu.memory_space<vmem_shared>>
        tpu.wait_dma2 semaphore(%run_scoped3A_44 : memref<!tpu.dma_semaphore, #tpu.memory_space<semaphore_mem>>) src(%dma_wait3A_54 : memref<632x128xf32, #tpu.memory_space<vmem_shared>>) dst(%dma_wait3A_52 : memref<632x128xf32, #tpu.memory_space<hbm>>)
        tpu.yield
      }) : () -> ()
    } else {
    }
    %eq3A_35 = arith.constant 15 : i32
    %eq3A_36 = arith.cmpi eq, %arg1, %eq3A_35 : i32
    %convert_element_type3A_37 = arith.extui %eq3A_36 : i1 to i32
    %cond3A_38 = arith.constant 0 : i32
    %cond3A_39 = arith.cmpi ne, %convert_element_type3A_37, %cond3A_38 : i32
    scf.if %cond3A_39 {
      "tpu.region"() ({
        %run_scoped3A_40 = tpu.sem_alloc : memref<!tpu.dma_semaphore, #tpu.memory_space<semaphore_mem>>
        %dma_start3A_41 = arith.constant 9480 : i32
        %dma_start3A_42 = arith.constant 0 : i32
        %dma_start3A_43 = tpu.memref_slice %arg6[%arg0, %dma_start3A_41, %dma_start3A_42] : memref<2x10000x128xf32, #tpu.memory_space<hbm>> -> memref<1x520x128xf32, #tpu.memory_space<hbm>>
        %dma_start3A_44 = tpu.memref_squeeze %dma_start3A_43 : memref<1x520x128xf32, #tpu.memory_space<hbm>> -> memref<520x128xf32, #tpu.memory_space<hbm>>
        %dma_start3A_45 = arith.constant 9480 : i32
        %dma_start3A_46 = arith.constant 0 : i32
        %dma_start3A_47 = tpu.memref_slice %arg14[%dma_start3A_45, %dma_start3A_46] : memref<10000x128xf32, #tpu.memory_space<vmem_shared>> -> memref<520x128xf32, #tpu.memory_space<vmem_shared>>
        tpu.enqueue_dma source(%dma_start3A_47 : memref<520x128xf32, #tpu.memory_space<vmem_shared>>) target(%dma_start3A_44 : memref<520x128xf32, #tpu.memory_space<hbm>>) target_semaphore(%run_scoped3A_40 : memref<!tpu.dma_semaphore, #tpu.memory_space<semaphore_mem>>)
        %dma_wait3A_48 = arith.constant 9480 : i32
        %dma_wait3A_49 = arith.constant 0 : i32
        %dma_wait3A_50 = tpu.memref_slice %arg6[%arg0, %dma_wait3A_48, %dma_wait3A_49] : memref<2x10000x128xf32, #tpu.memory_space<hbm>> -> memref<1x520x128xf32, #tpu.memory_space<hbm>>
        %dma_wait3A_51 = tpu.memref_squeeze %dma_wait3A_50 : memref<1x520x128xf32, #tpu.memory_space<hbm>> -> memref<520x128xf32, #tpu.memory_space<hbm>>
        %dma_wait3A_52 = arith.constant 9480 : i32
        %dma_wait3A_53 = arith.constant 0 : i32
        %dma_wait3A_54 = tpu.memref_slice %arg14[%dma_wait3A_52, %dma_wait3A_53] : memref<10000x128xf32, #tpu.memory_space<vmem_shared>> -> memref<520x128xf32, #tpu.memory_space<vmem_shared>>
        tpu.wait_dma2 semaphore(%run_scoped3A_40 : memref<!tpu.dma_semaphore, #tpu.memory_space<semaphore_mem>>) src(%dma_wait3A_54 : memref<520x128xf32, #tpu.memory_space<vmem_shared>>) dst(%dma_wait3A_51 : memref<520x128xf32, #tpu.memory_space<hbm>>)
        tpu.yield
      }) : () -> ()
    } else {
    }
    return
  }
}

module attributes {stable_mosaic.version = 14 : i64} {
  func.func @_mlp_body(%arg0: i32, %arg1: memref<2x1000x128xf32, #tpu.memory_space<vmem>>, %arg2: memref<2x1000x128xf32, #tpu.memory_space<vmem>>, %arg3: memref<1000x128xf32, #tpu.memory_space<vmem>>, %arg4: memref<128x128xf32, #tpu.memory_space<vmem>>, %arg5: memref<16x128xf32, #tpu.memory_space<vmem>>, %arg6: memref<1x128xf32, #tpu.memory_space<vmem>>, %arg7: memref<128x256xf32, #tpu.memory_space<vmem>>, %arg8: memref<1x256xf32, #tpu.memory_space<vmem>>, %arg9: memref<256x128xf32, #tpu.memory_space<vmem>>, %arg10: memref<1x128xf32, #tpu.memory_space<vmem>>, %arg11: memref<1000x128xf32, #tpu.memory_space<vmem>>) attributes {dimension_semantics = [#tpu.dimension_semantics<arbitrary>], iteration_bounds = array<i64: 10>, scalar_prefetch = 0 : i64, scratch_operands = 0 : i64, tpu.core_type = #tpu.core_type<tc>, window_params = [{transform_indices = @transform_0, window_bounds = array<i64: 2, 1000, 128>}, {transform_indices = @transform_1, window_bounds = array<i64: 2, 1000, 128>}, {transform_indices = @transform_2, window_bounds = array<i64: 1000, 128>}, {pipeline_mode = #tpu.pipeline_mode<synchronous>, transform_indices = @transform_3, window_bounds = array<i64: 128, 128>}, {pipeline_mode = #tpu.pipeline_mode<synchronous>, transform_indices = @transform_4, window_bounds = array<i64: 16, 128>}, {pipeline_mode = #tpu.pipeline_mode<synchronous>, transform_indices = @transform_5, window_bounds = array<i64: 1, 128>}, {pipeline_mode = #tpu.pipeline_mode<synchronous>, transform_indices = @transform_6, window_bounds = array<i64: 128, 256>}, {pipeline_mode = #tpu.pipeline_mode<synchronous>, transform_indices = @transform_7, window_bounds = array<i64: 1, 256>}, {pipeline_mode = #tpu.pipeline_mode<synchronous>, transform_indices = @transform_8, window_bounds = array<i64: 256, 128>}, {pipeline_mode = #tpu.pipeline_mode<synchronous>, transform_indices = @transform_9, window_bounds = array<i64: 1, 128>}, {transform_indices = @transform_10, window_bounds = array<i64: 1000, 128>}]} {
    %get3A = arith.constant 0 : index
    %get3A_0 = arith.constant 0 : index
    %get3A_1 = arith.constant 0 : index
    %get3A_2 = vector.load %arg1[%get3A, %get3A_0, %get3A_1] : memref<2x1000x128xf32, #tpu.memory_space<vmem>>, vector<1x1000x128xf32>
    %get3A_3 = vector.shape_cast %get3A_2 : vector<1x1000x128xf32> to vector<1000x128xf32>
    %get3A_4 = arith.constant 1 : index
    %get3A_5 = arith.constant 0 : index
    %get3A_6 = arith.constant 0 : index
    %get3A_7 = vector.load %arg1[%get3A_4, %get3A_5, %get3A_6] : memref<2x1000x128xf32, #tpu.memory_space<vmem>>, vector<1x1000x128xf32>
    %get3A_8 = vector.shape_cast %get3A_7 : vector<1x1000x128xf32> to vector<1000x128xf32>
    %add3A = arith.addf %get3A_3, %get3A_8 : vector<1000x128xf32>
    %get3A_9 = arith.constant 0 : index
    %get3A_10 = arith.constant 0 : index
    %get3A_11 = arith.constant 0 : index
    %get3A_12 = vector.load %arg2[%get3A_9, %get3A_10, %get3A_11] : memref<2x1000x128xf32, #tpu.memory_space<vmem>>, vector<1x1000x128xf32>
    %get3A_13 = vector.shape_cast %get3A_12 : vector<1x1000x128xf32> to vector<1000x128xf32>
    %get3A_14 = arith.constant 1 : index
    %get3A_15 = arith.constant 0 : index
    %get3A_16 = arith.constant 0 : index
    %get3A_17 = vector.load %arg2[%get3A_14, %get3A_15, %get3A_16] : memref<2x1000x128xf32, #tpu.memory_space<vmem>>, vector<1x1000x128xf32>
    %get3A_18 = vector.shape_cast %get3A_17 : vector<1x1000x128xf32> to vector<1000x128xf32>
    %add3A_19 = arith.addf %get3A_13, %get3A_18 : vector<1000x128xf32>
    %slice3A = vector.extract_strided_slice %add3A_19 {offsets = [0, 0], sizes = [1000, 16], strides = [1, 1]} : vector<1000x128xf32> to vector<1000x16xf32>
    %slice3A_20 = vector.extract_strided_slice %add3A_19 {offsets = [0, 16], sizes = [1000, 1], strides = [1, 1]} : vector<1000x128xf32> to vector<1000x1xf32>
    %get3A_21 = arith.constant 0 : index
    %get3A_22 = arith.constant 0 : index
    %get3A_23 = vector.load %arg4[%get3A_21, %get3A_22] : memref<128x128xf32, #tpu.memory_space<vmem>>, vector<128x128xf32>
    %dot_general3A = arith.constant dense<0.000000e+00> : vector<1000x128xf32>
    %dot_general3A_24 = tpu.matmul %add3A, %get3A_23, %dot_general3A {dimension_numbers = #tpu.dot_dimension_numbers<[1], [0], [0], [1], [0, 0, 1, 1], [], []>, precision = #tpu.contract_precision<fp32>, transpose_lhs_hint = false} : vector<1000x128xf32>, vector<128x128xf32>, vector<1000x128xf32> -> vector<1000x128xf32>
    %get3A_25 = arith.constant 0 : index
    %get3A_26 = arith.constant 0 : index
    %get3A_27 = vector.load %arg5[%get3A_25, %get3A_26] : memref<16x128xf32, #tpu.memory_space<vmem>>, vector<16x128xf32>
    %dot_general3A_28 = arith.constant dense<0.000000e+00> : vector<1000x128xf32>
    %dot_general3A_29 = tpu.matmul %slice3A, %get3A_27, %dot_general3A_28 {dimension_numbers = #tpu.dot_dimension_numbers<[1], [0], [0], [1], [0, 0, 1, 1], [], []>, precision = #tpu.contract_precision<fp32>, transpose_lhs_hint = false} : vector<1000x16xf32>, vector<16x128xf32>, vector<1000x128xf32> -> vector<1000x128xf32>
    %add3A_30 = arith.addf %dot_general3A_24, %dot_general3A_29 : vector<1000x128xf32>
    %get3A_31 = arith.constant 0 : index
    %get3A_32 = arith.constant 0 : index
    %get3A_33 = vector.load %arg6[%get3A_31, %get3A_32] : memref<1x128xf32, #tpu.memory_space<vmem>>, vector<1x128xf32>
    %mul3A = vector.broadcast %slice3A_20 : vector<1000x1xf32> to vector<1000x128xf32>
    %mul3A_34 = vector.broadcast %get3A_33 : vector<1x128xf32> to vector<1000x128xf32>
    %mul3A_35 = arith.mulf %mul3A, %mul3A_34 : vector<1000x128xf32>
    %add3A_36 = arith.addf %add3A_30, %mul3A_35 : vector<1000x128xf32>
    %get3A_37 = arith.constant 0 : index
    %get3A_38 = arith.constant 0 : index
    %get3A_39 = vector.load %arg3[%get3A_37, %get3A_38] : memref<1000x128xf32, #tpu.memory_space<vmem>>, vector<1000x128xf32>
    %add3A_40 = arith.addf %add3A_36, %get3A_39 : vector<1000x128xf32>
    %get3A_41 = arith.constant 0 : index
    %get3A_42 = arith.constant 0 : index
    %get3A_43 = vector.load %arg7[%get3A_41, %get3A_42] : memref<128x256xf32, #tpu.memory_space<vmem>>, vector<128x256xf32>
    %dot_general3A_44 = arith.constant dense<0.000000e+00> : vector<1000x256xf32>
    %dot_general3A_45 = tpu.matmul %add3A_40, %get3A_43, %dot_general3A_44 {dimension_numbers = #tpu.dot_dimension_numbers<[1], [0], [0], [1], [0, 0, 1, 1], [], []>, transpose_lhs_hint = false} : vector<1000x128xf32>, vector<128x256xf32>, vector<1000x256xf32> -> vector<1000x256xf32>
    %get3A_46 = arith.constant 0 : index
    %get3A_47 = arith.constant 0 : index
    %get3A_48 = vector.load %arg8[%get3A_46, %get3A_47] : memref<1x256xf32, #tpu.memory_space<vmem>>, vector<1x256xf32>
    %add3A_49 = vector.broadcast %get3A_48 : vector<1x256xf32> to vector<1000x256xf32>
    %add3A_50 = arith.addf %dot_general3A_45, %add3A_49 : vector<1000x256xf32>
    %max3A = arith.constant 0.000000e+00 : f32
    %max3A_51 = vector.broadcast %max3A : f32 to vector<1000x256xf32>
    %max3A_52 = arith.maximumf %add3A_50, %max3A_51 : vector<1000x256xf32>
    %get3A_53 = arith.constant 0 : index
    %get3A_54 = arith.constant 0 : index
    %get3A_55 = vector.load %arg9[%get3A_53, %get3A_54] : memref<256x128xf32, #tpu.memory_space<vmem>>, vector<256x128xf32>
    %dot_general3A_56 = arith.constant dense<0.000000e+00> : vector<1000x128xf32>
    %dot_general3A_57 = tpu.matmul %max3A_52, %get3A_55, %dot_general3A_56 {dimension_numbers = #tpu.dot_dimension_numbers<[1], [0], [0], [1], [0, 0, 1, 1], [], []>, transpose_lhs_hint = false} : vector<1000x256xf32>, vector<256x128xf32>, vector<1000x128xf32> -> vector<1000x128xf32>
    %get3A_58 = arith.constant 0 : index
    %get3A_59 = arith.constant 0 : index
    %get3A_60 = vector.load %arg10[%get3A_58, %get3A_59] : memref<1x128xf32, #tpu.memory_space<vmem>>, vector<1x128xf32>
    %add3A_61 = vector.broadcast %get3A_60 : vector<1x128xf32> to vector<1000x128xf32>
    %add3A_62 = arith.addf %dot_general3A_57, %add3A_61 : vector<1000x128xf32>
    %max3A_63 = arith.constant 0.000000e+00 : f32
    %max3A_64 = vector.broadcast %max3A_63 : f32 to vector<1000x128xf32>
    %max3A_65 = arith.maximumf %add3A_62, %max3A_64 : vector<1000x128xf32>
    %swap3A = arith.constant 0 : index
    %swap3A_66 = arith.constant 0 : index
    %swap3A_67 = vector.load %arg11[%swap3A, %swap3A_66] : memref<1000x128xf32, #tpu.memory_space<vmem>>, vector<1000x128xf32>
    tpu.vector_store %arg11[%swap3A, %swap3A_66], %max3A_65 {strides = array<i32>} : memref<1000x128xf32, #tpu.memory_space<vmem>>, vector<1000x128xf32>,
    return
  }
  func.func @transform_0(%arg0: i32) -> (i32, i32, i32) {
    %c0_i32 = arith.constant 0 : i32
    %c0_i32_0 = arith.constant 0 : i32
    %c0_i32_1 = arith.constant 0 : i32
    return %c0_i32, %arg0, %c0_i32_0 : i32, i32, i32
  }
  func.func @transform_1(%arg0: i32) -> (i32, i32, i32) {
    %c0_i32 = arith.constant 0 : i32
    %c0_i32_0 = arith.constant 0 : i32
    %c0_i32_1 = arith.constant 0 : i32
    return %c0_i32, %arg0, %c0_i32_0 : i32, i32, i32
  }
  func.func @transform_2(%arg0: i32) -> (i32, i32) {
    %c0_i32 = arith.constant 0 : i32
    %c0_i32_0 = arith.constant 0 : i32
    return %arg0, %c0_i32 : i32, i32
  }
  func.func @transform_3(%arg0: i32) -> (i32, i32) {
    %c0_i32 = arith.constant 0 : i32
    %c0_i32_0 = arith.constant 0 : i32
    %c0_i32_1 = arith.constant 0 : i32
    return %c0_i32, %c0_i32_0 : i32, i32
  }
  func.func @transform_4(%arg0: i32) -> (i32, i32) {
    %c0_i32 = arith.constant 0 : i32
    %c0_i32_0 = arith.constant 0 : i32
    %c0_i32_1 = arith.constant 0 : i32
    return %c0_i32, %c0_i32_0 : i32, i32
  }
  func.func @transform_5(%arg0: i32) -> (i32, i32) {
    %c0_i32 = arith.constant 0 : i32
    %c0_i32_0 = arith.constant 0 : i32
    %c0_i32_1 = arith.constant 0 : i32
    return %c0_i32, %c0_i32_0 : i32, i32
  }
  func.func @transform_6(%arg0: i32) -> (i32, i32) {
    %c0_i32 = arith.constant 0 : i32
    %c0_i32_0 = arith.constant 0 : i32
    %c0_i32_1 = arith.constant 0 : i32
    return %c0_i32, %c0_i32_0 : i32, i32
  }
  func.func @transform_7(%arg0: i32) -> (i32, i32) {
    %c0_i32 = arith.constant 0 : i32
    %c0_i32_0 = arith.constant 0 : i32
    %c0_i32_1 = arith.constant 0 : i32
    return %c0_i32, %c0_i32_0 : i32, i32
  }
  func.func @transform_8(%arg0: i32) -> (i32, i32) {
    %c0_i32 = arith.constant 0 : i32
    %c0_i32_0 = arith.constant 0 : i32
    %c0_i32_1 = arith.constant 0 : i32
    return %c0_i32, %c0_i32_0 : i32, i32
  }
  func.func @transform_9(%arg0: i32) -> (i32, i32) {
    %c0_i32 = arith.constant 0 : i32
    %c0_i32_0 = arith.constant 0 : i32
    %c0_i32_1 = arith.constant 0 : i32
    return %c0_i32, %c0_i32_0 : i32, i32
  }
  func.func @transform_10(%arg0: i32) -> (i32, i32) {
    %c0_i32 = arith.constant 0 : i32
    %c0_i32_0 = arith.constant 0 : i32
    return %arg0, %c0_i32 : i32, i32
  }
}

module attributes {stable_mosaic.version = 14 : i64} {
  func.func @_mlp_body(%arg0: i32, %arg1: memref<2x1000x128xf32, #tpu.memory_space<vmem>>, %arg2: memref<2x1000x128xf32, #tpu.memory_space<vmem>>, %arg3: memref<1000x128xf32, #tpu.memory_space<vmem>>, %arg4: memref<128x128xf32, #tpu.memory_space<vmem>>, %arg5: memref<16x128xf32, #tpu.memory_space<vmem>>, %arg6: memref<1x128xf32, #tpu.memory_space<vmem>>, %arg7: memref<128x256xf32, #tpu.memory_space<vmem>>, %arg8: memref<1x256xf32, #tpu.memory_space<vmem>>, %arg9: memref<256x128xf32, #tpu.memory_space<vmem>>, %arg10: memref<1x128xf32, #tpu.memory_space<vmem>>, %arg11: memref<1000x128xf32, #tpu.memory_space<vmem>>) attributes {dimension_semantics = [#tpu.dimension_semantics<arbitrary>], iteration_bounds = array<i64: 10>, scalar_prefetch = 0 : i64, scratch_operands = 0 : i64, tpu.core_type = #tpu.core_type<tc>, window_params = [{transform_indices = @transform_0, window_bounds = array<i64: 2, 1000, 128>}, {transform_indices = @transform_1, window_bounds = array<i64: 2, 1000, 128>}, {transform_indices = @transform_2, window_bounds = array<i64: 1000, 128>}, {pipeline_mode = #tpu.pipeline_mode<synchronous>, transform_indices = @transform_3, window_bounds = array<i64: 128, 128>}, {pipeline_mode = #tpu.pipeline_mode<synchronous>, transform_indices = @transform_4, window_bounds = array<i64: 16, 128>}, {pipeline_mode = #tpu.pipeline_mode<synchronous>, transform_indices = @transform_5, window_bounds = array<i64: 1, 128>}, {pipeline_mode = #tpu.pipeline_mode<synchronous>, transform_indices = @transform_6, window_bounds = array<i64: 128, 256>}, {pipeline_mode = #tpu.pipeline_mode<synchronous>, transform_indices = @transform_7, window_bounds = array<i64: 1, 256>}, {pipeline_mode = #tpu.pipeline_mode<synchronous>, transform_indices = @transform_8, window_bounds = array<i64: 256, 128>}, {pipeline_mode = #tpu.pipeline_mode<synchronous>, transform_indices = @transform_9, window_bounds = array<i64: 1, 128>}, {transform_indices = @transform_10, window_bounds = array<i64: 1000, 128>}]} {
    %get3A = arith.constant 0 : index
    %get3A_0 = arith.constant 0 : index
    %get3A_1 = arith.constant 0 : index
    %get3A_2 = vector.load %arg1[%get3A, %get3A_0, %get3A_1] : memref<2x1000x128xf32, #tpu.memory_space<vmem>>, vector<1x1000x128xf32>
    %get3A_3 = vector.shape_cast %get3A_2 : vector<1x1000x128xf32> to vector<1000x128xf32>
    %get3A_4 = arith.constant 1 : index
    %get3A_5 = arith.constant 0 : index
    %get3A_6 = arith.constant 0 : index
    %get3A_7 = vector.load %arg1[%get3A_4, %get3A_5, %get3A_6] : memref<2x1000x128xf32, #tpu.memory_space<vmem>>, vector<1x1000x128xf32>
    %get3A_8 = vector.shape_cast %get3A_7 : vector<1x1000x128xf32> to vector<1000x128xf32>
    %add3A = arith.addf %get3A_3, %get3A_8 : vector<1000x128xf32>
    %get3A_9 = arith.constant 0 : index
    %get3A_10 = arith.constant 0 : index
    %get3A_11 = arith.constant 0 : index
    %get3A_12 = vector.load %arg2[%get3A_9, %get3A_10, %get3A_11] : memref<2x1000x128xf32, #tpu.memory_space<vmem>>, vector<1x1000x128xf32>
    %get3A_13 = vector.shape_cast %get3A_12 : vector<1x1000x128xf32> to vector<1000x128xf32>
    %get3A_14 = arith.constant 1 : index
    %get3A_15 = arith.constant 0 : index
    %get3A_16 = arith.constant 0 : index
    %get3A_17 = vector.load %arg2[%get3A_14, %get3A_15, %get3A_16] : memref<2x1000x128xf32, #tpu.memory_space<vmem>>, vector<1x1000x128xf32>
    %get3A_18 = vector.shape_cast %get3A_17 : vector<1x1000x128xf32> to vector<1000x128xf32>
    %add3A_19 = arith.addf %get3A_13, %get3A_18 : vector<1000x128xf32>
    %slice3A = vector.extract_strided_slice %add3A_19 {offsets = [0, 0], sizes = [1000, 16], strides = [1, 1]} : vector<1000x128xf32> to vector<1000x16xf32>
    %slice3A_20 = vector.extract_strided_slice %add3A_19 {offsets = [0, 16], sizes = [1000, 1], strides = [1, 1]} : vector<1000x128xf32> to vector<1000x1xf32>
    %get3A_21 = arith.constant 0 : index
    %get3A_22 = arith.constant 0 : index
    %get3A_23 = vector.load %arg4[%get3A_21, %get3A_22] : memref<128x128xf32, #tpu.memory_space<vmem>>, vector<128x128xf32>
    %dot_general3A = arith.constant dense<0.000000e+00> : vector<1000x128xf32>
    %dot_general3A_24 = tpu.matmul %add3A, %get3A_23, %dot_general3A {dimension_numbers = #tpu.dot_dimension_numbers<[1], [0], [0], [1], [0, 0, 1, 1], [], []>, precision = #tpu.contract_precision<fp32>, transpose_lhs_hint = false} : vector<1000x128xf32>, vector<128x128xf32>, vector<1000x128xf32> -> vector<1000x128xf32>
    %get3A_25 = arith.constant 0 : index
    %get3A_26 = arith.constant 0 : index
    %get3A_27 = vector.load %arg5[%get3A_25, %get3A_26] : memref<16x128xf32, #tpu.memory_space<vmem>>, vector<16x128xf32>
    %dot_general3A_28 = arith.constant dense<0.000000e+00> : vector<1000x128xf32>
    %dot_general3A_29 = tpu.matmul %slice3A, %get3A_27, %dot_general3A_28 {dimension_numbers = #tpu.dot_dimension_numbers<[1], [0], [0], [1], [0, 0, 1, 1], [], []>, precision = #tpu.contract_precision<fp32>, transpose_lhs_hint = false} : vector<1000x16xf32>, vector<16x128xf32>, vector<1000x128xf32> -> vector<1000x128xf32>
    %add3A_30 = arith.addf %dot_general3A_24, %dot_general3A_29 : vector<1000x128xf32>
    %get3A_31 = arith.constant 0 : index
    %get3A_32 = arith.constant 0 : index
    %get3A_33 = vector.load %arg6[%get3A_31, %get3A_32] : memref<1x128xf32, #tpu.memory_space<vmem>>, vector<1x128xf32>
    %mul3A = vector.broadcast %slice3A_20 : vector<1000x1xf32> to vector<1000x128xf32>
    %mul3A_34 = vector.broadcast %get3A_33 : vector<1x128xf32> to vector<1000x128xf32>
    %mul3A_35 = arith.mulf %mul3A, %mul3A_34 : vector<1000x128xf32>
    %add3A_36 = arith.addf %add3A_30, %mul3A_35 : vector<1000x128xf32>
    %get3A_37 = arith.constant 0 : index
    %get3A_38 = arith.constant 0 : index
    %get3A_39 = vector.load %arg3[%get3A_37, %get3A_38] : memref<1000x128xf32, #tpu.memory_space<vmem>>, vector<1000x128xf32>
    %add3A_40 = arith.addf %add3A_36, %get3A_39 : vector<1000x128xf32>
    %get3A_41 = arith.constant 0 : index
    %get3A_42 = arith.constant 0 : index
    %get3A_43 = vector.load %arg7[%get3A_41, %get3A_42] : memref<128x256xf32, #tpu.memory_space<vmem>>, vector<128x256xf32>
    %dot_general3A_44 = arith.constant dense<0.000000e+00> : vector<1000x256xf32>
    %dot_general3A_45 = tpu.matmul %add3A_40, %get3A_43, %dot_general3A_44 {dimension_numbers = #tpu.dot_dimension_numbers<[1], [0], [0], [1], [0, 0, 1, 1], [], []>, transpose_lhs_hint = false} : vector<1000x128xf32>, vector<128x256xf32>, vector<1000x256xf32> -> vector<1000x256xf32>
    %get3A_46 = arith.constant 0 : index
    %get3A_47 = arith.constant 0 : index
    %get3A_48 = vector.load %arg8[%get3A_46, %get3A_47] : memref<1x256xf32, #tpu.memory_space<vmem>>, vector<1x256xf32>
    %add3A_49 = vector.broadcast %get3A_48 : vector<1x256xf32> to vector<1000x256xf32>
    %add3A_50 = arith.addf %dot_general3A_45, %add3A_49 : vector<1000x256xf32>
    %max3A = arith.constant 0.000000e+00 : f32
    %max3A_51 = vector.broadcast %max3A : f32 to vector<1000x256xf32>
    %max3A_52 = arith.maximumf %add3A_50, %max3A_51 : vector<1000x256xf32>
    %get3A_53 = arith.constant 0 : index
    %get3A_54 = arith.constant 0 : index
    %get3A_55 = vector.load %arg9[%get3A_53, %get3A_54] : memref<256x128xf32, #tpu.memory_space<vmem>>, vector<256x128xf32>
    %dot_general3A_56 = arith.constant dense<0.000000e+00> : vector<1000x128xf32>
    %dot_general3A_57 = tpu.matmul %max3A_52, %get3A_55, %dot_general3A_56 {dimension_numbers = #tpu.dot_dimension_numbers<[1], [0], [0], [1], [0, 0, 1, 1], [], []>, transpose_lhs_hint = false} : vector<1000x256xf32>, vector<256x128xf32>, vector<1000x128xf32> -> vector<1000x128xf32>
    %get3A_58 = arith.constant 0 : index
    %get3A_59 = arith.constant 0 : index
    %get3A_60 = vector.load %arg10[%get3A_58, %get3A_59] : memref<1x128xf32, #tpu.memory_space<vmem>>, vector<1x128xf32>
    %add3A_61 = vector.broadcast %get3A_60 : vector<1x128xf32> to vector<1000x128xf32>
    %add3A_62 = arith.addf %dot_general3A_57, %add3A_61 : vector<1000x128xf32>
    %swap3A = arith.constant 0 : index
    %swap3A_63 = arith.constant 0 : index
    %swap3A_64 = vector.load %arg11[%swap3A, %swap3A_63] : memref<1000x128xf32, #tpu.memory_space<vmem>>, vector<1000x128xf32>
    tpu.vector_store %arg11[%swap3A, %swap3A_63], %add3A_62 {strides = array<i32>} : memref<1000x128xf32, #tpu.memory_space<vmem>>, vector<1000x128xf32>,
    return
  }
  func.func @transform_0(%arg0: i32) -> (i32, i32, i32) {
    %c0_i32 = arith.constant 0 : i32
    %c0_i32_0 = arith.constant 0 : i32
    %c0_i32_1 = arith.constant 0 : i32
    return %c0_i32, %arg0, %c0_i32_0 : i32, i32, i32
  }
  func.func @transform_1(%arg0: i32) -> (i32, i32, i32) {
    %c0_i32 = arith.constant 0 : i32
    %c0_i32_0 = arith.constant 0 : i32
    %c0_i32_1 = arith.constant 0 : i32
    return %c0_i32, %arg0, %c0_i32_0 : i32, i32, i32
  }
  func.func @transform_2(%arg0: i32) -> (i32, i32) {
    %c0_i32 = arith.constant 0 : i32
    %c0_i32_0 = arith.constant 0 : i32
    return %arg0, %c0_i32 : i32, i32
  }
  func.func @transform_3(%arg0: i32) -> (i32, i32) {
    %c0_i32 = arith.constant 0 : i32
    %c0_i32_0 = arith.constant 0 : i32
    %c0_i32_1 = arith.constant 0 : i32
    return %c0_i32, %c0_i32_0 : i32, i32
  }
  func.func @transform_4(%arg0: i32) -> (i32, i32) {
    %c0_i32 = arith.constant 0 : i32
    %c0_i32_0 = arith.constant 0 : i32
    %c0_i32_1 = arith.constant 0 : i32
    return %c0_i32, %c0_i32_0 : i32, i32
  }
  func.func @transform_5(%arg0: i32) -> (i32, i32) {
    %c0_i32 = arith.constant 0 : i32
    %c0_i32_0 = arith.constant 0 : i32
    %c0_i32_1 = arith.constant 0 : i32
    return %c0_i32, %c0_i32_0 : i32, i32
  }
  func.func @transform_6(%arg0: i32) -> (i32, i32) {
    %c0_i32 = arith.constant 0 : i32
    %c0_i32_0 = arith.constant 0 : i32
    %c0_i32_1 = arith.constant 0 : i32
    return %c0_i32, %c0_i32_0 : i32, i32
  }
  func.func @transform_7(%arg0: i32) -> (i32, i32) {
    %c0_i32 = arith.constant 0 : i32
    %c0_i32_0 = arith.constant 0 : i32
    %c0_i32_1 = arith.constant 0 : i32
    return %c0_i32, %c0_i32_0 : i32, i32
  }
  func.func @transform_8(%arg0: i32) -> (i32, i32) {
    %c0_i32 = arith.constant 0 : i32
    %c0_i32_0 = arith.constant 0 : i32
    %c0_i32_1 = arith.constant 0 : i32
    return %c0_i32, %c0_i32_0 : i32, i32
  }
  func.func @transform_9(%arg0: i32) -> (i32, i32) {
    %c0_i32 = arith.constant 0 : i32
    %c0_i32_0 = arith.constant 0 : i32
    %c0_i32_1 = arith.constant 0 : i32
    return %c0_i32, %c0_i32_0 : i32, i32
  }
  func.func @transform_10(%arg0: i32) -> (i32, i32) {
    %c0_i32 = arith.constant 0 : i32
    %c0_i32_0 = arith.constant 0 : i32
    return %arg0, %c0_i32 : i32, i32
  }
}

module attributes {stable_mosaic.version = 14 : i64} {
  func.func @_pool_body(%arg0: memref<10000x128xf32, #tpu.memory_space<vmem>>, %arg1: memref<1x10000xi32, #tpu.memory_space<vmem>>, %arg2: memref<128x64xf32, #tpu.memory_space<vmem>>, %arg3: memref<1x64xf32, #tpu.memory_space<vmem>>, %arg4: memref<64x10xf32, #tpu.memory_space<vmem>>, %arg5: memref<1x10xf32, #tpu.memory_space<vmem>>, %arg6: memref<128x10xf32, #tpu.memory_space<vmem>>) attributes {dimension_semantics = [], scalar_prefetch = 0 : i64, scratch_operands = 0 : i64, tpu.core_type = #tpu.core_type<tc>} {
    %get3A = arith.constant 0 : index
    %get3A_0 = arith.constant 0 : index
    %get3A_1 = vector.load %arg1[%get3A, %get3A_0] : memref<1x10000xi32, #tpu.memory_space<vmem>>, vector<1x10000xi32>
    %iota3A = tpu.iota {dimensions = array<i32: 0>} : vector<128x10000xi32>
    %iota3A_2 = tpu.iota {dimensions = array<i32: 1>} : vector<128x10000xi32>
    %eq3A = vector.broadcast %get3A_1 : vector<1x10000xi32> to vector<128x10000xi32>
    %eq3A_3 = arith.cmpi eq, %eq3A, %iota3A : vector<128x10000xi32>
    %jit3A = arith.constant -1 : i32
    %broadcast_in_dim3A = vector.broadcast %jit3A : i32 to vector<128x10000xi32>
    %select_n3A = arith.select %eq3A_3, %iota3A_2, %broadcast_in_dim3A : vector<128x10000xi1>, vector<128x10000xi32>
    %reduce_max3A = arith.constant dense<-2147483648> : vector<128xi32>
    %reduce_max3A_4 = vector.multi_reduction <maxsi>, %select_n3A, %reduce_max3A [1] : vector<128x10000xi32> to vector<128xi32>
    %broadcast_in_dim3A_5 = vector.shape_cast %reduce_max3A_4 : vector<128xi32> to vector<128x1xi32>
    %ge3A = arith.constant 0 : i32
    %ge3A_6 = vector.broadcast %ge3A : i32 to vector<128x1xi32>
    %ge3A_7 = arith.cmpi sge, %broadcast_in_dim3A_5, %ge3A_6 : vector<128x1xi32>
    %jit3A_8 = arith.constant 1.000000e+00 : f32
    %jit3A_9 = arith.constant 0.000000e+00 : f32
    %broadcast_in_dim3A_10 = vector.broadcast %jit3A_8 : f32 to vector<128x1xf32>
    %broadcast_in_dim3A_11 = vector.broadcast %jit3A_9 : f32 to vector<128x1xf32>
    %select_n3A_12 = arith.select %ge3A_7, %broadcast_in_dim3A_10, %broadcast_in_dim3A_11 : vector<128x1xi1>, vector<128x1xf32>
    %reshape3A = vector.shape_cast %select_n3A_12 : vector<128x1xf32> to vector<1x128xf32>
    %iota3A_13 = tpu.iota {dimensions = array<i32: 0>} : vector<128x128xi32>
    %iota3A_14 = tpu.iota {dimensions = array<i32: 1>} : vector<128x128xi32>
    %lt3A = arith.cmpi slt, %iota3A_13, %iota3A_14 : vector<128x128xi32>
    %jit3A_15 = arith.constant 1.000000e+00 : f32
    %jit3A_16 = arith.constant 0.000000e+00 : f32
    %broadcast_in_dim3A_17 = vector.broadcast %jit3A_15 : f32 to vector<128x128xf32>
    %broadcast_in_dim3A_18 = vector.broadcast %jit3A_16 : f32 to vector<128x128xf32>
    %select_n3A_19 = arith.select %lt3A, %broadcast_in_dim3A_17, %broadcast_in_dim3A_18 : vector<128x128xi1>, vector<128x128xf32>
    %dot_general3A = arith.constant dense<0.000000e+00> : vector<1x128xf32>
    %dot_general3A_20 = tpu.matmul %reshape3A, %select_n3A_19, %dot_general3A {dimension_numbers = #tpu.dot_dimension_numbers<[1], [0], [0], [1], [0, 0, 1, 1], [], []>, precision = #tpu.contract_precision<fp32>, transpose_lhs_hint = false} : vector<1x128xf32>, vector<128x128xf32>, vector<1x128xf32> -> vector<1x128xf32>
    %convert_element_type3A = arith.fptosi %dot_general3A_20 : vector<1x128xf32> to vector<1x128xi32>
    %reduce_sum3A = vector.shape_cast %reshape3A : vector<1x128xf32> to vector<1x1x128xf32>
    %reduce_sum3A_21 = arith.constant dense<0.000000e+00> : vector<1xf32>
    %reduce_sum3A_22 = vector.multi_reduction <add>, %reduce_sum3A, %reduce_sum3A_21 [1, 2] : vector<1x1x128xf32> to vector<1xf32>
    %reduce_sum3A_23 = vector.shape_cast %reduce_sum3A_22 : vector<1xf32> to vector<1x1x1xf32>
    %reduce_sum3A_24 = vector.extract %reduce_sum3A_23[0, 0, 0] : f32 from vector<1x1x1xf32>
    %eq3A_25 = vector.broadcast %broadcast_in_dim3A_5 : vector<128x1xi32> to vector<128x10000xi32>
    %eq3A_26 = arith.cmpi eq, %iota3A_2, %eq3A_25 : vector<128x10000xi32>
    %and3A = arith.andi %eq3A_3, %eq3A_26 : vector<128x10000xi1>
    %jit3A_27 = arith.constant 1.000000e+00 : f32
    %jit3A_28 = arith.constant 0.000000e+00 : f32
    %broadcast_in_dim3A_29 = vector.broadcast %jit3A_27 : f32 to vector<128x10000xf32>
    %broadcast_in_dim3A_30 = vector.broadcast %jit3A_28 : f32 to vector<128x10000xf32>
    %select_n3A_31 = arith.select %and3A, %broadcast_in_dim3A_29, %broadcast_in_dim3A_30 : vector<128x10000xi1>, vector<128x10000xf32>
    %get3A_32 = arith.constant 0 : index
    %get3A_33 = arith.constant 0 : index
    %get3A_34 = vector.load %arg0[%get3A_32, %get3A_33] : memref<10000x128xf32, #tpu.memory_space<vmem>>, vector<10000x128xf32>
    %dot_general3A_35 = arith.constant dense<0.000000e+00> : vector<128x128xf32>
    %dot_general3A_36 = tpu.matmul %select_n3A_31, %get3A_34, %dot_general3A_35 {dimension_numbers = #tpu.dot_dimension_numbers<[1], [0], [0], [1], [0, 0, 1, 1], [], []>, precision = #tpu.contract_precision<fp32>, transpose_lhs_hint = false} : vector<128x10000xf32>, vector<10000x128xf32>, vector<128x128xf32> -> vector<128x128xf32>
    %iota3A_37 = tpu.iota {dimensions = array<i32: 0>} : vector<128x128xi32>
    %eq3A_38 = vector.broadcast %convert_element_type3A : vector<1x128xi32> to vector<128x128xi32>
    %eq3A_39 = arith.cmpi eq, %eq3A_38, %iota3A_37 : vector<128x128xi32>
    %gt3A = arith.constant 0.000000e+00 : f32
    %gt3A_40 = vector.broadcast %gt3A : f32 to vector<1x128xf32>
    %gt3A_41 = arith.cmpf ogt, %reshape3A, %gt3A_40 : vector<1x128xf32>
    %and3A_42 = vector.broadcast %gt3A_41 : vector<1x128xi1> to vector<128x128xi1>
    %and3A_43 = arith.andi %eq3A_39, %and3A_42 : vector<128x128xi1>
    %jit3A_44 = arith.constant 1.000000e+00 : f32
    %jit3A_45 = arith.constant 0.000000e+00 : f32
    %broadcast_in_dim3A_46 = vector.broadcast %jit3A_44 : f32 to vector<128x128xf32>
    %broadcast_in_dim3A_47 = vector.broadcast %jit3A_45 : f32 to vector<128x128xf32>
    %select_n3A_48 = arith.select %and3A_43, %broadcast_in_dim3A_46, %broadcast_in_dim3A_47 : vector<128x128xi1>, vector<128x128xf32>
    %dot_general3A_49 = arith.constant dense<0.000000e+00> : vector<128x128xf32>
    %dot_general3A_50 = tpu.matmul %select_n3A_48, %dot_general3A_36, %dot_general3A_49 {dimension_numbers = #tpu.dot_dimension_numbers<[1], [0], [0], [1], [0, 0, 1, 1], [], []>, precision = #tpu.contract_precision<fp32>, transpose_lhs_hint = false} : vector<128x128xf32>, vector<128x128xf32>, vector<128x128xf32> -> vector<128x128xf32>
    %iota3A_51 = tpu.iota {dimensions = array<i32: 0>} : vector<128x1xi32>
    %convert_element_type3A_52 = arith.fptosi %reduce_sum3A_24 : f32 to i32
    %ge3A_53 = vector.broadcast %convert_element_type3A_52 : i32 to vector<128x1xi32>
    %ge3A_54 = arith.cmpi sge, %iota3A_51, %ge3A_53 : vector<128x1xi32>
    %get3A_55 = arith.constant 0 : index
    %get3A_56 = arith.constant 0 : index
    %get3A_57 = vector.load %arg0[%get3A_55, %get3A_56] : memref<10000x128xf32, #tpu.memory_space<vmem>>, vector<1x128xf32>
    %broadcast_in_dim3A_58 = vector.shape_cast %ge3A_54 : vector<128x1xi1> to vector<128x1xi1>
    %broadcast_in_dim3A_59 = vector.broadcast %broadcast_in_dim3A_58 : vector<128x1xi1> to vector<128x128xi1>
    %broadcast_in_dim3A_60 = vector.shape_cast %get3A_57 : vector<1x128xf32> to vector<1x128xf32>
    %broadcast_in_dim3A_61 = vector.broadcast %broadcast_in_dim3A_60 : vector<1x128xf32> to vector<128x128xf32>
    %select_n3A_62 = arith.select %broadcast_in_dim3A_59, %broadcast_in_dim3A_61, %dot_general3A_50 : vector<128x128xi1>, vector<128x128xf32>
    %get3A_63 = arith.constant 0 : index
    %get3A_64 = arith.constant 0 : index
    %get3A_65 = vector.load %arg2[%get3A_63, %get3A_64] : memref<128x64xf32, #tpu.memory_space<vmem>>, vector<128x64xf32>
    %dot_general3A_66 = arith.constant dense<0.000000e+00> : vector<128x64xf32>
    %dot_general3A_67 = tpu.matmul %select_n3A_62, %get3A_65, %dot_general3A_66 {dimension_numbers = #tpu.dot_dimension_numbers<[1], [0], [0], [1], [0, 0, 1, 1], [], []>, transpose_lhs_hint = false} : vector<128x128xf32>, vector<128x64xf32>, vector<128x64xf32> -> vector<128x64xf32>
    %get3A_68 = arith.constant 0 : index
    %get3A_69 = arith.constant 0 : index
    %get3A_70 = vector.load %arg3[%get3A_68, %get3A_69] : memref<1x64xf32, #tpu.memory_space<vmem>>, vector<1x64xf32>
    %add3A = vector.broadcast %get3A_70 : vector<1x64xf32> to vector<128x64xf32>
    %add3A_71 = arith.addf %dot_general3A_67, %add3A : vector<128x64xf32>
    %gt3A_72 = arith.constant 0.000000e+00 : f32
    %gt3A_73 = vector.broadcast %gt3A_72 : f32 to vector<128x64xf32>
    %gt3A_74 = arith.cmpf ogt, %add3A_71, %gt3A_73 : vector<128x64xf32>
    %min3A = arith.constant 0.000000e+00 : f32
    %min3A_75 = vector.broadcast %min3A : f32 to vector<128x64xf32>
    %min3A_76 = arith.minimumf %add3A_71, %min3A_75 : vector<128x64xf32>
    %exp3A = math.exp %min3A_76 : vector<128x64xf32>
    %sub3A = arith.constant 1.000000e+00 : f32
    %sub3A_77 = vector.broadcast %sub3A : f32 to vector<128x64xf32>
    %sub3A_78 = arith.subf %exp3A, %sub3A_77 : vector<128x64xf32>
    %select_n3A_79 = arith.select %gt3A_74, %add3A_71, %sub3A_78 : vector<128x64xi1>, vector<128x64xf32>
    %get3A_80 = arith.constant 0 : index
    %get3A_81 = arith.constant 0 : index
    %get3A_82 = vector.load %arg4[%get3A_80, %get3A_81] : memref<64x10xf32, #tpu.memory_space<vmem>>, vector<64x10xf32>
    %dot_general3A_83 = arith.constant dense<0.000000e+00> : vector<128x10xf32>
    %dot_general3A_84 = tpu.matmul %select_n3A_79, %get3A_82, %dot_general3A_83 {dimension_numbers = #tpu.dot_dimension_numbers<[1], [0], [0], [1], [0, 0, 1, 1], [], []>, transpose_lhs_hint = false} : vector<128x64xf32>, vector<64x10xf32>, vector<128x10xf32> -> vector<128x10xf32>
    %get3A_85 = arith.constant 0 : index
    %get3A_86 = arith.constant 0 : index
    %get3A_87 = vector.load %arg5[%get3A_85, %get3A_86] : memref<1x10xf32, #tpu.memory_space<vmem>>, vector<1x10xf32>
    %add3A_88 = vector.broadcast %get3A_87 : vector<1x10xf32> to vector<128x10xf32>
    %add3A_89 = arith.addf %dot_general3A_84, %add3A_88 : vector<128x10xf32>
    %swap3A = arith.constant 0 : index
    %swap3A_90 = arith.constant 0 : index
    %swap3A_91 = vector.load %arg6[%swap3A, %swap3A_90] : memref<128x10xf32, #tpu.memory_space<vmem>>, vector<128x10xf32>
    tpu.vector_store %arg6[%swap3A, %swap3A_90], %add3A_89 {strides = array<i32>} : memref<128x10xf32, #tpu.memory_space<vmem>>, vector<128x10xf32>,
    return
  }
}

</mosaic_0001>

<sc_bundles>
// kernel: kernel.10.cloned.1.call-start
scs
__scs_entry_jumppad:
0x0: {  	(pc) =	sbr.rel $0x88, $3  }
0x1: {  	(tag) =	ssettag $0x0;
	lr =	simm.s32 $0x1  }
0x2: {  	[smem:$0x3F93] =	sst lr;
	_ =	strace $0xD0000000  }
0x3: {  	_ = 	snop  }
0x4: {  	_ = 	snop  }
0x5: {  	_ = 	snop  }
0x6: {  	_ = 	snop  }
0x7: {  	_ = 	snop  }
__scs_overlays_trampoline_lowered:
0x8: {  	[smem:$0x3FA2] =	sst s0  }
0x9: {  	[smem:$0x3FA3] =	sst s1  }
0xa: {  	[smem:$0x3FA4] =	sst s2  }
0xb: {  	[smem:$0x3FA5] =	sst s3  }
0xc: {  	[smem:$0x3FA6] =	sst s4  }
0xd: {  	[smem:$0x3FA7] =	sst s5  }
0xe: {  	[smem:$0x3FA8] =	sst s6  }
0xf: {  	[smem:$0x3FA9] =	sst s7  }
0x10: {  	[smem:$0x3FAA] =	sst s8  }
0x11: {  	[smem:$0x3FAB] =	sst s9;
	s0 =	simm.s32 @!p0 $0x0  }
0x12: {  	s1 =	sld [smem:$0x3F91];
	s0 =	simm.s32 @p0 $0x1  }
0x13: {  	[smem:$0x3FAC] =	sst s0;
	s0 =	simm.s32 @!p1 $0x0  }
0x14: {  	s2 =	sld [smem:$0x3F90];
	s0 =	simm.s32 @p1 $0x1  }
0x15: {  	[smem:$0x3FAD] =	sst s0;
	s0 =	simm.s32 @!p2 $0x0  }
0x16: {  	s3 =	sld [smem:$0x3FDB];
	s0 =	simm.s32 @p2 $0x1  }
0x17: {  	s4 =	simm.s32 $0x1BF5;
	[smem:$0x3FAF] =	sst s0  }
0x18: {  	s0 =	sld [smem:$0x3F92];
	_ =	swait.ge [sflag:s4], $0x0  }
0x19: {  	s7 =	sld [smem:$0x3F93]  }
0x1a: {  	s8 =	sadd.s32 $0xFFFFE003, lr  }
0x1b: {  	s9 =	sadd.s32 $0xFFFFFEF7, lr;
	s5 =	simm.s32 $0xFFFFFFFF;
	p2 =	slt.u32 s8, $0xFFFFF086  }
0x1c: {  	p1 =	slt.u32 s9, $0xF7A;
	s5 =	simm.s32 @!p2 $0x0  }
0x1d: {  	s5 =	simm.s32 @p1 $0x1;
	p0 =	seq.s32 s7, s2  }
0x1e: {  	s7 =	smul.u32 @!p0 $0xF7A, s2;
	p2 =	seq.s32 @!p0 s5, $0x0  }
0x1f: {  	s9 =	smul.u32 $0xF7A, s1;
	s8 =	simm.s32 @!p0 $0x1BF5;
	p2 =	por !p2, p0  }
0x20: {  	[sflag:s8] =	ssyncset.s32 @!p0 $0xFFFFF086;
	s6 =	sadd.s32 @!p0 s3, s7;
	s7 =	simm.s32 @!p0 $0x108  }
0x21: {  	s3 =	sadd.s32 s3, s9;
	s6 =	sadd.s32 @!p0 $0x88, s6;
	s7 =	simm.s32 @p2 $0x1082  }
0x22: {  	[simem:s7], [sflag:s8] =	dma.local @!p0 [hbm:s6], $0xF7A  }
0x23: {  	s9 =	sor.u32 $0xD0000000, s2;
	s6 =	simm.s32 $0x108;
	_ =	swait.ge @!p0 [sflag:s8], $0x0  }
0x24: {  	s3 =	sadd.s32 $0x88, s3;
	s6 =	simm.s32 @!p1 $0x1082;
	[sflag:s4] =	ssyncset.s32 $0xFFFFF086  }
0x25: {  	[simem:s6], [sflag:s4] =	dma.local [hbm:s3], $0xF7A  }
0x26: {  	[smem:$0x3F93] =	sst s1;
	(tag) =	ssettag s2;
	_ =	strace s9  }
0x27: {  	s1 =	sld [smem:$0x3FA3]  }
0x28: {  	s2 =	sld [smem:$0x3FA4]  }
0x29: {  	s4 =	sld [smem:$0x3FA6]  }
0x2a: {  	p0 =	seq.s32 s5, $0x0;
	s5 =	sld [smem:$0x3FA7]  }
0x2b: {  	s6 =	sld [smem:$0x3FA8]  }
0x2c: {  	s7 =	sld [smem:$0x3FA9]  }
0x2d: {  	s3 =	simm.s32 $0x108;
	s8 =	sld [smem:$0x3FAA]  }
0x2e: {  	s3 =	simm.s32 @!p0 $0x1082;
	s9 =	sld [smem:$0x3FAB]  }
0x2f: {  	lr =	sadd.s32 s0, s3;
	s0 =	sld [smem:$0x3FA2]  }
0x30: {  	s3 =	sld [smem:$0x3FA5]  }
0x31: {  	[smem:$0x3FAE] =	sst s10  }
0x32: {  	s10 =	sld [smem:$0x3FAC];
	_ =	sdelay $0x3  }
0x33: {  	p0 =	seq.s32 s10, $0x1;
	s10 =	sld [smem:$0x3FAE];
	_ =	sdelay $0x3  }
0x34: {  	[smem:$0x3FAE] =	sst s10  }
0x35: {  	s10 =	sld [smem:$0x3FAD];
	_ =	sdelay $0x3  }
0x36: {  	p1 =	seq.s32 s10, $0x1;
	s10 =	sld [smem:$0x3FAE];
	_ =	sdelay $0x3  }
0x37: {  	[smem:$0x3FAE] =	sst s10  }
0x38: {  	s10 =	sld [smem:$0x3FAF]  }
0x39: {  	_ = 	snop;
	(pc) =	sbr.ind lr, $3  }
0x3a: {  	_ = 	snop  }
0x3b: {  	_ = 	snop  }
0x3c: {  	p2 =	seq.s32 s10, $0x1;
	s10 =	sld [smem:$0x3FAE]  }
0x3d: {  	_ =	shalt  }
0x3e: {  	_ =	shalt  }
0x3f: {  	_ =	shalt  }
0x40: {  	_ =	shalt  }
0x41: {  	_ =	shalt  }
0x42: {  	_ =	shalt  }
0x43: {  	_ =	shalt  }
0x44: {  	_ =	shalt  }
0x45: {  	_ =	shalt  }
0x46: {  	_ =	shalt  }
0x47: {  	_ =	shalt  }
0x48: {  	_ =	shalt  }
0x49: {  	_ =	shalt  }
0x4a: {  	_ =	shalt  }
0x4b: {  	_ =	shalt  }
0x4c: {  	_ =	shalt  }
0x4d: {  	_ =	shalt  }
0x4e: {  	_ =	shalt  }
0x4f: {  	_ =	shalt  }
0x50: {  	_ =	shalt  }
0x51: {  	_ =	shalt  }
0x52: {  	_ =	shalt  }
0x53: {  	_ =	shalt  }
0x54: {  	_ =	shalt  }
0x55: {  	_ =	shalt  }
0x56: {  	_ =	shalt  }
0x57: {  	_ =	shalt  }
0x58: {  	_ =	shalt  }
0x59: {  	_ =	shalt  }
0x5a: {  	_ =	shalt  }
0x5b: {  	_ =	shalt  }
0x5c: {  	_ =	shalt  }
0x5d: {  	_ =	shalt  }
0x5e: {  	_ =	shalt  }
0x5f: {  	_ =	shalt  }
0x60: {  	_ =	shalt  }
0x61: {  	_ =	shalt  }
0x62: {  	_ =	shalt  }
0x63: {  	_ =	shalt  }
0x64: {  	_ =	shalt  }
0x65: {  	_ =	shalt  }
0x66: {  	_ =	shalt  }
0x67: {  	_ =	shalt  }
0x68: {  	_ =	shalt  }
0x69: {  	_ =	shalt  }
0x6a: {  	_ =	shalt  }
0x6b: {  	_ =	shalt  }
0x6c: {  	_ =	shalt  }
0x6d: {  	_ =	shalt  }
0x6e: {  	_ =	shalt  }
0x6f: {  	_ =	shalt  }
0x70: {  	_ =	shalt  }
0x71: {  	_ =	shalt  }
0x72: {  	_ =	shalt  }
0x73: {  	_ =	shalt  }
0x74: {  	_ =	shalt  }
0x75: {  	_ =	shalt  }
0x76: {  	_ =	shalt  }
0x77: {  	_ =	shalt  }
0x78: {  	_ =	shalt  }
0x79: {  	_ =	shalt  }
0x7a: {  	_ =	shalt  }
0x7b: {  	_ =	shalt  }
0x7c: {  	_ =	shalt  }
0x7d: {  	_ =	shalt  }
0x7e: {  	_ =	shalt  }
0x7f: {  	_ =	shalt  }
0x80: {  	_ =	shalt  }
0x81: {  	_ =	shalt  }
0x82: {  	_ =	shalt  }
0x83: {  	_ =	shalt  }
0x84: {  	_ =	shalt  }
0x85: {  	_ =	shalt  }
0x86: {  	_ =	shalt  }
0x87: {  	_ =	shalt  }
.Lfunc_end0:
.L_simem_size_0:
called_computation_lowered:
.L_overlay_start_0:
0x88: {  	s2 =	sld [smem:$0x3FD9]  }
0x89: {  	s3 =	sld [smem:$0x3FFE];
	_ =	sdelay $0x1  }
0x8a: {  	s1 =	srdreg.scid  }
0x8b: {  	s0 =	sand.u32 $0x1, s1  }
0x8c: {  	s17 =	sshll.u32 s0, $0xA;
	s2 =	sadd.s32 s3, s2  }
0x8d: {  	s2 =	sadd.s32 s2, s17  }
0x8e: {  	[smem:$0x3FBA] =	sst s2  }
0x8f: {  	_ = 	snop  }
0x90: {  	(tm) =	ssettm $0x1  }
0x91: {  	s18 =	sld [smem:$0x3FFB];
	_ =	sdelay $0x3  }
0x92: {  	_ =	strace s18  }
0x93: {  	s2 =	sld [smem:$0x3FFC];
	_ =	sdelay $0x3  }
0x94: {  	_ =	strace s2  }
0x95: {  	s2 =	sld [smem:$0x3FFD];
	_ =	sdelay $0x3  }
0x96: {  	_ =	strace s2  }
0x97: {  	_ =	strace $0x8FFFFFFF  }
0x98: {  	s19 =	sld [smem:$0x3FDB];
	_ =	sdelay $0x1  }
0x99: {  	s20 =	simm.s32 $_scs_section_size  }
0x9a: {  	s4 =	simm.s32 $_size__tile_overlayer_lowered;
	s5 =	simm.s32 $_tile_overlayer_lowered  }
0x9b: {  	s6 =	simm.s32 $0x1BFF;
	s21 =	sshll.u32 s5, $0x1;
	s3 =	sadd.s32 s20, s19  }
0x9c: {  	s22 =	simm.s32 $0x0;
	s4 =	sshll.u32 s4, $0x1;
	s5 =	sadd.s32 s21, s3  }
0x9d: {  	[timem:s22], [sflag:s6] =	dma.local [hbm:s5], s4  }
0x9e: {  	_ =	swait.ge [sflag:s6], s4  }
0x9f: {  	s4 =	ssub.s32 $0x0, s4;
	[sflag:s6] =	ssyncset.done $0x0  }
0xa0: {  	[sflag:s6] =	ssyncadd.s32 s4;
	_ =	sdelay $0x1  }
0xa1: {  	s23 =	simm.s32 $0x1B8B  }
0xa2: {  	_ =	swait.ge [sflag:s23], $0x1  }
0xa3: {  	[sflag:s23] =	ssyncset.done $0x0  }
0xa4: {  	[sflag:s23] =	ssyncadd.s32 $0xFFFFFFFF  }
0xa5: {  	s4 =	sld [smem:$0x0]  }
0xa6: {  	s5 =	sand.u32 $0xFFFFFFFE, s1  }
0xa7: {  	p0 =	sne.s32 s1, s5  }
0xa8: {  	s5 =	sshll.u32 @p0 s5, $0xE  }
0xa9: {  	s5 =	sadd.s32 @p0 $0x11B8D, s5;
	s6 =	sshll.u32 @p0 s4, $0x11  }
0xaa: {  	s5 =	sor.u32 @p0 s6, s5  }
0xab: {  	[sflag:s5] =	ssyncadd.remote.s32 @p0 $0x1;
	_ =	sdelay $0x1  }
0xac: {  	s5 =	simm.s32 @p0 $0x1B8D  }
0xad: {  	_ =	swait.eq @p0 [sflag:s5], $0x1  }
0xae: {  	[sflag:s5] =	ssyncadd.s32 @p0 $0xFFFFFFFF  }
0xaf: {  	s6 =	sshll.u32 @!p0 s1, $0xE  }
0xb0: {  	s6 =	sor.u32 @!p0 $0x4000, s6;
	s5 =	simm.s32 @!p0 $0x1B8D  }
0xb1: {  	s4 =	sshll.u32 @!p0 s4, $0x11;
	s6 =	sadd.s32 @!p0 $0x11B8D, s6;
	_ =	swait.eq @!p0 [sflag:s5], $0x1  }
0xb2: {  	s4 =	sor.u32 @!p0 s4, s6;
	[sflag:s5] =	ssyncadd.s32 @!p0 $0xFFFFFFFF  }
0xb3: {  	s25 =	simm.s32 $0x1B8E;
	s24 =	sld [smem:$0x3FFE];
	[sflag:s4] =	ssyncadd.remote.s32 @!p0 $0x1  }
0xb4: {  	s26 =	simm.s32 $execute0_lowered;
	[smem:$0x3FD2] =	sst s25  }
0xb5: {  	s5 =	sshll.u32 s26, $0x1;
	_ =	strace $0x80000049;
	[dreg:$0x1] =	wrdreg $0xFFFFFFFF  }
0xb6: {  	s28 =	simm.s32 $_size_execute0_lowered;
	s3 =	sadd.s32 s3, s5;
	[dreg:$0x0] =	wrdreg $0x0  }
0xb7: {  	s5 =	sshll.u32 s28, $0x1;
	[dreg:$0x2] =	wrdreg s3  }
0xb8: {  	[dreg:$0x3] =	wrdreg s5  }
0xb9: {  	[dreg:$0x4] =	wrdreg $0xC0  }
0xba: {  	_ =	task [dreg:s22], $0x5FFFF  }
0xbb: {  	[dreg:$0x1] =	wrdreg $0xFFFFFFFF  }
0xbc: {  	[dreg:$0x0] =	wrdreg $0x60  }
0xbd: {  	[dreg:$0x2] =	wrdreg s24  }
0xbe: {  	[dreg:$0x3] =	wrdreg $0xB8000  }
0xbf: {  	[dreg:$0x4] =	wrdreg $0x9  }
0xc0: {  	_ =	task.clear_ibuf [dreg:s22], $0x5FFFF;
	_ =	strace $0x90000049  }
0xc1: {  	s29 =	simm.s32 $0x9;
	_ =	strace $0x8000004B  }
0xc2: {  	_ =	swait.ge [sflag:s29], $0x1  }
0xc3: {  	[sflag:s29] =	ssyncadd.s32 $0xFFFFFFFF  }
0xc4: {  	_ =	strace $0x9000004B  }
0xc5: {  	_ =	sfence  }
0xc6: {  	s30 =	sld [smem:$0x0];
	_ =	sdelay $0x2  }
0xc7: {  	s31 =	sshll.u32 s1, $0xD;
	s1 =	sshrl.u32 s1, $0x2  }
0xc8: {  	s4 =	sand.u32 $0x4000, s31;
	s1 =	sadd.s32 s1, s30  }
0xc9: {  	s0 =	sor.u32 s4, s0;
	s1 =	sshll.u32 s1, $0x11  }
0xca: {  	s0 =	sor.u32 s1, s0  }
0xcb: {  	s0 =	sadd.s32 $0x8F2B, s0  }
0xcc: {  	[sflag:s0] =	ssyncadd.remote.s32 $0x1  }
0xcd: {  	_ =	sfence.sel $0xFFFF  }
0xce: {  	[dreg:$0x0] =	wrdreg $0xFFFFFFFF;
	(pc) =	sbr.abs _section_cstart, $3  }
0xcf: {  	[dreg:$0x1] =	wrdreg $0xFFFFFFFF  }
0xd0: {  	_ =	task.clear_ibuf [dreg:s22], $0x2FFFF;
	_ =	strace $0x9FFFFFFF  }
0xd1: {  	(tm) =	ssettm $0x7FFFFFFF  }
tec
execute0_lowered:
.L_overlay_start_1:
0x0: {  	(tag) =	ssettag $0x1  }
0x1: {  	s5 =	rddreg [dreg:$0x0]  }
0x2: {  	s1 =	rddreg [dreg:$0x1]  }
0x3: {  	s2 =	srdreg.scid;
	s0 =	rddreg [dreg:$0x2];
	s3 =	simm.s32 $0x0  }
0x4: {  	s18 =	simm.s32 $0x6800;
	s10 =	sand.u32 $0x1, s2;
	s2 =	stileid.u32  }
0x5: {  	s19 =	simm.s32 $0x1;
	s20 =	simm.s32 $0x50;
	s6 =	smul.u32 $0x2780, s2  }
0x6: {  	s21 =	simm.s32 $0x9000;
	s22 =	simm.s32 $0x2;
	s8 =	smul.u32 $0x4F000, s2  }
0x7: {  	[smem:$0x7FF] =	sst s3;
	s12 =	sadd.s32 $0x576000, s5;
	s23 =	smul.u32 $0x138800, s10  }
0x8: {  	s11 =	sadd.s32 $0x94000, s5;
	s17 =	sadd.s32 $0x128400, s1;
	s24 =	smul.u32 $0x13C00, s2  }
0x9: {  	s4 =	sshll.u32 s10, $0x4;
	_ =	strace $0x8000004A;
	s30 =	smul.u32 $0x271000, s10  }
0xa: {  	s9 =	ssub.s32 $0x2, s10;
	s31 =	smul.u32 $0x27100, s2;
	s4 =	sor.u32 s2, s4  }
0xb: {  	p0 =	seq.s32 s2, $0xF;
	s14 =	sshrl.u32 s9, $0x1;
	s7 =	sshll.u32 s4, $0xB  }
0xc: {  	s6 =	sadd.s32 s6, s5;
	s13 =	smul.u32 $0x27100, s4;
	s8 =	sshrl.u32 s8, $0x2  }
0xd: {  	s15 =	smul.u32 $0x138800, s4;
	s14 =	ssub.s32 s9, s14;
	s26 =	sadd.s32 s24, s23  }
0xe: {  	s29 =	sshrl.u32 s23, $0x3;
	s23 =	simm.s32 $0x3;
	s24 =	simm.s32 $0x3D80  }
0xf: {  	s7 =	sadd.s32 s7, s5;
	s16 =	sadd.s32 s8, s1;
	s4 =	sadd.s32 $0x1EC00, s6  }
0x10: {  	s5 =	sadd.s32 $0x43C80, s5;
	s28 =	sshrl.u32 s26, $0x3;
	s26 =	simm.s32 $0x0  }
0x11: {  	s6 =	sadd.s32 $0xEC00, s7;
	s15 =	sshrl.u32 s15, $0x3;
	s7 =	sadd.s32 s12, s13  }
0x12: {  	s9 =	sadd.s32 s11, s28;
	s11 =	sadd.s32 s11, s29;
	s13 =	sshrl.u32 @p0 s17, $0x3  }
0x13: {  	s17 =	simm.s32 $0x4000;
	s25 =	sadd.s32 s12, s15;
	s10 =	sadd.s32 $0x25080, s11  }
0x14: {  	s11 =	smax.u32 s14, $0x1;
	s12 =	sadd.s32 s30, s12;
	s14 =	sshll.u32 @!p0 s2, $0x6  }
0x15: {  	s15 =	sshrl.u32 @!p0 s16, $0x3;
	s16 =	simm.s32 $0x4;
	s8 =	sadd.s32 $0x500, s25  }
0x16: {  	s12 =	sadd.s32 s31, s12;
	s14 =	sor.u32 @!p0 $0x1C04, s14;
	s25 =	simm.s32 $0x3E00  }
.LBB2_1:
0x17: {  	s28 =	simm.s32 @p0 $0x1FC4  }
0x18: {  	[spmem:s13], [sflag:s28] =	dma.local @p0 [hbm:s5], $0x2080  }
0x19: {  	s28 =	simm.s32 @p0 $0x4  }
0x1a: {  	_ =	swait.ge @p0 [sflag:s28], $0x2080  }
0x1b: {  	[sflag:s28] =	ssyncset.done @p0 $0x0  }
0x1c: {  	[sflag:s28] =	ssyncadd.s32 @p0 $0xFFFFDF80;
	s28 =	simm.s32 @!p0 $0x4  }
0x1d: {  	[spmem:s15], [sflag:s14] =	dma.local @!p0 [hbm:s4], $0x2780  }
0x1e: {  	_ =	swait.ge @!p0 [sflag:s28], $0x2780  }
0x1f: {  	[sflag:s28] =	ssyncset.done @!p0 $0x0  }
0x20: {  	[sflag:s28] =	ssyncadd.s32 @!p0 $0xFFFFD880  }
0x21: {  	[tilespmem:s3], [sflag:$0x4] =	stream.linear.gather [hbm4b:s6+s3], $0x3E80, $0x38;
	[tilespmem:$0x1F080] =	vst v63  }
0x22: {  	_ =	swait.ge [sflag:s16], $0x3E80  }
0x23: {  	[sflag:s16] =	ssyncset.done $0x0  }
0x24: {  	[sflag:s16] =	ssyncadd.s32 $0xFFFFC180  }
0x25: {  	[bflag:$0x0] =	sbarrier.arrive $0xFFFF  }
0x26: {  	[tilespmem:s17], [sflag:$0x1] =	stream.linear.gather [hbm4b:s7+s3], $0x2800, $0x38;
	[tilespmem:$0x1F080] =	vst v63  }
0x27: {  	_ = 	snop  }
0x28: {  	[tilespmem:s18], [sflag:$0x2] =	stream.linear.gather [hbm4b:s8+s3], $0x2800, $0x38;
	[tilespmem:$0x1F080] =	vst v63  }
0x29: {  	_ =	swait.ge [sflag:s19], $0x2800  }
0x2a: {  	[sflag:s19] =	ssyncset.done $0x0  }
0x2b: {  	s28 =	simm.s32 $0x0;
	[sflag:s19] =	ssyncadd.s32 $0xFFFFD800  }
0x2c: {  	[spmem:s1] =	stream.indirect.scatter.add.f32 [tilespmem:s17], [sflag:$0x4], $0x80, s28, s20, $0xb8;
	[tilespmem:$0x1F080] =	vst v63  }
0x2d: {  	_ =	swait.ge [sflag:s16], $0x2800  }
0x2e: {  	s29 =	sadd.s32 $0x0, s12;
	[sflag:s16] =	ssyncset.done $0x0  }
0x2f: {  	s28 =	sadd.s32 $0xA00, s29;
	[sflag:s16] =	ssyncadd.s32 $0xFFFFD800  }
0x30: {  	[tilespmem:s21], [sflag:$0x3] =	stream.linear.gather [hbm4b:s28+s3], $0x2800, $0x38;
	[tilespmem:$0x1F080] =	vst v63  }
0x31: {  	_ =	swait.ge [sflag:s22], $0x2800  }
0x32: {  	[sflag:s22] =	ssyncset.done $0x0  }
0x33: {  	s28 =	simm.s32 $0x80;
	[sflag:s22] =	ssyncadd.s32 $0xFFFFD800  }
0x34: {  	[spmem:s1] =	stream.indirect.scatter.add.f32 [tilespmem:s18], [sflag:$0x4], $0x80, s28, s20, $0xb8;
	[tilespmem:$0x1F080] =	vst v63  }
0x35: {  	_ =	swait.ge [sflag:s16], $0x2800  }
0x36: {  	[sflag:s16] =	ssyncset.done $0x0  }
0x37: {  	s28 =	sadd.s32 $0xF00, s29;
	[sflag:s16] =	ssyncadd.s32 $0xFFFFD800  }
0x38: {  	[tilespmem:s17], [sflag:$0x1] =	stream.linear.gather [hbm4b:s28+s3], $0x2800, $0x38;
	[tilespmem:$0x1F080] =	vst v63  }
0x39: {  	_ =	swait.ge [sflag:s23], $0x2800  }
0x3a: {  	[sflag:s23] =	ssyncset.done $0x0  }
0x3b: {  	s28 =	simm.s32 $0x100;
	[sflag:s23] =	ssyncadd.s32 $0xFFFFD800  }
0x3c: {  	[spmem:s1] =	stream.indirect.scatter.add.f32 [tilespmem:s21], [sflag:$0x4], $0x80, s28, s20, $0xb8;
	[tilespmem:$0x1F080] =	vst v63  }
0x3d: {  	_ =	swait.ge [sflag:s16], $0x2800  }
0x3e: {  	s30 =	sadd.s32 $0x1400, s29;
	[sflag:s16] =	ssyncset.done $0x0  }
0x3f: {  	s29 =	simm.s32 $0x200;
	s28 =	simm.s32 $0xF00;
	[sflag:s16] =	ssyncadd.s32 $0xFFFFD800  }
.LBB2_2:
0x40: {  	[tilespmem:s18], [sflag:$0x2] =	stream.linear.gather [hbm4b:s30+s3], $0x2800, $0x38;
	[tilespmem:$0x1F080] =	vst v63  }
0x41: {  	s30 =	smov.u32 s28  }
0x42: {  	p1 =	sne.s32 s28, $0x25800;
	s28 =	sadd.s32 $0xF00, s28;
	_ =	swait.ge [sflag:s19], $0x2800  }
0x43: {  	[sflag:s19] =	ssyncset.done $0x0  }
0x44: {  	s31 =	sadd.s32 $0xFFFFFF80, s29;
	[sflag:s19] =	ssyncadd.s32 $0xFFFFD800  }
0x45: {  	[spmem:s1] =	stream.indirect.scatter.add.f32 [tilespmem:s17], [sflag:$0x4], $0x80, s31, s20, $0xb8;
	[tilespmem:$0x1F080] =	vst v63  }
0x46: {  	_ =	swait.ge [sflag:s16], $0x2800  }
0x47: {  	s30 =	sadd.s32 s30, s12;
	[sflag:s16] =	ssyncset.done $0x0  }
0x48: {  	s31 =	sadd.s32 $0xA00, s30;
	[sflag:s16] =	ssyncadd.s32 $0xFFFFD800  }
0x49: {  	[tilespmem:s21], [sflag:$0x3] =	stream.linear.gather [hbm4b:s31+s3], $0x2800, $0x38;
	[tilespmem:$0x1F080] =	vst v63  }
0x4a: {  	_ =	swait.ge [sflag:s22], $0x2800  }
0x4b: {  	[sflag:s22] =	ssyncset.done $0x0  }
0x4c: {  	[sflag:s22] =	ssyncadd.s32 $0xFFFFD800  }
0x4d: {  	[spmem:s1] =	stream.indirect.scatter.add.f32 [tilespmem:s18], [sflag:$0x4], $0x80, s29, s20, $0xb8;
	[tilespmem:$0x1F080] =	vst v63  }
0x4e: {  	_ =	swait.ge [sflag:s16], $0x2800  }
0x4f: {  	[sflag:s16] =	ssyncset.done $0x0  }
0x50: {  	s31 =	sadd.s32 $0xF00, s30;
	[sflag:s16] =	ssyncadd.s32 $0xFFFFD800  }
0x51: {  	[tilespmem:s17], [sflag:$0x1] =	stream.linear.gather [hbm4b:s31+s3], $0x2800, $0x38;
	[tilespmem:$0x1F080] =	vst v63  }
0x52: {  	_ =	swait.ge [sflag:s23], $0x2800  }
0x53: {  	[sflag:s23] =	ssyncset.done $0x0  }
.Ltmp0:
0x54: {  	s31 =	sadd.s32 $0x80, s29;
	[sflag:s23] =	ssyncadd.s32 $0xFFFFD800;
	(pc) =	sbr.rel @p1 .LBB2_2-.Ltmp0, $4  }
0x55: {  	[spmem:s1] =	stream.indirect.scatter.add.f32 [tilespmem:s21], [sflag:$0x4], $0x80, s31, s20, $0xb8;
	[tilespmem:$0x1F080] =	vst v63  }
0x56: {  	_ =	swait.ge [sflag:s16], $0x2800  }
0x57: {  	[sflag:s16] =	ssyncset.done $0x0  }
0x58: {  	s30 =	sadd.s32 $0x1400, s30;
	s29 =	sadd.s32 $0x180, s29;
	[sflag:s16] =	ssyncadd.s32 $0xFFFFD800  }
0x59: {  	[tilespmem:s18], [sflag:$0x2] =	stream.linear.gather [hbm4b:s30+s3], $0x2800, $0x38;
	[tilespmem:$0x1F080] =	vst v63  }
0x5a: {  	_ =	swait.ge [sflag:s19], $0x2800  }
0x5b: {  	[sflag:s19] =	ssyncset.done $0x0  }
0x5c: {  	[sflag:s19] =	ssyncadd.s32 $0xFFFFD800  }
0x5d: {  	[spmem:s1] =	stream.indirect.scatter.add.f32 [tilespmem:s17], [sflag:$0x4], $0x80, s24, s20, $0xb8;
	[tilespmem:$0x1F080] =	vst v63  }
0x5e: {  	_ =	swait.ge [sflag:s16], $0x2800  }
0x5f: {  	[sflag:s16] =	ssyncset.done $0x0  }
0x60: {  	[sflag:s16] =	ssyncadd.s32 $0xFFFFD800  }
0x61: {  	_ =	swait.ge [sflag:s22], $0x2800  }
0x62: {  	[sflag:s22] =	ssyncset.done $0x0  }
0x63: {  	[sflag:s22] =	ssyncadd.s32 $0xFFFFD800  }
0x64: {  	[spmem:s1] =	stream.indirect.scatter.add.f32 [tilespmem:s18], [sflag:$0x4], $0x80, s25, s20, $0xb8;
	[tilespmem:$0x1F080] =	vst v63  }
0x65: {  	_ =	swait.ge [sflag:s16], $0x2800  }
0x66: {  	[sflag:s16] =	ssyncset.done $0x0  }
0x67: {  	[sflag:s16] =	ssyncadd.s32 $0xFFFFD800  }
0x68: {  	s28 =	simm.s32 @p0 $0x1FC4;
	[bflag:$0x0] =	sbarrier.arrive $0xFFFF  }
0x69: {  	[hbm:s10], [sflag:s28] =	dma.local @p0 [spmem:s13], $0x2080  }
0x6a: {  	s28 =	simm.s32 @p0 $0x4  }
0x6b: {  	s26 =	sadd.s32 $0x1, s26;
	_ =	swait.ge @p0 [sflag:s28], $0x2080  }
0x6c: {  	p1 =	sne.s32 s26, s11;
	[sflag:s28] =	ssyncset.done @p0 $0x0  }
.Ltmp1:
0x6d: {  	[sflag:s28] =	ssyncadd.s32 @p0 $0xFFFFDF80;
	s28 =	simm.s32 @!p0 $0x4;
	(pc) =	sbr.rel @p1 .LBB2_1-.Ltmp1, $4  }
0x6e: {  	[hbm:s9], [sflag:s14] =	dma.local @!p0 [spmem:s15], $0x2780  }
0x6f: {  	_ =	swait.ge @!p0 [sflag:s28], $0x2780  }
0x70: {  	[sflag:s28] =	ssyncset.done @!p0 $0x0  }
0x71: {  	[sflag:s28] =	ssyncadd.s32 @!p0 $0xFFFFD880  }
0x72: {  	_ =	sfence.sel $0x180000  }
0x73: {  	[bflag:$0x0] =	sbarrier.arrive $0xFFFF  }
0x74: {  	p0 =	sne.s32 s2, $0x0;
	_ =	strace $0x9000004A  }
0x75: {  	s0 =	sadd.s32 @!p0 $0x100000, s0;
	[bflag:$0x2] =	sbarrier.arrive $0xFFFF  }
0x76: {  	[sflag:s0] =	ssyncadd.tile.s32 @!p0 $0x1;
	_ =	shalt  }
.Lfunc_end2:
_tile_overlayer_lowered:
.L_overlay_start_2:
0x77: {  	(tag) =	ssettag $0x2  }
0x78: {  	s0 =	rddreg [dreg:$0x0];
	s2 =	stileid.u32  }
0x79: {  	s1 =	rddreg [dreg:$0x1];
	p0 =	sne.s32 s2, $0x0  }
0x7a: {  	s3 =	rddreg [dreg:$0x2];
	[bflag:$0x3] =	sbarrier.arrive $0xFFFF;
	s2 =	simm.s32 @!p0 $0x1C04  }
0x7b: {  	[timem:s3], [sflag:s2] =	dma.local @!p0 [hbm:s0], s1  }
0x7c: {  	s0 =	simm.s32 @!p0 $0x4  }
0x7d: {  	_ =	swait.ge @!p0 [sflag:s0], s1  }
0x7e: {  	s1 =	ssub.s32 @!p0 $0x0, s1;
	[sflag:s0] =	ssyncset.done @!p0 $0x0  }
0x7f: {  	[sflag:s0] =	ssyncadd.s32 @!p0 s1  }
0x80: {  	[bflag:$0x3] =	sbarrier.arrive $0xFFFF  }
0x81: {  	_ =	shalt  }

// kernel: kernel.13.cloned.1.call-start
scs
__scs_entry_jumppad:
0x0: {  	(pc) =	sbr.rel $0x88, $3  }
0x1: {  	(tag) =	ssettag $0x0;
	lr =	simm.s32 $0x1  }
0x2: {  	[smem:$0x3F93] =	sst lr;
	_ =	strace $0xD0000000  }
0x3: {  	_ = 	snop  }
0x4: {  	_ = 	snop  }
0x5: {  	_ = 	snop  }
0x6: {  	_ = 	snop  }
0x7: {  	_ = 	snop  }
__scs_overlays_trampoline_lowered:
0x8: {  	[smem:$0x3FA2] =	sst s0  }
0x9: {  	[smem:$0x3FA3] =	sst s1  }
0xa: {  	[smem:$0x3FA4] =	sst s2  }
0xb: {  	[smem:$0x3FA5] =	sst s3  }
0xc: {  	[smem:$0x3FA6] =	sst s4  }
0xd: {  	[smem:$0x3FA7] =	sst s5  }
0xe: {  	[smem:$0x3FA8] =	sst s6  }
0xf: {  	[smem:$0x3FA9] =	sst s7  }
0x10: {  	[smem:$0x3FAA] =	sst s8  }
0x11: {  	[smem:$0x3FAB] =	sst s9;
	s0 =	simm.s32 @!p0 $0x0  }
0x12: {  	s1 =	sld [smem:$0x3F91];
	s0 =	simm.s32 @p0 $0x1  }
0x13: {  	[smem:$0x3FAC] =	sst s0;
	s0 =	simm.s32 @!p1 $0x0  }
0x14: {  	s2 =	sld [smem:$0x3F90];
	s0 =	simm.s32 @p1 $0x1  }
0x15: {  	[smem:$0x3FAD] =	sst s0;
	s0 =	simm.s32 @!p2 $0x0  }
0x16: {  	s3 =	sld [smem:$0x3FDB];
	s0 =	simm.s32 @p2 $0x1  }
0x17: {  	s4 =	simm.s32 $0x1BF5;
	[smem:$0x3FAF] =	sst s0  }
0x18: {  	s0 =	sld [smem:$0x3F92];
	_ =	swait.ge [sflag:s4], $0x0  }
0x19: {  	s7 =	sld [smem:$0x3F93]  }
0x1a: {  	s8 =	sadd.s32 $0xFFFFE003, lr  }
0x1b: {  	s9 =	sadd.s32 $0xFFFFFEF7, lr;
	s5 =	simm.s32 $0xFFFFFFFF;
	p2 =	slt.u32 s8, $0xFFFFF086  }
0x1c: {  	p1 =	slt.u32 s9, $0xF7A;
	s5 =	simm.s32 @!p2 $0x0  }
0x1d: {  	s5 =	simm.s32 @p1 $0x1;
	p0 =	seq.s32 s7, s2  }
0x1e: {  	s7 =	smul.u32 @!p0 $0xF7A, s2;
	p2 =	seq.s32 @!p0 s5, $0x0  }
0x1f: {  	s9 =	smul.u32 $0xF7A, s1;
	s8 =	simm.s32 @!p0 $0x1BF5;
	p2 =	por !p2, p0  }
0x20: {  	[sflag:s8] =	ssyncset.s32 @!p0 $0xFFFFF086;
	s6 =	sadd.s32 @!p0 s3, s7;
	s7 =	simm.s32 @!p0 $0x108  }
0x21: {  	s3 =	sadd.s32 s3, s9;
	s6 =	sadd.s32 @!p0 $0x88, s6;
	s7 =	simm.s32 @p2 $0x1082  }
0x22: {  	[simem:s7], [sflag:s8] =	dma.local @!p0 [hbm:s6], $0xF7A  }
0x23: {  	s9 =	sor.u32 $0xD0000000, s2;
	s6 =	simm.s32 $0x108;
	_ =	swait.ge @!p0 [sflag:s8], $0x0  }
0x24: {  	s3 =	sadd.s32 $0x88, s3;
	s6 =	simm.s32 @!p1 $0x1082;
	[sflag:s4] =	ssyncset.s32 $0xFFFFF086  }
0x25: {  	[simem:s6], [sflag:s4] =	dma.local [hbm:s3], $0xF7A  }
0x26: {  	[smem:$0x3F93] =	sst s1;
	(tag) =	ssettag s2;
	_ =	strace s9  }
0x27: {  	s1 =	sld [smem:$0x3FA3]  }
0x28: {  	s2 =	sld [smem:$0x3FA4]  }
0x29: {  	s4 =	sld [smem:$0x3FA6]  }
0x2a: {  	p0 =	seq.s32 s5, $0x0;
	s5 =	sld [smem:$0x3FA7]  }
0x2b: {  	s6 =	sld [smem:$0x3FA8]  }
0x2c: {  	s7 =	sld [smem:$0x3FA9]  }
0x2d: {  	s3 =	simm.s32 $0x108;
	s8 =	sld [smem:$0x3FAA]  }
0x2e: {  	s3 =	simm.s32 @!p0 $0x1082;
	s9 =	sld [smem:$0x3FAB]  }
0x2f: {  	lr =	sadd.s32 s0, s3;
	s0 =	sld [smem:$0x3FA2]  }
0x30: {  	s3 =	sld [smem:$0x3FA5]  }
0x31: {  	[smem:$0x3FAE] =	sst s10  }
0x32: {  	s10 =	sld [smem:$0x3FAC];
	_ =	sdelay $0x3  }
0x33: {  	p0 =	seq.s32 s10, $0x1;
	s10 =	sld [smem:$0x3FAE];
	_ =	sdelay $0x3  }
0x34: {  	[smem:$0x3FAE] =	sst s10  }
0x35: {  	s10 =	sld [smem:$0x3FAD];
	_ =	sdelay $0x3  }
0x36: {  	p1 =	seq.s32 s10, $0x1;
	s10 =	sld [smem:$0x3FAE];
	_ =	sdelay $0x3  }
0x37: {  	[smem:$0x3FAE] =	sst s10  }
0x38: {  	s10 =	sld [smem:$0x3FAF]  }
0x39: {  	_ = 	snop;
	(pc) =	sbr.ind lr, $3  }
0x3a: {  	_ = 	snop  }
0x3b: {  	_ = 	snop  }
0x3c: {  	p2 =	seq.s32 s10, $0x1;
	s10 =	sld [smem:$0x3FAE]  }
0x3d: {  	_ =	shalt  }
0x3e: {  	_ =	shalt  }
0x3f: {  	_ =	shalt  }
0x40: {  	_ =	shalt  }
0x41: {  	_ =	shalt  }
0x42: {  	_ =	shalt  }
0x43: {  	_ =	shalt  }
0x44: {  	_ =	shalt  }
0x45: {  	_ =	shalt  }
0x46: {  	_ =	shalt  }
0x47: {  	_ =	shalt  }
0x48: {  	_ =	shalt  }
0x49: {  	_ =	shalt  }
0x4a: {  	_ =	shalt  }
0x4b: {  	_ =	shalt  }
0x4c: {  	_ =	shalt  }
0x4d: {  	_ =	shalt  }
0x4e: {  	_ =	shalt  }
0x4f: {  	_ =	shalt  }
0x50: {  	_ =	shalt  }
0x51: {  	_ =	shalt  }
0x52: {  	_ =	shalt  }
0x53: {  	_ =	shalt  }
0x54: {  	_ =	shalt  }
0x55: {  	_ =	shalt  }
0x56: {  	_ =	shalt  }
0x57: {  	_ =	shalt  }
0x58: {  	_ =	shalt  }
0x59: {  	_ =	shalt  }
0x5a: {  	_ =	shalt  }
0x5b: {  	_ =	shalt  }
0x5c: {  	_ =	shalt  }
0x5d: {  	_ =	shalt  }
0x5e: {  	_ =	shalt  }
0x5f: {  	_ =	shalt  }
0x60: {  	_ =	shalt  }
0x61: {  	_ =	shalt  }
0x62: {  	_ =	shalt  }
0x63: {  	_ =	shalt  }
0x64: {  	_ =	shalt  }
0x65: {  	_ =	shalt  }
0x66: {  	_ =	shalt  }
0x67: {  	_ =	shalt  }
0x68: {  	_ =	shalt  }
0x69: {  	_ =	shalt  }
0x6a: {  	_ =	shalt  }
0x6b: {  	_ =	shalt  }
0x6c: {  	_ =	shalt  }
0x6d: {  	_ =	shalt  }
0x6e: {  	_ =	shalt  }
0x6f: {  	_ =	shalt  }
0x70: {  	_ =	shalt  }
0x71: {  	_ =	shalt  }
0x72: {  	_ =	shalt  }
0x73: {  	_ =	shalt  }
0x74: {  	_ =	shalt  }
0x75: {  	_ =	shalt  }
0x76: {  	_ =	shalt  }
0x77: {  	_ =	shalt  }
0x78: {  	_ =	shalt  }
0x79: {  	_ =	shalt  }
0x7a: {  	_ =	shalt  }
0x7b: {  	_ =	shalt  }
0x7c: {  	_ =	shalt  }
0x7d: {  	_ =	shalt  }
0x7e: {  	_ =	shalt  }
0x7f: {  	_ =	shalt  }
0x80: {  	_ =	shalt  }
0x81: {  	_ =	shalt  }
0x82: {  	_ =	shalt  }
0x83: {  	_ =	shalt  }
0x84: {  	_ =	shalt  }
0x85: {  	_ =	shalt  }
0x86: {  	_ =	shalt  }
0x87: {  	_ =	shalt  }
.Lfunc_end0:
.L_simem_size_0:
called_computation.1_lowered:
.L_overlay_start_0:
0x88: {  	s2 =	sld [smem:$0x3FD9]  }
0x89: {  	s3 =	sld [smem:$0x3FFE];
	_ =	sdelay $0x1  }
0x8a: {  	s1 =	srdreg.scid  }
0x8b: {  	s0 =	sand.u32 $0x1, s1  }
0x8c: {  	s17 =	sshll.u32 s0, $0xA;
	s2 =	sadd.s32 s3, s2  }
0x8d: {  	s2 =	sadd.s32 s2, s17  }
0x8e: {  	[smem:$0x3FBA] =	sst s2  }
0x8f: {  	_ = 	snop  }
0x90: {  	s2 =	sld [smem:$0x3FC9];
	(tm) =	ssettm $0x1  }
0x91: {  	s18 =	sld [smem:$0x3FFB];
	_ =	sdelay $0x3  }
0x92: {  	_ =	strace s18  }
0x93: {  	s3 =	sld [smem:$0x3FFC];
	_ =	sdelay $0x3  }
0x94: {  	_ =	strace s3  }
0x95: {  	s3 =	sld [smem:$0x3FFD];
	_ =	sdelay $0x3  }
0x96: {  	_ =	strace s3  }
0x97: {  	_ =	strace $0x8FFFFFFF  }
0x98: {  	s19 =	sld [smem:$0x3FDB];
	_ =	sdelay $0x1  }
0x99: {  	s4 =	simm.s32 $_scs_section_size  }
0x9a: {  	s5 =	simm.s32 $_size__tile_overlayer_lowered;
	s6 =	simm.s32 $_tile_overlayer_lowered  }
0x9b: {  	s22 =	simm.s32 $0x1BFF;
	s21 =	sshll.u32 s6, $0x1;
	s3 =	sadd.s32 s4, s19  }
0x9c: {  	s7 =	simm.s32 $0x0;
	s20 =	sshll.u32 s5, $0x1;
	s5 =	sadd.s32 s21, s3  }
0x9d: {  	[timem:s7], [sflag:s22] =	dma.local [hbm:s5], s20  }
0x9e: {  	_ =	swait.ge [sflag:s22], s20  }
0x9f: {  	s4 =	ssub.s32 $0x0, s20;
	[sflag:s22] =	ssyncset.done $0x0  }
0xa0: {  	[sflag:s22] =	ssyncadd.s32 s4;
	_ =	sdelay $0x1  }
0xa1: {  	s23 =	simm.s32 $0x1B8B  }
0xa2: {  	_ =	swait.ge [sflag:s23], $0x1  }
0xa3: {  	[sflag:s23] =	ssyncset.done $0x0  }
0xa4: {  	s25 =	simm.s32 $0x1B8E;
	s24 =	sld [smem:$0x3FFE];
	[sflag:s23] =	ssyncadd.s32 $0xFFFFFFFF  }
0xa5: {  	s26 =	simm.s32 $execute0_lowered;
	[smem:$0x3FD2] =	sst s25  }
0xa6: {  	s5 =	sshll.u32 s26, $0x1;
	_ =	strace $0x80000046;
	[dreg:$0x1] =	wrdreg $0xFFFFFFFF  }
0xa7: {  	s28 =	simm.s32 $_size_execute0_lowered;
	s3 =	sadd.s32 s3, s5;
	[dreg:$0x0] =	wrdreg $0x0  }
0xa8: {  	s5 =	sshll.u32 s28, $0x1;
	[dreg:$0x2] =	wrdreg s3  }
0xa9: {  	[dreg:$0x3] =	wrdreg s5  }
0xaa: {  	[dreg:$0x4] =	wrdreg $0xC0  }
0xab: {  	_ =	task [dreg:s7], $0x5FFFF  }
0xac: {  	[dreg:$0x1] =	wrdreg $0xFFFFFFFF  }
0xad: {  	[dreg:$0x0] =	wrdreg $0x60  }
0xae: {  	[dreg:$0x2] =	wrdreg s2  }
0xaf: {  	[dreg:$0x3] =	wrdreg s24  }
0xb0: {  	[dreg:$0x4] =	wrdreg $0xB9800  }
0xb1: {  	[dreg:$0x5] =	wrdreg $0xA  }
0xb2: {  	_ =	task.clear_ibuf [dreg:s7], $0x6FFFF;
	_ =	strace $0x90000046  }
0xb3: {  	s29 =	simm.s32 $0xA;
	_ =	strace $0x80000048  }
0xb4: {  	_ =	swait.ge [sflag:s29], $0x1  }
0xb5: {  	[sflag:s29] =	ssyncadd.s32 $0xFFFFFFFF  }
0xb6: {  	_ =	strace $0x90000048  }
0xb7: {  	_ =	sfence  }
0xb8: {  	s30 =	sld [smem:$0x0];
	_ =	sdelay $0x2  }
0xb9: {  	s31 =	sshll.u32 s1, $0xD;
	s1 =	sshrl.u32 s1, $0x2  }
0xba: {  	s3 =	sand.u32 $0x4000, s31;
	s1 =	sadd.s32 s1, s30  }
0xbb: {  	s0 =	sor.u32 s3, s0;
	s1 =	sshll.u32 s1, $0x11  }
0xbc: {  	s0 =	sor.u32 s1, s0  }
0xbd: {  	s0 =	sadd.s32 $0x8F2B, s0  }
0xbe: {  	[sflag:s0] =	ssyncadd.remote.s32 $0x1  }
0xbf: {  	_ =	sfence.sel $0xFFFF  }
0xc0: {  	[dreg:$0x0] =	wrdreg $0xFFFFFFFF;
	(pc) =	sbr.abs _section_cstart, $3  }
0xc1: {  	[dreg:$0x1] =	wrdreg $0xFFFFFFFF  }
0xc2: {  	_ =	task.clear_ibuf [dreg:s7], $0x2FFFF;
	_ =	strace $0x9FFFFFFF  }
0xc3: {  	(tm) =	ssettm $0x7FFFFFFF  }
tec
execute0_lowered:
.L_overlay_start_1:
0x0: {  	(tag) =	ssettag $0x1  }
0x1: {  	s0 =	rddreg [dreg:$0x0]  }
0x2: {  	s2 =	rddreg [dreg:$0x1]  }
0x3: {  	s1 =	srdreg.scid;
	s3 =	rddreg [dreg:$0x2]  }
0x4: {  	s16 =	stileid.u32;
	s4 =	simm.s32 $0x0;
	s28 =	simm.s32 $0x100  }
0x5: {  	s29 =	simm.s32 $0x9180;
	s30 =	simm.s32 $0x2;
	s8 =	smul.u32 $0x2780, s16  }
0x6: {  	s31 =	simm.s32 $0x3;
	s1 =	sand.u32 $0x1, s1;
	s10 =	smul.u32 $0x4F000, s16  }
0x7: {  	[smem:$0x7FF] =	sst s4;
	s12 =	sadd.s32 $0x45E00, s2;
	s14 =	smul.u32 $0x13C00, s16  }
0x8: {  	s17 =	sadd.s32 $0x128400, s3;
	p0 =	seq.s32 s16, $0xF;
	s5 =	sshll.u32 s1, $0x4  }
0x9: {  	_ =	strace $0x80000047;
	s9 =	ssub.s32 $0x2, s1;
	s26 =	smul.u32 $0x138800, s1  }
0xa: {  	s1 =	smul.u32 $0x27100, s1;
	s17 =	sshrl.u32 @p0 s17, $0x3;
	s6 =	sor.u32 s16, s5  }
0xb: {  	s5 =	sadd.s32 $0x4E00, s2;
	s8 =	sadd.s32 s8, s2;
	s11 =	sshrl.u32 s9, $0x1  }
0xc: {  	s25 =	sshrl.u32 s10, $0x2;
	s10 =	smul.u32 $0x2710, s16;
	s7 =	sshll.u32 s6, $0xB  }
0xd: {  	s6 =	smul.u32 $0x2710, s6;
	s13 =	ssub.s32 s9, s11;
	s19 =	sadd.s32 s25, s3  }
0xe: {  	s8 =	sadd.s32 $0x1EC00, s8;
	s20 =	sadd.s32 s14, s26;
	s21 =	sshrl.u32 s26, $0x3  }
0xf: {  	s7 =	sadd.s32 s7, s2;
	[dreg:$0x4] =	wrdreg s8;
	s2 =	sadd.s32 $0x43C80, s2  }
0x10: {  	s1 =	sadd.s32 s10, s1;
	s22 =	sadd.s32 s12, s21;
	s13 =	smax.u32 s13, $0x1  }
0x11: {  	s19 =	sshrl.u32 @!p0 s19, $0x3;
	s21 =	simm.s32 $0x4;
	s6 =	sshrl.u32 s6, $0x3  }
0x12: {  	[dreg:$0x5] =	wrdreg s2;
	s15 =	sadd.s32 $0xEC00, s7;
	s23 =	sadd.s32 $0x140, s1  }
0x13: {  	s25 =	sadd.s32 $0xA0, s1;
	s2 =	sshll.u32 @!p0 s16, $0x6;
	s8 =	sadd.s32 s5, s6  }
0x14: {  	[dreg:$0x6] =	wrdreg s15;
	s6 =	sshrl.u32 s20, $0x3;
	s24 =	sshrl.u32 s23, $0x3  }
0x15: {  	s15 =	sadd.s32 $0xF0, s1;
	s26 =	sshrl.u32 s25, $0x3;
	s23 =	simm.s32 $0x4180  }
0x16: {  	s25 =	simm.s32 $0x6980;
	s20 =	simm.s32 $0x0;
	s18 =	sadd.s32 $0xA, s8  }
0x17: {  	s11 =	sadd.s32 s12, s6;
	s12 =	sadd.s32 $0x25080, s22;
	s14 =	sadd.s32 s24, s5  }
0x18: {  	s16 =	sadd.s32 s26, s5;
	s22 =	simm.s32 $0x50;
	s24 =	simm.s32 $0x80  }
0x19: {  	s26 =	simm.s32 $0x1;
	[dreg:$0x7] =	wrdreg s18;
	s18 =	sor.u32 @!p0 $0x1C04, s2  }
.LBB2_1:
0x1a: {  	s1 =	simm.s32 @p0 $0x1FC4;
	s2 =	rddreg [dreg:$0x5]  }
0x1b: {  	[spmem:s17], [sflag:s1] =	dma.local @p0 [hbm:s2], $0x2080  }
0x1c: {  	s1 =	simm.s32 @p0 $0x4  }
0x1d: {  	_ =	swait.ge @p0 [sflag:s1], $0x2080  }
0x1e: {  	[sflag:s1] =	ssyncset.done @p0 $0x0  }
0x1f: {  	[sflag:s1] =	ssyncadd.s32 @p0 $0xFFFFDF80;
	s1 =	rddreg [dreg:$0x4]  }
0x20: {  	[spmem:s19], [sflag:s18] =	dma.local @!p0 [hbm:s1], $0x2780  }
0x21: {  	s1 =	simm.s32 @!p0 $0x4  }
0x22: {  	_ =	swait.ge @!p0 [sflag:s1], $0x2780  }
0x23: {  	[sflag:s1] =	ssyncset.done @!p0 $0x0  }
0x24: {  	s10 =	simm.s32 $0x180;
	s9 =	rddreg [dreg:$0x6];
	[sflag:s1] =	ssyncadd.s32 @!p0 $0xFFFFD880  }
0x25: {  	[tilespmem:s10], [sflag:$0x4] =	stream.linear.gather [hbm4b:s9+s4], $0x3E80, $0x38;
	[tilespmem:$0x1F200] =	vst v63  }
0x26: {  	_ =	swait.ge [sflag:s21], $0x3E80  }
0x27: {  	[sflag:s21] =	ssyncset.done $0x0  }
0x28: {  	[sflag:s21] =	ssyncadd.s32 $0xFFFFC180  }
0x29: {  	[bflag:$0x0] =	sbarrier.arrive $0xFFFF  }
0x2a: {  	[tilespmem:s4], [sflag:$0x4] =	stream.linear.gather [hbm4b:s8+s4], $0x50, $0x38;
	[tilespmem:$0x1F200] =	vst v63  }
0x2b: {  	_ =	swait.ge [sflag:s21], $0x50  }
0x2c: {  	[sflag:s21] =	ssyncset.done $0x0  }
0x2d: {  	[sflag:s21] =	ssyncadd.s32 $0xFFFFFFB0  }
0x2e: {  	[tilespmem:s23], [sflag:$0x1] =	stream.indirect.gather [hbm4b:s0+s22], $0x80, s4, s22, $0xb8;
	[tilespmem:$0x1F200] =	vst v63  }
0x2f: {  	s2 =	rddreg [dreg:$0x7]  }
0x30: {  	[tilespmem:s24], [sflag:$0x4] =	stream.linear.gather [hbm4b:s2+s4], $0x50, $0x38;
	[tilespmem:$0x1F200] =	vst v63  }
0x31: {  	_ =	swait.ge [sflag:s21], $0x50  }
0x32: {  	[sflag:s21] =	ssyncset.done $0x0  }
0x33: {  	[sflag:s21] =	ssyncadd.s32 $0xFFFFFFB0  }
0x34: {  	[tilespmem:s25], [sflag:$0x2] =	stream.indirect.gather [hbm4b:s0+s22], $0x80, s24, s22, $0xb8;
	[tilespmem:$0x1F200] =	vst v63  }
0x35: {  	_ =	swait.ge [sflag:s26], $0x2800  }
0x36: {  	[sflag:s26] =	ssyncset.done $0x0  }
0x37: {  	s6 =	simm.s32 $0x180;
	[sflag:s26] =	ssyncadd.s32 $0xFFFFD800  }
0x38: {  	[spmem:s3] =	stream.indirect.scatter.add.f32 [tilespmem:s23], [sflag:$0x4], $0x80, s6, s22, $0xb8;
	[tilespmem:$0x1F200] =	vst v63  }
0x39: {  	_ =	swait.ge [sflag:s21], $0x2800  }
0x3a: {  	[sflag:s21] =	ssyncset.done $0x0  }
0x3b: {  	[sflag:s21] =	ssyncadd.s32 $0xFFFFD800  }
0x3c: {  	[tilespmem:s28], [sflag:$0x4] =	stream.linear.gather [hbm4b:s16+s4], $0x50, $0x38;
	[tilespmem:$0x1F200] =	vst v63  }
0x3d: {  	_ =	swait.ge [sflag:s21], $0x50  }
0x3e: {  	[sflag:s21] =	ssyncset.done $0x0  }
0x3f: {  	[sflag:s21] =	ssyncadd.s32 $0xFFFFFFB0  }
0x40: {  	[tilespmem:s29], [sflag:$0x3] =	stream.indirect.gather [hbm4b:s0+s22], $0x80, s28, s22, $0xb8;
	[tilespmem:$0x1F200] =	vst v63  }
0x41: {  	_ =	swait.ge [sflag:s30], $0x2800  }
0x42: {  	[sflag:s30] =	ssyncset.done $0x0  }
0x43: {  	s7 =	simm.s32 $0x200;
	[sflag:s30] =	ssyncadd.s32 $0xFFFFD800  }
0x44: {  	[spmem:s3] =	stream.indirect.scatter.add.f32 [tilespmem:s25], [sflag:$0x4], $0x80, s7, s22, $0xb8;
	[tilespmem:$0x1F200] =	vst v63  }
0x45: {  	_ =	swait.ge [sflag:s21], $0x2800  }
0x46: {  	s9 =	sshrl.u32 s15, $0x3;
	[sflag:s21] =	ssyncset.done $0x0  }
0x47: {  	s1 =	sadd.s32 s5, s9;
	[sflag:s21] =	ssyncadd.s32 $0xFFFFD800  }
0x48: {  	[tilespmem:s4], [sflag:$0x4] =	stream.linear.gather [hbm4b:s1+s4], $0x50, $0x38;
	[tilespmem:$0x1F200] =	vst v63  }
0x49: {  	_ =	swait.ge [sflag:s21], $0x50  }
0x4a: {  	[sflag:s21] =	ssyncset.done $0x0  }
0x4b: {  	[sflag:s21] =	ssyncadd.s32 $0xFFFFFFB0  }
0x4c: {  	[tilespmem:s23], [sflag:$0x1] =	stream.indirect.gather [hbm4b:s0+s22], $0x80, s4, s22, $0xb8;
	[tilespmem:$0x1F200] =	vst v63  }
0x4d: {  	_ =	swait.ge [sflag:s31], $0x2800  }
0x4e: {  	[sflag:s31] =	ssyncset.done $0x0  }
0x4f: {  	s10 =	simm.s32 $0x280;
	[sflag:s31] =	ssyncadd.s32 $0xFFFFD800  }
0x50: {  	[spmem:s3] =	stream.indirect.scatter.add.f32 [tilespmem:s29], [sflag:$0x4], $0x80, s10, s22, $0xb8;
	[tilespmem:$0x1F200] =	vst v63  }
0x51: {  	_ =	swait.ge [sflag:s21], $0x2800  }
0x52: {  	[sflag:s21] =	ssyncset.done $0x0  }
0x53: {  	[sflag:s21] =	ssyncadd.s32 $0xFFFFD800  }
0x54: {  	[tilespmem:s24], [sflag:$0x4] =	stream.linear.gather [hbm4b:s14+s4], $0x50, $0x38;
	[tilespmem:$0x1F200] =	vst v63  }
0x55: {  	_ =	swait.ge [sflag:s21], $0x50  }
0x56: {  	s2 =	sadd.s32 $0x1E, s16;
	s6 =	sadd.s32 $0x1E, s14;
	[sflag:s21] =	ssyncset.done $0x0  }
0x57: {  	s7 =	sadd.s32 $0xF0, s15;
	s1 =	simm.s32 $0x600;
	[sflag:s21] =	ssyncadd.s32 $0xFFFFFFB0  }
.LBB2_2:
0x58: {  	[tilespmem:s25], [sflag:$0x2] =	stream.indirect.gather [hbm4b:s0+s22], $0x80, s24, s22, $0xb8;
	[tilespmem:$0x1F200] =	vst v63  }
0x59: {  	s9 =	smov.u32 s1  }
0x5a: {  	p1 =	sne.s32 s1, $0xF000;
	s1 =	sadd.s32 $0x600, s1;
	_ =	swait.ge [sflag:s26], $0x2800  }
0x5b: {  	s9 =	sshra.s32 s9, $0x2;
	[sflag:s26] =	ssyncset.done $0x0  }
0x5c: {  	s10 =	sadd.s32 $0x180, s9;
	[sflag:s26] =	ssyncadd.s32 $0xFFFFD800  }
0x5d: {  	[spmem:s3] =	stream.indirect.scatter.add.f32 [tilespmem:s23], [sflag:$0x4], $0x80, s10, s22, $0xb8;
	[tilespmem:$0x1F200] =	vst v63  }
0x5e: {  	_ =	swait.ge [sflag:s21], $0x2800  }
0x5f: {  	[sflag:s21] =	ssyncset.done $0x0  }
0x60: {  	[sflag:s21] =	ssyncadd.s32 $0xFFFFD800  }
0x61: {  	[tilespmem:s28], [sflag:$0x4] =	stream.linear.gather [hbm4b:s2+s4], $0x50, $0x38;
	[tilespmem:$0x1F200] =	vst v63  }
0x62: {  	_ =	swait.ge [sflag:s21], $0x50  }
0x63: {  	[sflag:s21] =	ssyncset.done $0x0  }
0x64: {  	[sflag:s21] =	ssyncadd.s32 $0xFFFFFFB0  }
0x65: {  	[tilespmem:s29], [sflag:$0x3] =	stream.indirect.gather [hbm4b:s0+s22], $0x80, s28, s22, $0xb8;
	[tilespmem:$0x1F200] =	vst v63  }
0x66: {  	_ =	swait.ge [sflag:s30], $0x2800  }
0x67: {  	[sflag:s30] =	ssyncset.done $0x0  }
0x68: {  	s10 =	sadd.s32 $0x200, s9;
	[sflag:s30] =	ssyncadd.s32 $0xFFFFD800  }
0x69: {  	[spmem:s3] =	stream.indirect.scatter.add.f32 [tilespmem:s25], [sflag:$0x4], $0x80, s10, s22, $0xb8;
	[tilespmem:$0x1F200] =	vst v63  }
0x6a: {  	_ =	swait.ge [sflag:s21], $0x2800  }
0x6b: {  	s10 =	sshrl.u32 s7, $0x3;
	[sflag:s21] =	ssyncset.done $0x0  }
0x6c: {  	s10 =	sadd.s32 s5, s10;
	[sflag:s21] =	ssyncadd.s32 $0xFFFFD800  }
0x6d: {  	[tilespmem:s4], [sflag:$0x4] =	stream.linear.gather [hbm4b:s10+s4], $0x50, $0x38;
	[tilespmem:$0x1F200] =	vst v63  }
0x6e: {  	_ =	swait.ge [sflag:s21], $0x50  }
0x6f: {  	[sflag:s21] =	ssyncset.done $0x0  }
0x70: {  	[sflag:s21] =	ssyncadd.s32 $0xFFFFFFB0  }
0x71: {  	[tilespmem:s23], [sflag:$0x1] =	stream.indirect.gather [hbm4b:s0+s22], $0x80, s4, s22, $0xb8;
	[tilespmem:$0x1F200] =	vst v63  }
0x72: {  	_ =	swait.ge [sflag:s31], $0x2800  }
0x73: {  	[sflag:s31] =	ssyncset.done $0x0  }
0x74: {  	s9 =	sadd.s32 $0x280, s9;
	[sflag:s31] =	ssyncadd.s32 $0xFFFFD800  }
0x75: {  	[spmem:s3] =	stream.indirect.scatter.add.f32 [tilespmem:s29], [sflag:$0x4], $0x80, s9, s22, $0xb8;
	[tilespmem:$0x1F200] =	vst v63  }
0x76: {  	_ =	swait.ge [sflag:s21], $0x2800  }
0x77: {  	[sflag:s21] =	ssyncset.done $0x0  }
.Ltmp0:
0x78: {  	[sflag:s21] =	ssyncadd.s32 $0xFFFFD800;
	(pc) =	sbr.rel @p1 .LBB2_2-.Ltmp0, $4  }
0x79: {  	[tilespmem:s24], [sflag:$0x4] =	stream.linear.gather [hbm4b:s6+s4], $0x50, $0x38;
	[tilespmem:$0x1F200] =	vst v63  }
0x7a: {  	_ =	swait.ge [sflag:s21], $0x50  }
0x7b: {  	s2 =	sadd.s32 $0x1E, s2;
	[sflag:s21] =	ssyncset.done $0x0  }
0x7c: {  	s7 =	sadd.s32 $0xF0, s7;
	s6 =	sadd.s32 $0x1E, s6;
	[sflag:s21] =	ssyncadd.s32 $0xFFFFFFB0  }
0x7d: {  	[tilespmem:s25], [sflag:$0x2] =	stream.indirect.gather [hbm4b:s0+s22], $0x80, s24, s22, $0xb8;
	[tilespmem:$0x1F200] =	vst v63  }
0x7e: {  	_ =	swait.ge [sflag:s26], $0x2800  }
0x7f: {  	[sflag:s26] =	ssyncset.done $0x0  }
0x80: {  	s1 =	simm.s32 $0x3F00;
	[sflag:s26] =	ssyncadd.s32 $0xFFFFD800  }
0x81: {  	[spmem:s3] =	stream.indirect.scatter.add.f32 [tilespmem:s23], [sflag:$0x4], $0x80, s1, s22, $0xb8;
	[tilespmem:$0x1F200] =	vst v63  }
0x82: {  	_ =	swait.ge [sflag:s21], $0x2800  }
0x83: {  	[sflag:s21] =	ssyncset.done $0x0  }
0x84: {  	[sflag:s21] =	ssyncadd.s32 $0xFFFFD800  }
0x85: {  	_ =	swait.ge [sflag:s30], $0x2800  }
0x86: {  	[sflag:s30] =	ssyncset.done $0x0  }
0x87: {  	s10 =	simm.s32 $0x3F80;
	[sflag:s30] =	ssyncadd.s32 $0xFFFFD800  }
0x88: {  	[spmem:s3] =	stream.indirect.scatter.add.f32 [tilespmem:s25], [sflag:$0x4], $0x80, s10, s22, $0xb8;
	[tilespmem:$0x1F200] =	vst v63  }
0x89: {  	_ =	swait.ge [sflag:s21], $0x2800  }
0x8a: {  	[sflag:s21] =	ssyncset.done $0x0  }
0x8b: {  	[sflag:s21] =	ssyncadd.s32 $0xFFFFD800  }
0x8c: {  	s1 =	simm.s32 @p0 $0x1FC4;
	[bflag:$0x0] =	sbarrier.arrive $0xFFFF  }
0x8d: {  	[hbm:s12], [sflag:s1] =	dma.local @p0 [spmem:s17], $0x2080  }
0x8e: {  	s1 =	simm.s32 @p0 $0x4  }
0x8f: {  	s20 =	sadd.s32 $0x1, s20;
	_ =	swait.ge @p0 [sflag:s1], $0x2080  }
0x90: {  	p1 =	sne.s32 s20, s13;
	[sflag:s1] =	ssyncset.done @p0 $0x0  }
.Ltmp1:
0x91: {  	[sflag:s1] =	ssyncadd.s32 @p0 $0xFFFFDF80;
	s1 =	simm.s32 @!p0 $0x4;
	(pc) =	sbr.rel @p1 .LBB2_1-.Ltmp1, $4  }
0x92: {  	[hbm:s11], [sflag:s18] =	dma.local @!p0 [spmem:s19], $0x2780  }
0x93: {  	_ =	swait.ge @!p0 [sflag:s1], $0x2780  }
0x94: {  	[sflag:s1] =	ssyncset.done @!p0 $0x0  }
0x95: {  	[sflag:s1] =	ssyncadd.s32 @!p0 $0xFFFFD880  }
0x96: {  	_ =	sfence.sel $0x180000  }
0x97: {  	[bflag:$0x0] =	sbarrier.arrive $0xFFFF  }
0x98: {  	_ =	strace $0x90000047  }
0x99: {  	s0 =	stileid.u32;
	[bflag:$0x2] =	sbarrier.arrive $0xFFFF  }
0x9a: {  	p0 =	sne.s32 s0, $0x0;
	s0 =	rddreg [dreg:$0x3]  }
0x9b: {  	s0 =	sadd.s32 @!p0 $0x100000, s0  }
0x9c: {  	[sflag:s0] =	ssyncadd.tile.s32 @!p0 $0x1;
	_ =	shalt  }
.Lfunc_end2:
_tile_overlayer_lowered:
.L_overlay_start_2:
0x9d: {  	(tag) =	ssettag $0x2  }
0x9e: {  	s0 =	rddreg [dreg:$0x0];
	s2 =	stileid.u32  }
0x9f: {  	s1 =	rddreg [dreg:$0x1];
	p0 =	sne.s32 s2, $0x0  }
0xa0: {  	s3 =	rddreg [dreg:$0x2];
	[bflag:$0x3] =	sbarrier.arrive $0xFFFF;
	s2 =	simm.s32 @!p0 $0x1C04  }
0xa1: {  	[timem:s3], [sflag:s2] =	dma.local @!p0 [hbm:s0], s1  }
0xa2: {  	s0 =	simm.s32 @!p0 $0x4  }
0xa3: {  	_ =	swait.ge @!p0 [sflag:s0], s1  }
0xa4: {  	s1 =	ssub.s32 @!p0 $0x0, s1;
	[sflag:s0] =	ssyncset.done @!p0 $0x0  }
0xa5: {  	[sflag:s0] =	ssyncadd.s32 @!p0 s1  }
0xa6: {  	[bflag:$0x3] =	sbarrier.arrive $0xFFFF  }
0xa7: {  	_ =	shalt  }

// kernel: kernel.16.cloned.1.call-start
scs
__scs_entry_jumppad:
0x0: {  	(pc) =	sbr.rel $0x88, $3  }
0x1: {  	(tag) =	ssettag $0x0;
	lr =	simm.s32 $0x1  }
0x2: {  	[smem:$0x3F93] =	sst lr;
	_ =	strace $0xD0000000  }
0x3: {  	_ = 	snop  }
0x4: {  	_ = 	snop  }
0x5: {  	_ = 	snop  }
0x6: {  	_ = 	snop  }
0x7: {  	_ = 	snop  }
__scs_overlays_trampoline_lowered:
0x8: {  	[smem:$0x3FA2] =	sst s0  }
0x9: {  	[smem:$0x3FA3] =	sst s1  }
0xa: {  	[smem:$0x3FA4] =	sst s2  }
0xb: {  	[smem:$0x3FA5] =	sst s3  }
0xc: {  	[smem:$0x3FA6] =	sst s4  }
0xd: {  	[smem:$0x3FA7] =	sst s5  }
0xe: {  	[smem:$0x3FA8] =	sst s6  }
0xf: {  	[smem:$0x3FA9] =	sst s7  }
0x10: {  	[smem:$0x3FAA] =	sst s8  }
0x11: {  	[smem:$0x3FAB] =	sst s9;
	s0 =	simm.s32 @!p0 $0x0  }
0x12: {  	s1 =	sld [smem:$0x3F91];
	s0 =	simm.s32 @p0 $0x1  }
0x13: {  	[smem:$0x3FAC] =	sst s0;
	s0 =	simm.s32 @!p1 $0x0  }
0x14: {  	s2 =	sld [smem:$0x3F90];
	s0 =	simm.s32 @p1 $0x1  }
0x15: {  	[smem:$0x3FAD] =	sst s0;
	s0 =	simm.s32 @!p2 $0x0  }
0x16: {  	s3 =	sld [smem:$0x3FDB];
	s0 =	simm.s32 @p2 $0x1  }
0x17: {  	s4 =	simm.s32 $0x1BF5;
	[smem:$0x3FAF] =	sst s0  }
0x18: {  	s0 =	sld [smem:$0x3F92];
	_ =	swait.ge [sflag:s4], $0x0  }
0x19: {  	s7 =	sld [smem:$0x3F93]  }
0x1a: {  	s8 =	sadd.s32 $0xFFFFE003, lr  }
0x1b: {  	s9 =	sadd.s32 $0xFFFFFEF7, lr;
	s5 =	simm.s32 $0xFFFFFFFF;
	p2 =	slt.u32 s8, $0xFFFFF086  }
0x1c: {  	p1 =	slt.u32 s9, $0xF7A;
	s5 =	simm.s32 @!p2 $0x0  }
0x1d: {  	s5 =	simm.s32 @p1 $0x1;
	p0 =	seq.s32 s7, s2  }
0x1e: {  	s7 =	smul.u32 @!p0 $0xF7A, s2;
	p2 =	seq.s32 @!p0 s5, $0x0  }
0x1f: {  	s9 =	smul.u32 $0xF7A, s1;
	s8 =	simm.s32 @!p0 $0x1BF5;
	p2 =	por !p2, p0  }
0x20: {  	[sflag:s8] =	ssyncset.s32 @!p0 $0xFFFFF086;
	s6 =	sadd.s32 @!p0 s3, s7;
	s7 =	simm.s32 @!p0 $0x108  }
0x21: {  	s3 =	sadd.s32 s3, s9;
	s6 =	sadd.s32 @!p0 $0x88, s6;
	s7 =	simm.s32 @p2 $0x1082  }
0x22: {  	[simem:s7], [sflag:s8] =	dma.local @!p0 [hbm:s6], $0xF7A  }
0x23: {  	s9 =	sor.u32 $0xD0000000, s2;
	s6 =	simm.s32 $0x108;
	_ =	swait.ge @!p0 [sflag:s8], $0x0  }
0x24: {  	s3 =	sadd.s32 $0x88, s3;
	s6 =	simm.s32 @!p1 $0x1082;
	[sflag:s4] =	ssyncset.s32 $0xFFFFF086  }
0x25: {  	[simem:s6], [sflag:s4] =	dma.local [hbm:s3], $0xF7A  }
0x26: {  	[smem:$0x3F93] =	sst s1;
	(tag) =	ssettag s2;
	_ =	strace s9  }
0x27: {  	s1 =	sld [smem:$0x3FA3]  }
0x28: {  	s2 =	sld [smem:$0x3FA4]  }
0x29: {  	s4 =	sld [smem:$0x3FA6]  }
0x2a: {  	p0 =	seq.s32 s5, $0x0;
	s5 =	sld [smem:$0x3FA7]  }
0x2b: {  	s6 =	sld [smem:$0x3FA8]  }
0x2c: {  	s7 =	sld [smem:$0x3FA9]  }
0x2d: {  	s3 =	simm.s32 $0x108;
	s8 =	sld [smem:$0x3FAA]  }
0x2e: {  	s3 =	simm.s32 @!p0 $0x1082;
	s9 =	sld [smem:$0x3FAB]  }
0x2f: {  	lr =	sadd.s32 s0, s3;
	s0 =	sld [smem:$0x3FA2]  }
0x30: {  	s3 =	sld [smem:$0x3FA5]  }
0x31: {  	[smem:$0x3FAE] =	sst s10  }
0x32: {  	s10 =	sld [smem:$0x3FAC];
	_ =	sdelay $0x3  }
0x33: {  	p0 =	seq.s32 s10, $0x1;
	s10 =	sld [smem:$0x3FAE];
	_ =	sdelay $0x3  }
0x34: {  	[smem:$0x3FAE] =	sst s10  }
0x35: {  	s10 =	sld [smem:$0x3FAD];
	_ =	sdelay $0x3  }
0x36: {  	p1 =	seq.s32 s10, $0x1;
	s10 =	sld [smem:$0x3FAE];
	_ =	sdelay $0x3  }
0x37: {  	[smem:$0x3FAE] =	sst s10  }
0x38: {  	s10 =	sld [smem:$0x3FAF]  }
0x39: {  	_ = 	snop;
	(pc) =	sbr.ind lr, $3  }
0x3a: {  	_ = 	snop  }
0x3b: {  	_ = 	snop  }
0x3c: {  	p2 =	seq.s32 s10, $0x1;
	s10 =	sld [smem:$0x3FAE]  }
0x3d: {  	_ =	shalt  }
0x3e: {  	_ =	shalt  }
0x3f: {  	_ =	shalt  }
0x40: {  	_ =	shalt  }
0x41: {  	_ =	shalt  }
0x42: {  	_ =	shalt  }
0x43: {  	_ =	shalt  }
0x44: {  	_ =	shalt  }
0x45: {  	_ =	shalt  }
0x46: {  	_ =	shalt  }
0x47: {  	_ =	shalt  }
0x48: {  	_ =	shalt  }
0x49: {  	_ =	shalt  }
0x4a: {  	_ =	shalt  }
0x4b: {  	_ =	shalt  }
0x4c: {  	_ =	shalt  }
0x4d: {  	_ =	shalt  }
0x4e: {  	_ =	shalt  }
0x4f: {  	_ =	shalt  }
0x50: {  	_ =	shalt  }
0x51: {  	_ =	shalt  }
0x52: {  	_ =	shalt  }
0x53: {  	_ =	shalt  }
0x54: {  	_ =	shalt  }
0x55: {  	_ =	shalt  }
0x56: {  	_ =	shalt  }
0x57: {  	_ =	shalt  }
0x58: {  	_ =	shalt  }
0x59: {  	_ =	shalt  }
0x5a: {  	_ =	shalt  }
0x5b: {  	_ =	shalt  }
0x5c: {  	_ =	shalt  }
0x5d: {  	_ =	shalt  }
0x5e: {  	_ =	shalt  }
0x5f: {  	_ =	shalt  }
0x60: {  	_ =	shalt  }
0x61: {  	_ =	shalt  }
0x62: {  	_ =	shalt  }
0x63: {  	_ =	shalt  }
0x64: {  	_ =	shalt  }
0x65: {  	_ =	shalt  }
0x66: {  	_ =	shalt  }
0x67: {  	_ =	shalt  }
0x68: {  	_ =	shalt  }
0x69: {  	_ =	shalt  }
0x6a: {  	_ =	shalt  }
0x6b: {  	_ =	shalt  }
0x6c: {  	_ =	shalt  }
0x6d: {  	_ =	shalt  }
0x6e: {  	_ =	shalt  }
0x6f: {  	_ =	shalt  }
0x70: {  	_ =	shalt  }
0x71: {  	_ =	shalt  }
0x72: {  	_ =	shalt  }
0x73: {  	_ =	shalt  }
0x74: {  	_ =	shalt  }
0x75: {  	_ =	shalt  }
0x76: {  	_ =	shalt  }
0x77: {  	_ =	shalt  }
0x78: {  	_ =	shalt  }
0x79: {  	_ =	shalt  }
0x7a: {  	_ =	shalt  }
0x7b: {  	_ =	shalt  }
0x7c: {  	_ =	shalt  }
0x7d: {  	_ =	shalt  }
0x7e: {  	_ =	shalt  }
0x7f: {  	_ =	shalt  }
0x80: {  	_ =	shalt  }
0x81: {  	_ =	shalt  }
0x82: {  	_ =	shalt  }
0x83: {  	_ =	shalt  }
0x84: {  	_ =	shalt  }
0x85: {  	_ =	shalt  }
0x86: {  	_ =	shalt  }
0x87: {  	_ =	shalt  }
.Lfunc_end0:
.L_simem_size_0:
called_computation.2_lowered:
.L_overlay_start_0:
0x88: {  	s2 =	sld [smem:$0x3FD9]  }
0x89: {  	s3 =	sld [smem:$0x3FFE];
	_ =	sdelay $0x1  }
0x8a: {  	s1 =	srdreg.scid  }
0x8b: {  	s0 =	sand.u32 $0x1, s1  }
0x8c: {  	s16 =	sshll.u32 s0, $0xA;
	s2 =	sadd.s32 s3, s2  }
0x8d: {  	s2 =	sadd.s32 s2, s16  }
0x8e: {  	[smem:$0x3FBA] =	sst s2  }
0x8f: {  	_ = 	snop  }
0x90: {  	(tm) =	ssettm $0x1  }
0x91: {  	s17 =	sld [smem:$0x3FFB];
	_ =	sdelay $0x3  }
0x92: {  	_ =	strace s17  }
0x93: {  	s2 =	sld [smem:$0x3FFC];
	_ =	sdelay $0x3  }
0x94: {  	_ =	strace s2  }
0x95: {  	s2 =	sld [smem:$0x3FFD];
	_ =	sdelay $0x3  }
0x96: {  	_ =	strace s2  }
0x97: {  	_ =	strace $0x8FFFFFFF  }
0x98: {  	s18 =	sld [smem:$0x3FDB];
	_ =	sdelay $0x1  }
0x99: {  	s19 =	simm.s32 $_scs_section_size  }
0x9a: {  	s4 =	simm.s32 $_size__tile_overlayer_lowered;
	s5 =	simm.s32 $_tile_overlayer_lowered  }
0x9b: {  	s22 =	simm.s32 $0x1BFF;
	s21 =	sshll.u32 s5, $0x1;
	s2 =	sadd.s32 s19, s18  }
0x9c: {  	s6 =	simm.s32 $0x0;
	s20 =	sshll.u32 s4, $0x1;
	s4 =	sadd.s32 s21, s2  }
0x9d: {  	[timem:s6], [sflag:s22] =	dma.local [hbm:s4], s20  }
0x9e: {  	_ =	swait.ge [sflag:s22], s20  }
0x9f: {  	s3 =	ssub.s32 $0x0, s20;
	[sflag:s22] =	ssyncset.done $0x0  }
0xa0: {  	[sflag:s22] =	ssyncadd.s32 s3;
	_ =	sdelay $0x1  }
0xa1: {  	s23 =	simm.s32 $0x1B8B  }
0xa2: {  	_ =	swait.ge [sflag:s23], $0x1  }
0xa3: {  	[sflag:s23] =	ssyncset.done $0x0  }
0xa4: {  	s25 =	simm.s32 $0x1B8E;
	s24 =	sld [smem:$0x3FFE];
	[sflag:s23] =	ssyncadd.s32 $0xFFFFFFFF  }
0xa5: {  	s26 =	simm.s32 $execute0_lowered;
	[smem:$0x3FD2] =	sst s25  }
0xa6: {  	s4 =	sshll.u32 s26, $0x1;
	_ =	strace $0x8000004C;
	[dreg:$0x1] =	wrdreg $0xFFFFFFFF  }
0xa7: {  	s28 =	simm.s32 $_size_execute0_lowered;
	s2 =	sadd.s32 s2, s4;
	[dreg:$0x0] =	wrdreg $0x0  }
0xa8: {  	s4 =	sshll.u32 s28, $0x1;
	[dreg:$0x2] =	wrdreg s2  }
0xa9: {  	[dreg:$0x3] =	wrdreg s4  }
0xaa: {  	[dreg:$0x4] =	wrdreg $0xC0  }
0xab: {  	_ =	task [dreg:s6], $0x5FFFF  }
0xac: {  	[dreg:$0x1] =	wrdreg $0xFFFFFFFF  }
0xad: {  	[dreg:$0x0] =	wrdreg $0x60  }
0xae: {  	[dreg:$0x2] =	wrdreg s24  }
0xaf: {  	[dreg:$0x3] =	wrdreg $0xB9800  }
0xb0: {  	[dreg:$0x4] =	wrdreg $0x9  }
0xb1: {  	_ =	task.clear_ibuf [dreg:s6], $0x5FFFF;
	_ =	strace $0x9000004C  }
0xb2: {  	s29 =	simm.s32 $0x9;
	_ =	strace $0x8000004E  }
0xb3: {  	_ =	swait.ge [sflag:s29], $0x1  }
0xb4: {  	[sflag:s29] =	ssyncadd.s32 $0xFFFFFFFF  }
0xb5: {  	_ =	strace $0x9000004E  }
0xb6: {  	_ =	sfence  }
0xb7: {  	s30 =	sld [smem:$0x0];
	_ =	sdelay $0x2  }
0xb8: {  	s31 =	sshll.u32 s1, $0xD;
	s1 =	sshrl.u32 s1, $0x2  }
0xb9: {  	s3 =	sand.u32 $0x4000, s31;
	s1 =	sadd.s32 s1, s30  }
0xba: {  	s0 =	sor.u32 s3, s0;
	s1 =	sshll.u32 s1, $0x11  }
0xbb: {  	s0 =	sor.u32 s1, s0  }
0xbc: {  	s0 =	sadd.s32 $0x8F2B, s0  }
0xbd: {  	[sflag:s0] =	ssyncadd.remote.s32 $0x1  }
0xbe: {  	_ =	sfence.sel $0xFFFF  }
0xbf: {  	[dreg:$0x0] =	wrdreg $0xFFFFFFFF;
	(pc) =	sbr.abs _section_cstart, $3  }
0xc0: {  	[dreg:$0x1] =	wrdreg $0xFFFFFFFF  }
0xc1: {  	_ =	task.clear_ibuf [dreg:s6], $0x2FFFF;
	_ =	strace $0x9FFFFFFF  }
0xc2: {  	(tm) =	ssettm $0x7FFFFFFF  }
0xc3: {  	_ =	shalt  }
tec
execute0_lowered:
.L_overlay_start_1:
0x0: {  	(tag) =	ssettag $0x1  }
0x1: {  	s0 =	rddreg [dreg:$0x0]  }
0x2: {  	s1 =	rddreg [dreg:$0x1];
	s2 =	srdreg.scid;
	s3 =	simm.s32 $0x0  }
0x3: {  	s16 =	stileid.u32;
	s28 =	simm.s32 $0x100;
	s29 =	simm.s32 $0x9180  }
0x4: {  	s30 =	simm.s32 $0x2;
	s31 =	simm.s32 $0x3;
	s8 =	smul.u32 $0x2780, s16  }
0x5: {  	s2 =	sand.u32 $0x1, s2;
	[smem:$0x7FF] =	sst s3;
	s10 =	smul.u32 $0x4F000, s16  }
0x6: {  	s5 =	sadd.s32 $0x4E00, s0;
	s12 =	sadd.s32 $0xE2200, s0;
	s14 =	smul.u32 $0x13C00, s16  }
0x7: {  	s17 =	sadd.s32 $0x128400, s1;
	p0 =	seq.s32 s16, $0xF;
	s4 =	sshll.u32 s2, $0x4  }
0x8: {  	_ =	strace $0x8000004D;
	s9 =	ssub.s32 $0x2, s2;
	s26 =	smul.u32 $0x138800, s2  }
0x9: {  	s2 =	smul.u32 $0x27100, s2;
	s17 =	sshrl.u32 @p0 s17, $0x3;
	s6 =	sor.u32 s16, s4  }
0xa: {  	s4 =	sadd.s32 $0x45E00, s0;
	s8 =	sadd.s32 s8, s0;
	s11 =	sshrl.u32 s9, $0x1  }
0xb: {  	s25 =	sshrl.u32 s10, $0x2;
	s10 =	smul.u32 $0x2710, s16;
	s7 =	sshll.u32 s6, $0xB  }
0xc: {  	s6 =	smul.u32 $0x2710, s6;
	s13 =	ssub.s32 s9, s11;
	s19 =	sadd.s32 s25, s1  }
0xd: {  	s8 =	sadd.s32 $0x1EC00, s8;
	s20 =	sadd.s32 s14, s26;
	s21 =	sshrl.u32 s26, $0x3  }
0xe: {  	s7 =	sadd.s32 s7, s0;
	[dreg:$0x3] =	wrdreg s8;
	s0 =	sadd.s32 $0x43C80, s0  }
0xf: {  	s22 =	sadd.s32 s12, s21;
	s13 =	smax.u32 s13, $0x1;
	s19 =	sshrl.u32 @!p0 s19, $0x3  }
0x10: {  	s21 =	simm.s32 $0x4;
	s6 =	sshrl.u32 s6, $0x3;
	[dreg:$0x4] =	wrdreg s0  }
0x11: {  	s15 =	sadd.s32 $0xEC00, s7;
	s0 =	sadd.s32 s10, s2;
	s2 =	sshll.u32 @!p0 s16, $0x6  }
0x12: {  	s8 =	sadd.s32 s5, s6;
	[dreg:$0x5] =	wrdreg s15;
	s6 =	sshrl.u32 s20, $0x3  }
0x13: {  	s23 =	sadd.s32 $0x140, s0;
	s25 =	sadd.s32 $0xA0, s0;
	s15 =	sadd.s32 $0xF0, s0  }
0x14: {  	s20 =	simm.s32 $0x0;
	s18 =	sadd.s32 $0xA, s8;
	s11 =	sadd.s32 s12, s6  }
0x15: {  	s12 =	sadd.s32 $0x25080, s22;
	s24 =	sshrl.u32 s23, $0x3;
	s26 =	sshrl.u32 s25, $0x3  }
0x16: {  	s22 =	simm.s32 $0x50;
	s23 =	simm.s32 $0x4180;
	s25 =	simm.s32 $0x6980  }
0x17: {  	[dreg:$0x6] =	wrdreg s18;
	s14 =	sadd.s32 s24, s5;
	s16 =	sadd.s32 s26, s5  }
0x18: {  	s18 =	sor.u32 @!p0 $0x1C04, s2;
	s24 =	simm.s32 $0x80;
	s26 =	simm.s32 $0x1  }
.LBB2_1:
0x19: {  	s0 =	simm.s32 @p0 $0x1FC4;
	s2 =	rddreg [dreg:$0x4]  }
0x1a: {  	[spmem:s17], [sflag:s0] =	dma.local @p0 [hbm:s2], $0x2080  }
0x1b: {  	s0 =	simm.s32 @p0 $0x4  }
0x1c: {  	_ =	swait.ge @p0 [sflag:s0], $0x2080  }
0x1d: {  	[sflag:s0] =	ssyncset.done @p0 $0x0  }
0x1e: {  	[sflag:s0] =	ssyncadd.s32 @p0 $0xFFFFDF80;
	s0 =	rddreg [dreg:$0x3]  }
0x1f: {  	[spmem:s19], [sflag:s18] =	dma.local @!p0 [hbm:s0], $0x2780  }
0x20: {  	s0 =	simm.s32 @!p0 $0x4  }
0x21: {  	_ =	swait.ge @!p0 [sflag:s0], $0x2780  }
0x22: {  	[sflag:s0] =	ssyncset.done @!p0 $0x0  }
0x23: {  	s10 =	simm.s32 $0x180;
	s9 =	rddreg [dreg:$0x5];
	[sflag:s0] =	ssyncadd.s32 @!p0 $0xFFFFD880  }
0x24: {  	[tilespmem:s10], [sflag:$0x4] =	stream.linear.gather [hbm4b:s9+s3], $0x3E80, $0x38;
	[tilespmem:$0x1F200] =	vst v63  }
0x25: {  	_ =	swait.ge [sflag:s21], $0x3E80  }
0x26: {  	[sflag:s21] =	ssyncset.done $0x0  }
0x27: {  	[sflag:s21] =	ssyncadd.s32 $0xFFFFC180  }
0x28: {  	[bflag:$0x0] =	sbarrier.arrive $0xFFFF  }
0x29: {  	[tilespmem:s3], [sflag:$0x4] =	stream.linear.gather [hbm4b:s8+s3], $0x50, $0x38;
	[tilespmem:$0x1F200] =	vst v63  }
0x2a: {  	_ =	swait.ge [sflag:s21], $0x50  }
0x2b: {  	[sflag:s21] =	ssyncset.done $0x0  }
0x2c: {  	[sflag:s21] =	ssyncadd.s32 $0xFFFFFFB0  }
0x2d: {  	[tilespmem:s23], [sflag:$0x1] =	stream.indirect.gather [hbm4b:s4+s22], $0x80, s3, s22, $0xb8;
	[tilespmem:$0x1F200] =	vst v63  }
0x2e: {  	s2 =	rddreg [dreg:$0x6]  }
0x2f: {  	[tilespmem:s24], [sflag:$0x4] =	stream.linear.gather [hbm4b:s2+s3], $0x50, $0x38;
	[tilespmem:$0x1F200] =	vst v63  }
0x30: {  	_ =	swait.ge [sflag:s21], $0x50  }
0x31: {  	[sflag:s21] =	ssyncset.done $0x0  }
0x32: {  	[sflag:s21] =	ssyncadd.s32 $0xFFFFFFB0  }
0x33: {  	[tilespmem:s25], [sflag:$0x2] =	stream.indirect.gather [hbm4b:s4+s22], $0x80, s24, s22, $0xb8;
	[tilespmem:$0x1F200] =	vst v63  }
0x34: {  	_ =	swait.ge [sflag:s26], $0x2800  }
0x35: {  	[sflag:s26] =	ssyncset.done $0x0  }
0x36: {  	s6 =	simm.s32 $0x180;
	[sflag:s26] =	ssyncadd.s32 $0xFFFFD800  }
0x37: {  	[spmem:s1] =	stream.indirect.scatter.add.f32 [tilespmem:s23], [sflag:$0x4], $0x80, s6, s22, $0xb8;
	[tilespmem:$0x1F200] =	vst v63  }
0x38: {  	_ =	swait.ge [sflag:s21], $0x2800  }
0x39: {  	[sflag:s21] =	ssyncset.done $0x0  }
0x3a: {  	[sflag:s21] =	ssyncadd.s32 $0xFFFFD800  }
0x3b: {  	[tilespmem:s28], [sflag:$0x4] =	stream.linear.gather [hbm4b:s16+s3], $0x50, $0x38;
	[tilespmem:$0x1F200] =	vst v63  }
0x3c: {  	_ =	swait.ge [sflag:s21], $0x50  }
0x3d: {  	[sflag:s21] =	ssyncset.done $0x0  }
0x3e: {  	[sflag:s21] =	ssyncadd.s32 $0xFFFFFFB0  }
0x3f: {  	[tilespmem:s29], [sflag:$0x3] =	stream.indirect.gather [hbm4b:s4+s22], $0x80, s28, s22, $0xb8;
	[tilespmem:$0x1F200] =	vst v63  }
0x40: {  	_ =	swait.ge [sflag:s30], $0x2800  }
0x41: {  	[sflag:s30] =	ssyncset.done $0x0  }
0x42: {  	s7 =	simm.s32 $0x200;
	[sflag:s30] =	ssyncadd.s32 $0xFFFFD800  }
0x43: {  	[spmem:s1] =	stream.indirect.scatter.add.f32 [tilespmem:s25], [sflag:$0x4], $0x80, s7, s22, $0xb8;
	[tilespmem:$0x1F200] =	vst v63  }
0x44: {  	_ =	swait.ge [sflag:s21], $0x2800  }
0x45: {  	s9 =	sshrl.u32 s15, $0x3;
	[sflag:s21] =	ssyncset.done $0x0  }
0x46: {  	s0 =	sadd.s32 s5, s9;
	[sflag:s21] =	ssyncadd.s32 $0xFFFFD800  }
0x47: {  	[tilespmem:s3], [sflag:$0x4] =	stream.linear.gather [hbm4b:s0+s3], $0x50, $0x38;
	[tilespmem:$0x1F200] =	vst v63  }
0x48: {  	_ =	swait.ge [sflag:s21], $0x50  }
0x49: {  	[sflag:s21] =	ssyncset.done $0x0  }
0x4a: {  	[sflag:s21] =	ssyncadd.s32 $0xFFFFFFB0  }
0x4b: {  	[tilespmem:s23], [sflag:$0x1] =	stream.indirect.gather [hbm4b:s4+s22], $0x80, s3, s22, $0xb8;
	[tilespmem:$0x1F200] =	vst v63  }
0x4c: {  	_ =	swait.ge [sflag:s31], $0x2800  }
0x4d: {  	[sflag:s31] =	ssyncset.done $0x0  }
0x4e: {  	s10 =	simm.s32 $0x280;
	[sflag:s31] =	ssyncadd.s32 $0xFFFFD800  }
0x4f: {  	[spmem:s1] =	stream.indirect.scatter.add.f32 [tilespmem:s29], [sflag:$0x4], $0x80, s10, s22, $0xb8;
	[tilespmem:$0x1F200] =	vst v63  }
0x50: {  	_ =	swait.ge [sflag:s21], $0x2800  }
0x51: {  	[sflag:s21] =	ssyncset.done $0x0  }
0x52: {  	[sflag:s21] =	ssyncadd.s32 $0xFFFFD800  }
0x53: {  	[tilespmem:s24], [sflag:$0x4] =	stream.linear.gather [hbm4b:s14+s3], $0x50, $0x38;
	[tilespmem:$0x1F200] =	vst v63  }
0x54: {  	_ =	swait.ge [sflag:s21], $0x50  }
0x55: {  	s2 =	sadd.s32 $0x1E, s16;
	s6 =	sadd.s32 $0x1E, s14;
	[sflag:s21] =	ssyncset.done $0x0  }
0x56: {  	s7 =	sadd.s32 $0xF0, s15;
	s0 =	simm.s32 $0x600;
	[sflag:s21] =	ssyncadd.s32 $0xFFFFFFB0  }
.LBB2_2:
0x57: {  	[tilespmem:s25], [sflag:$0x2] =	stream.indirect.gather [hbm4b:s4+s22], $0x80, s24, s22, $0xb8;
	[tilespmem:$0x1F200] =	vst v63  }
0x58: {  	s9 =	smov.u32 s0  }
0x59: {  	p1 =	sne.s32 s0, $0xF000;
	s0 =	sadd.s32 $0x600, s0;
	_ =	swait.ge [sflag:s26], $0x2800  }
0x5a: {  	s9 =	sshra.s32 s9, $0x2;
	[sflag:s26] =	ssyncset.done $0x0  }
0x5b: {  	s10 =	sadd.s32 $0x180, s9;
	[sflag:s26] =	ssyncadd.s32 $0xFFFFD800  }
0x5c: {  	[spmem:s1] =	stream.indirect.scatter.add.f32 [tilespmem:s23], [sflag:$0x4], $0x80, s10, s22, $0xb8;
	[tilespmem:$0x1F200] =	vst v63  }
0x5d: {  	_ =	swait.ge [sflag:s21], $0x2800  }
0x5e: {  	[sflag:s21] =	ssyncset.done $0x0  }
0x5f: {  	[sflag:s21] =	ssyncadd.s32 $0xFFFFD800  }
0x60: {  	[tilespmem:s28], [sflag:$0x4] =	stream.linear.gather [hbm4b:s2+s3], $0x50, $0x38;
	[tilespmem:$0x1F200] =	vst v63  }
0x61: {  	_ =	swait.ge [sflag:s21], $0x50  }
0x62: {  	[sflag:s21] =	ssyncset.done $0x0  }
0x63: {  	[sflag:s21] =	ssyncadd.s32 $0xFFFFFFB0  }
0x64: {  	[tilespmem:s29], [sflag:$0x3] =	stream.indirect.gather [hbm4b:s4+s22], $0x80, s28, s22, $0xb8;
	[tilespmem:$0x1F200] =	vst v63  }
0x65: {  	_ =	swait.ge [sflag:s30], $0x2800  }
0x66: {  	[sflag:s30] =	ssyncset.done $0x0  }
0x67: {  	s10 =	sadd.s32 $0x200, s9;
	[sflag:s30] =	ssyncadd.s32 $0xFFFFD800  }
0x68: {  	[spmem:s1] =	stream.indirect.scatter.add.f32 [tilespmem:s25], [sflag:$0x4], $0x80, s10, s22, $0xb8;
	[tilespmem:$0x1F200] =	vst v63  }
0x69: {  	_ =	swait.ge [sflag:s21], $0x2800  }
0x6a: {  	s10 =	sshrl.u32 s7, $0x3;
	[sflag:s21] =	ssyncset.done $0x0  }
0x6b: {  	s10 =	sadd.s32 s5, s10;
	[sflag:s21] =	ssyncadd.s32 $0xFFFFD800  }
0x6c: {  	[tilespmem:s3], [sflag:$0x4] =	stream.linear.gather [hbm4b:s10+s3], $0x50, $0x38;
	[tilespmem:$0x1F200] =	vst v63  }
0x6d: {  	_ =	swait.ge [sflag:s21], $0x50  }
0x6e: {  	[sflag:s21] =	ssyncset.done $0x0  }
0x6f: {  	[sflag:s21] =	ssyncadd.s32 $0xFFFFFFB0  }
0x70: {  	[tilespmem:s23], [sflag:$0x1] =	stream.indirect.gather [hbm4b:s4+s22], $0x80, s3, s22, $0xb8;
	[tilespmem:$0x1F200] =	vst v63  }
0x71: {  	_ =	swait.ge [sflag:s31], $0x2800  }
0x72: {  	[sflag:s31] =	ssyncset.done $0x0  }
0x73: {  	s9 =	sadd.s32 $0x280, s9;
	[sflag:s31] =	ssyncadd.s32 $0xFFFFD800  }
0x74: {  	[spmem:s1] =	stream.indirect.scatter.add.f32 [tilespmem:s29], [sflag:$0x4], $0x80, s9, s22, $0xb8;
	[tilespmem:$0x1F200] =	vst v63  }
0x75: {  	_ =	swait.ge [sflag:s21], $0x2800  }
0x76: {  	[sflag:s21] =	ssyncset.done $0x0  }
.Ltmp0:
0x77: {  	[sflag:s21] =	ssyncadd.s32 $0xFFFFD800;
	(pc) =	sbr.rel @p1 .LBB2_2-.Ltmp0, $4  }
0x78: {  	[tilespmem:s24], [sflag:$0x4] =	stream.linear.gather [hbm4b:s6+s3], $0x50, $0x38;
	[tilespmem:$0x1F200] =	vst v63  }
0x79: {  	_ =	swait.ge [sflag:s21], $0x50  }
0x7a: {  	s2 =	sadd.s32 $0x1E, s2;
	[sflag:s21] =	ssyncset.done $0x0  }
0x7b: {  	s7 =	sadd.s32 $0xF0, s7;
	s6 =	sadd.s32 $0x1E, s6;
	[sflag:s21] =	ssyncadd.s32 $0xFFFFFFB0  }
0x7c: {  	[tilespmem:s25], [sflag:$0x2] =	stream.indirect.gather [hbm4b:s4+s22], $0x80, s24, s22, $0xb8;
	[tilespmem:$0x1F200] =	vst v63  }
0x7d: {  	_ =	swait.ge [sflag:s26], $0x2800  }
0x7e: {  	[sflag:s26] =	ssyncset.done $0x0  }
0x7f: {  	s0 =	simm.s32 $0x3F00;
	[sflag:s26] =	ssyncadd.s32 $0xFFFFD800  }
0x80: {  	[spmem:s1] =	stream.indirect.scatter.add.f32 [tilespmem:s23], [sflag:$0x4], $0x80, s0, s22, $0xb8;
	[tilespmem:$0x1F200] =	vst v63  }
0x81: {  	_ =	swait.ge [sflag:s21], $0x2800  }
0x82: {  	[sflag:s21] =	ssyncset.done $0x0  }
0x83: {  	[sflag:s21] =	ssyncadd.s32 $0xFFFFD800  }
0x84: {  	_ =	swait.ge [sflag:s30], $0x2800  }
0x85: {  	[sflag:s30] =	ssyncset.done $0x0  }
0x86: {  	s10 =	simm.s32 $0x3F80;
	[sflag:s30] =	ssyncadd.s32 $0xFFFFD800  }
0x87: {  	[spmem:s1] =	stream.indirect.scatter.add.f32 [tilespmem:s25], [sflag:$0x4], $0x80, s10, s22, $0xb8;
	[tilespmem:$0x1F200] =	vst v63  }
0x88: {  	_ =	swait.ge [sflag:s21], $0x2800  }
0x89: {  	[sflag:s21] =	ssyncset.done $0x0  }
0x8a: {  	[sflag:s21] =	ssyncadd.s32 $0xFFFFD800  }
0x8b: {  	s0 =	simm.s32 @p0 $0x1FC4;
	[bflag:$0x0] =	sbarrier.arrive $0xFFFF  }
0x8c: {  	[hbm:s12], [sflag:s0] =	dma.local @p0 [spmem:s17], $0x2080  }
0x8d: {  	s0 =	simm.s32 @p0 $0x4  }
0x8e: {  	s20 =	sadd.s32 $0x1, s20;
	_ =	swait.ge @p0 [sflag:s0], $0x2080  }
0x8f: {  	p1 =	sne.s32 s20, s13;
	[sflag:s0] =	ssyncset.done @p0 $0x0  }
.Ltmp1:
0x90: {  	[sflag:s0] =	ssyncadd.s32 @p0 $0xFFFFDF80;
	s0 =	simm.s32 @!p0 $0x4;
	(pc) =	sbr.rel @p1 .LBB2_1-.Ltmp1, $4  }
0x91: {  	[hbm:s11], [sflag:s18] =	dma.local @!p0 [spmem:s19], $0x2780  }
0x92: {  	_ =	swait.ge @!p0 [sflag:s0], $0x2780  }
0x93: {  	[sflag:s0] =	ssyncset.done @!p0 $0x0  }
0x94: {  	[sflag:s0] =	ssyncadd.s32 @!p0 $0xFFFFD880  }
0x95: {  	_ =	sfence.sel $0x180000  }
0x96: {  	[bflag:$0x0] =	sbarrier.arrive $0xFFFF  }
0x97: {  	_ =	strace $0x9000004D  }
0x98: {  	s0 =	stileid.u32;
	[bflag:$0x2] =	sbarrier.arrive $0xFFFF  }
0x99: {  	p0 =	sne.s32 s0, $0x0;
	s0 =	rddreg [dreg:$0x2]  }
0x9a: {  	s0 =	sadd.s32 @!p0 $0x100000, s0  }
0x9b: {  	[sflag:s0] =	ssyncadd.tile.s32 @!p0 $0x1;
	_ =	shalt  }
.Lfunc_end2:
_tile_overlayer_lowered:
.L_overlay_start_2:
0x9c: {  	(tag) =	ssettag $0x2  }
0x9d: {  	s0 =	rddreg [dreg:$0x0];
	s2 =	stileid.u32  }
0x9e: {  	s1 =	rddreg [dreg:$0x1];
	p0 =	sne.s32 s2, $0x0  }
0x9f: {  	s3 =	rddreg [dreg:$0x2];
	[bflag:$0x3] =	sbarrier.arrive $0xFFFF;
	s2 =	simm.s32 @!p0 $0x1C04  }
0xa0: {  	[timem:s3], [sflag:s2] =	dma.local @!p0 [hbm:s0], s1  }
0xa1: {  	s0 =	simm.s32 @!p0 $0x4  }
0xa2: {  	_ =	swait.ge @!p0 [sflag:s0], s1  }
0xa3: {  	s1 =	ssub.s32 @!p0 $0x0, s1;
	[sflag:s0] =	ssyncset.done @!p0 $0x0  }
0xa4: {  	[sflag:s0] =	ssyncadd.s32 @!p0 s1  }
0xa5: {  	[bflag:$0x3] =	sbarrier.arrive $0xFFFF  }
0xa6: {  	_ =	shalt  }

// kernel: kernel.19.cloned.1.call-start
scs
__scs_entry_jumppad:
0x0: {  	(pc) =	sbr.rel $0x88, $3  }
0x1: {  	(tag) =	ssettag $0x0;
	lr =	simm.s32 $0x1  }
0x2: {  	[smem:$0x3F93] =	sst lr;
	_ =	strace $0xD0000000  }
0x3: {  	_ = 	snop  }
0x4: {  	_ = 	snop  }
0x5: {  	_ = 	snop  }
0x6: {  	_ = 	snop  }
0x7: {  	_ = 	snop  }
__scs_overlays_trampoline_lowered:
0x8: {  	[smem:$0x3FA2] =	sst s0  }
0x9: {  	[smem:$0x3FA3] =	sst s1  }
0xa: {  	[smem:$0x3FA4] =	sst s2  }
0xb: {  	[smem:$0x3FA5] =	sst s3  }
0xc: {  	[smem:$0x3FA6] =	sst s4  }
0xd: {  	[smem:$0x3FA7] =	sst s5  }
0xe: {  	[smem:$0x3FA8] =	sst s6  }
0xf: {  	[smem:$0x3FA9] =	sst s7  }
0x10: {  	[smem:$0x3FAA] =	sst s8  }
0x11: {  	[smem:$0x3FAB] =	sst s9;
	s0 =	simm.s32 @!p0 $0x0  }
0x12: {  	s1 =	sld [smem:$0x3F91];
	s0 =	simm.s32 @p0 $0x1  }
0x13: {  	[smem:$0x3FAC] =	sst s0;
	s0 =	simm.s32 @!p1 $0x0  }
0x14: {  	s2 =	sld [smem:$0x3F90];
	s0 =	simm.s32 @p1 $0x1  }
0x15: {  	[smem:$0x3FAD] =	sst s0;
	s0 =	simm.s32 @!p2 $0x0  }
0x16: {  	s3 =	sld [smem:$0x3FDB];
	s0 =	simm.s32 @p2 $0x1  }
0x17: {  	s4 =	simm.s32 $0x1BF5;
	[smem:$0x3FAF] =	sst s0  }
0x18: {  	s0 =	sld [smem:$0x3F92];
	_ =	swait.ge [sflag:s4], $0x0  }
0x19: {  	s7 =	sld [smem:$0x3F93]  }
0x1a: {  	s8 =	sadd.s32 $0xFFFFE003, lr  }
0x1b: {  	s9 =	sadd.s32 $0xFFFFFEF7, lr;
	s5 =	simm.s32 $0xFFFFFFFF;
	p2 =	slt.u32 s8, $0xFFFFF086  }
0x1c: {  	p1 =	slt.u32 s9, $0xF7A;
	s5 =	simm.s32 @!p2 $0x0  }
0x1d: {  	s5 =	simm.s32 @p1 $0x1;
	p0 =	seq.s32 s7, s2  }
0x1e: {  	s7 =	smul.u32 @!p0 $0xF7A, s2;
	p2 =	seq.s32 @!p0 s5, $0x0  }
0x1f: {  	s9 =	smul.u32 $0xF7A, s1;
	s8 =	simm.s32 @!p0 $0x1BF5;
	p2 =	por !p2, p0  }
0x20: {  	[sflag:s8] =	ssyncset.s32 @!p0 $0xFFFFF086;
	s6 =	sadd.s32 @!p0 s3, s7;
	s7 =	simm.s32 @!p0 $0x108  }
0x21: {  	s3 =	sadd.s32 s3, s9;
	s6 =	sadd.s32 @!p0 $0x88, s6;
	s7 =	simm.s32 @p2 $0x1082  }
0x22: {  	[simem:s7], [sflag:s8] =	dma.local @!p0 [hbm:s6], $0xF7A  }
0x23: {  	s9 =	sor.u32 $0xD0000000, s2;
	s6 =	simm.s32 $0x108;
	_ =	swait.ge @!p0 [sflag:s8], $0x0  }
0x24: {  	s3 =	sadd.s32 $0x88, s3;
	s6 =	simm.s32 @!p1 $0x1082;
	[sflag:s4] =	ssyncset.s32 $0xFFFFF086  }
0x25: {  	[simem:s6], [sflag:s4] =	dma.local [hbm:s3], $0xF7A  }
0x26: {  	[smem:$0x3F93] =	sst s1;
	(tag) =	ssettag s2;
	_ =	strace s9  }
0x27: {  	s1 =	sld [smem:$0x3FA3]  }
0x28: {  	s2 =	sld [smem:$0x3FA4]  }
0x29: {  	s4 =	sld [smem:$0x3FA6]  }
0x2a: {  	p0 =	seq.s32 s5, $0x0;
	s5 =	sld [smem:$0x3FA7]  }
0x2b: {  	s6 =	sld [smem:$0x3FA8]  }
0x2c: {  	s7 =	sld [smem:$0x3FA9]  }
0x2d: {  	s3 =	simm.s32 $0x108;
	s8 =	sld [smem:$0x3FAA]  }
0x2e: {  	s3 =	simm.s32 @!p0 $0x1082;
	s9 =	sld [smem:$0x3FAB]  }
0x2f: {  	lr =	sadd.s32 s0, s3;
	s0 =	sld [smem:$0x3FA2]  }
0x30: {  	s3 =	sld [smem:$0x3FA5]  }
0x31: {  	[smem:$0x3FAE] =	sst s10  }
0x32: {  	s10 =	sld [smem:$0x3FAC];
	_ =	sdelay $0x3  }
0x33: {  	p0 =	seq.s32 s10, $0x1;
	s10 =	sld [smem:$0x3FAE];
	_ =	sdelay $0x3  }
0x34: {  	[smem:$0x3FAE] =	sst s10  }
0x35: {  	s10 =	sld [smem:$0x3FAD];
	_ =	sdelay $0x3  }
0x36: {  	p1 =	seq.s32 s10, $0x1;
	s10 =	sld [smem:$0x3FAE];
	_ =	sdelay $0x3  }
0x37: {  	[smem:$0x3FAE] =	sst s10  }
0x38: {  	s10 =	sld [smem:$0x3FAF]  }
0x39: {  	_ = 	snop;
	(pc) =	sbr.ind lr, $3  }
0x3a: {  	_ = 	snop  }
0x3b: {  	_ = 	snop  }
0x3c: {  	p2 =	seq.s32 s10, $0x1;
	s10 =	sld [smem:$0x3FAE]  }
0x3d: {  	_ =	shalt  }
0x3e: {  	_ =	shalt  }
0x3f: {  	_ =	shalt  }
0x40: {  	_ =	shalt  }
0x41: {  	_ =	shalt  }
0x42: {  	_ =	shalt  }
0x43: {  	_ =	shalt  }
0x44: {  	_ =	shalt  }
0x45: {  	_ =	shalt  }
0x46: {  	_ =	shalt  }
0x47: {  	_ =	shalt  }
0x48: {  	_ =	shalt  }
0x49: {  	_ =	shalt  }
0x4a: {  	_ =	shalt  }
0x4b: {  	_ =	shalt  }
0x4c: {  	_ =	shalt  }
0x4d: {  	_ =	shalt  }
0x4e: {  	_ =	shalt  }
0x4f: {  	_ =	shalt  }
0x50: {  	_ =	shalt  }
0x51: {  	_ =	shalt  }
0x52: {  	_ =	shalt  }
0x53: {  	_ =	shalt  }
0x54: {  	_ =	shalt  }
0x55: {  	_ =	shalt  }
0x56: {  	_ =	shalt  }
0x57: {  	_ =	shalt  }
0x58: {  	_ =	shalt  }
0x59: {  	_ =	shalt  }
0x5a: {  	_ =	shalt  }
0x5b: {  	_ =	shalt  }
0x5c: {  	_ =	shalt  }
0x5d: {  	_ =	shalt  }
0x5e: {  	_ =	shalt  }
0x5f: {  	_ =	shalt  }
0x60: {  	_ =	shalt  }
0x61: {  	_ =	shalt  }
0x62: {  	_ =	shalt  }
0x63: {  	_ =	shalt  }
0x64: {  	_ =	shalt  }
0x65: {  	_ =	shalt  }
0x66: {  	_ =	shalt  }
0x67: {  	_ =	shalt  }
0x68: {  	_ =	shalt  }
0x69: {  	_ =	shalt  }
0x6a: {  	_ =	shalt  }
0x6b: {  	_ =	shalt  }
0x6c: {  	_ =	shalt  }
0x6d: {  	_ =	shalt  }
0x6e: {  	_ =	shalt  }
0x6f: {  	_ =	shalt  }
0x70: {  	_ =	shalt  }
0x71: {  	_ =	shalt  }
0x72: {  	_ =	shalt  }
0x73: {  	_ =	shalt  }
0x74: {  	_ =	shalt  }
0x75: {  	_ =	shalt  }
0x76: {  	_ =	shalt  }
0x77: {  	_ =	shalt  }
0x78: {  	_ =	shalt  }
0x79: {  	_ =	shalt  }
0x7a: {  	_ =	shalt  }
0x7b: {  	_ =	shalt  }
0x7c: {  	_ =	shalt  }
0x7d: {  	_ =	shalt  }
0x7e: {  	_ =	shalt  }
0x7f: {  	_ =	shalt  }
0x80: {  	_ =	shalt  }
0x81: {  	_ =	shalt  }
0x82: {  	_ =	shalt  }
0x83: {  	_ =	shalt  }
0x84: {  	_ =	shalt  }
0x85: {  	_ =	shalt  }
0x86: {  	_ =	shalt  }
0x87: {  	_ =	shalt  }
.Lfunc_end0:
.L_simem_size_0:
called_computation.3_lowered:
.L_overlay_start_0:
0x88: {  	s2 =	sld [smem:$0x3FD9]  }
0x89: {  	s3 =	sld [smem:$0x3FFE];
	_ =	sdelay $0x1  }
0x8a: {  	s1 =	srdreg.scid  }
0x8b: {  	s0 =	sand.u32 $0x1, s1  }
0x8c: {  	s16 =	sshll.u32 s0, $0xA;
	s2 =	sadd.s32 s3, s2  }
0x8d: {  	s2 =	sadd.s32 s2, s16  }
0x8e: {  	[smem:$0x3FBA] =	sst s2  }
0x8f: {  	_ = 	snop  }
0x90: {  	(tm) =	ssettm $0x1  }
0x91: {  	s17 =	sld [smem:$0x3FFB];
	_ =	sdelay $0x3  }
0x92: {  	_ =	strace s17  }
0x93: {  	s2 =	sld [smem:$0x3FFC];
	_ =	sdelay $0x3  }
0x94: {  	_ =	strace s2  }
0x95: {  	s2 =	sld [smem:$0x3FFD];
	_ =	sdelay $0x3  }
0x96: {  	_ =	strace s2  }
0x97: {  	_ =	strace $0x8FFFFFFF  }
0x98: {  	s18 =	sld [smem:$0x3FDB];
	_ =	sdelay $0x1  }
0x99: {  	s19 =	simm.s32 $_scs_section_size  }
0x9a: {  	s4 =	simm.s32 $_size__tile_overlayer_lowered;
	s5 =	simm.s32 $_tile_overlayer_lowered  }
0x9b: {  	s22 =	simm.s32 $0x1BFF;
	s21 =	sshll.u32 s5, $0x1;
	s2 =	sadd.s32 s19, s18  }
0x9c: {  	s6 =	simm.s32 $0x0;
	s20 =	sshll.u32 s4, $0x1;
	s4 =	sadd.s32 s21, s2  }
0x9d: {  	[timem:s6], [sflag:s22] =	dma.local [hbm:s4], s20  }
0x9e: {  	_ =	swait.ge [sflag:s22], s20  }
0x9f: {  	s3 =	ssub.s32 $0x0, s20;
	[sflag:s22] =	ssyncset.done $0x0  }
0xa0: {  	[sflag:s22] =	ssyncadd.s32 s3;
	_ =	sdelay $0x1  }
0xa1: {  	s23 =	simm.s32 $0x1B8B  }
0xa2: {  	_ =	swait.ge [sflag:s23], $0x1  }
0xa3: {  	[sflag:s23] =	ssyncset.done $0x0  }
0xa4: {  	s25 =	simm.s32 $0x1B8E;
	s24 =	sld [smem:$0x3FFE];
	[sflag:s23] =	ssyncadd.s32 $0xFFFFFFFF  }
0xa5: {  	s26 =	simm.s32 $execute0_lowered;
	[smem:$0x3FD2] =	sst s25  }
0xa6: {  	s4 =	sshll.u32 s26, $0x1;
	_ =	strace $0x8000004F;
	[dreg:$0x1] =	wrdreg $0xFFFFFFFF  }
0xa7: {  	s28 =	simm.s32 $_size_execute0_lowered;
	s2 =	sadd.s32 s2, s4;
	[dreg:$0x0] =	wrdreg $0x0  }
0xa8: {  	s4 =	sshll.u32 s28, $0x1;
	[dreg:$0x2] =	wrdreg s2  }
0xa9: {  	[dreg:$0x3] =	wrdreg s4  }
0xaa: {  	[dreg:$0x4] =	wrdreg $0xC0  }
0xab: {  	_ =	task [dreg:s6], $0x5FFFF  }
0xac: {  	[dreg:$0x1] =	wrdreg $0xFFFFFFFF  }
0xad: {  	[dreg:$0x0] =	wrdreg $0x60  }
0xae: {  	[dreg:$0x2] =	wrdreg s24  }
0xaf: {  	[dreg:$0x3] =	wrdreg $0xB9800  }
0xb0: {  	[dreg:$0x4] =	wrdreg $0x9  }
0xb1: {  	_ =	task.clear_ibuf [dreg:s6], $0x5FFFF;
	_ =	strace $0x9000004F  }
0xb2: {  	s29 =	simm.s32 $0x9;
	_ =	strace $0x80000051  }
0xb3: {  	_ =	swait.ge [sflag:s29], $0x1  }
0xb4: {  	[sflag:s29] =	ssyncadd.s32 $0xFFFFFFFF  }
0xb5: {  	_ =	strace $0x90000051  }
0xb6: {  	_ =	sfence  }
0xb7: {  	s30 =	sld [smem:$0x0];
	_ =	sdelay $0x2  }
0xb8: {  	s31 =	sshll.u32 s1, $0xD;
	s1 =	sshrl.u32 s1, $0x2  }
0xb9: {  	s3 =	sand.u32 $0x4000, s31;
	s1 =	sadd.s32 s1, s30  }
0xba: {  	s0 =	sor.u32 s3, s0;
	s1 =	sshll.u32 s1, $0x11  }
0xbb: {  	s0 =	sor.u32 s1, s0  }
0xbc: {  	s0 =	sadd.s32 $0x8F2B, s0  }
0xbd: {  	[sflag:s0] =	ssyncadd.remote.s32 $0x1  }
0xbe: {  	_ =	sfence.sel $0xFFFF  }
0xbf: {  	[dreg:$0x0] =	wrdreg $0xFFFFFFFF;
	(pc) =	sbr.abs _section_cstart, $3  }
0xc0: {  	[dreg:$0x1] =	wrdreg $0xFFFFFFFF  }
0xc1: {  	_ =	task.clear_ibuf [dreg:s6], $0x2FFFF;
	_ =	strace $0x9FFFFFFF  }
0xc2: {  	(tm) =	ssettm $0x7FFFFFFF  }
0xc3: {  	_ =	shalt  }
tec
execute0_lowered:
.L_overlay_start_1:
0x0: {  	(tag) =	ssettag $0x1  }
0x1: {  	s0 =	rddreg [dreg:$0x0]  }
0x2: {  	s1 =	rddreg [dreg:$0x1];
	s2 =	srdreg.scid;
	s3 =	simm.s32 $0x0  }
0x3: {  	s16 =	stileid.u32;
	s28 =	simm.s32 $0x100;
	s29 =	simm.s32 $0x9180  }
0x4: {  	s30 =	simm.s32 $0x2;
	s31 =	simm.s32 $0x3;
	s8 =	smul.u32 $0x2780, s16  }
0x5: {  	s2 =	sand.u32 $0x1, s2;
	[smem:$0x7FF] =	sst s3;
	s10 =	smul.u32 $0x4F000, s16  }
0x6: {  	s5 =	sadd.s32 $0x4E00, s0;
	s12 =	sadd.s32 $0xE2200, s0;
	s14 =	smul.u32 $0x13C00, s16  }
0x7: {  	s17 =	sadd.s32 $0x128400, s1;
	p0 =	seq.s32 s16, $0xF;
	s4 =	sshll.u32 s2, $0x4  }
0x8: {  	_ =	strace $0x80000050;
	s9 =	ssub.s32 $0x2, s2;
	s26 =	smul.u32 $0x138800, s2  }
0x9: {  	s2 =	smul.u32 $0x27100, s2;
	s17 =	sshrl.u32 @p0 s17, $0x3;
	s6 =	sor.u32 s16, s4  }
0xa: {  	s4 =	sadd.s32 $0x45E00, s0;
	s8 =	sadd.s32 s8, s0;
	s11 =	sshrl.u32 s9, $0x1  }
0xb: {  	s25 =	sshrl.u32 s10, $0x2;
	s10 =	smul.u32 $0x2710, s16;
	s7 =	sshll.u32 s6, $0xB  }
0xc: {  	s6 =	smul.u32 $0x2710, s6;
	s13 =	ssub.s32 s9, s11;
	s19 =	sadd.s32 s25, s1  }
0xd: {  	s8 =	sadd.s32 $0x1EC00, s8;
	s20 =	sadd.s32 s14, s26;
	s21 =	sshrl.u32 s26, $0x3  }
0xe: {  	s7 =	sadd.s32 s7, s0;
	[dreg:$0x3] =	wrdreg s8;
	s0 =	sadd.s32 $0x43C80, s0  }
0xf: {  	s22 =	sadd.s32 s12, s21;
	s13 =	smax.u32 s13, $0x1;
	s19 =	sshrl.u32 @!p0 s19, $0x3  }
0x10: {  	s21 =	simm.s32 $0x4;
	s6 =	sshrl.u32 s6, $0x3;
	[dreg:$0x4] =	wrdreg s0  }
0x11: {  	s15 =	sadd.s32 $0xEC00, s7;
	s0 =	sadd.s32 s10, s2;
	s2 =	sshll.u32 @!p0 s16, $0x6  }
0x12: {  	s8 =	sadd.s32 s5, s6;
	[dreg:$0x5] =	wrdreg s15;
	s6 =	sshrl.u32 s20, $0x3  }
0x13: {  	s23 =	sadd.s32 $0x140, s0;
	s25 =	sadd.s32 $0xA0, s0;
	s15 =	sadd.s32 $0xF0, s0  }
0x14: {  	s20 =	simm.s32 $0x0;
	s18 =	sadd.s32 $0xA, s8;
	s11 =	sadd.s32 s12, s6  }
0x15: {  	s12 =	sadd.s32 $0x25080, s22;
	s24 =	sshrl.u32 s23, $0x3;
	s26 =	sshrl.u32 s25, $0x3  }
0x16: {  	s22 =	simm.s32 $0x50;
	s23 =	simm.s32 $0x4180;
	s25 =	simm.s32 $0x6980  }
0x17: {  	[dreg:$0x6] =	wrdreg s18;
	s14 =	sadd.s32 s24, s5;
	s16 =	sadd.s32 s26, s5  }
0x18: {  	s18 =	sor.u32 @!p0 $0x1C04, s2;
	s24 =	simm.s32 $0x80;
	s26 =	simm.s32 $0x1  }
.LBB2_1:
0x19: {  	s0 =	simm.s32 @p0 $0x1FC4;
	s2 =	rddreg [dreg:$0x4]  }
0x1a: {  	[spmem:s17], [sflag:s0] =	dma.local @p0 [hbm:s2], $0x2080  }
0x1b: {  	s0 =	simm.s32 @p0 $0x4  }
0x1c: {  	_ =	swait.ge @p0 [sflag:s0], $0x2080  }
0x1d: {  	[sflag:s0] =	ssyncset.done @p0 $0x0  }
0x1e: {  	[sflag:s0] =	ssyncadd.s32 @p0 $0xFFFFDF80;
	s0 =	rddreg [dreg:$0x3]  }
0x1f: {  	[spmem:s19], [sflag:s18] =	dma.local @!p0 [hbm:s0], $0x2780  }
0x20: {  	s0 =	simm.s32 @!p0 $0x4  }
0x21: {  	_ =	swait.ge @!p0 [sflag:s0], $0x2780  }
0x22: {  	[sflag:s0] =	ssyncset.done @!p0 $0x0  }
0x23: {  	s10 =	simm.s32 $0x180;
	s9 =	rddreg [dreg:$0x5];
	[sflag:s0] =	ssyncadd.s32 @!p0 $0xFFFFD880  }
0x24: {  	[tilespmem:s10], [sflag:$0x4] =	stream.linear.gather [hbm4b:s9+s3], $0x3E80, $0x38;
	[tilespmem:$0x1F200] =	vst v63  }
0x25: {  	_ =	swait.ge [sflag:s21], $0x3E80  }
0x26: {  	[sflag:s21] =	ssyncset.done $0x0  }
0x27: {  	[sflag:s21] =	ssyncadd.s32 $0xFFFFC180  }
0x28: {  	[bflag:$0x0] =	sbarrier.arrive $0xFFFF  }
0x29: {  	[tilespmem:s3], [sflag:$0x4] =	stream.linear.gather [hbm4b:s8+s3], $0x50, $0x38;
	[tilespmem:$0x1F200] =	vst v63  }
0x2a: {  	_ =	swait.ge [sflag:s21], $0x50  }
0x2b: {  	[sflag:s21] =	ssyncset.done $0x0  }
0x2c: {  	[sflag:s21] =	ssyncadd.s32 $0xFFFFFFB0  }
0x2d: {  	[tilespmem:s23], [sflag:$0x1] =	stream.indirect.gather [hbm4b:s4+s22], $0x80, s3, s22, $0xb8;
	[tilespmem:$0x1F200] =	vst v63  }
0x2e: {  	s2 =	rddreg [dreg:$0x6]  }
0x2f: {  	[tilespmem:s24], [sflag:$0x4] =	stream.linear.gather [hbm4b:s2+s3], $0x50, $0x38;
	[tilespmem:$0x1F200] =	vst v63  }
0x30: {  	_ =	swait.ge [sflag:s21], $0x50  }
0x31: {  	[sflag:s21] =	ssyncset.done $0x0  }
0x32: {  	[sflag:s21] =	ssyncadd.s32 $0xFFFFFFB0  }
0x33: {  	[tilespmem:s25], [sflag:$0x2] =	stream.indirect.gather [hbm4b:s4+s22], $0x80, s24, s22, $0xb8;
	[tilespmem:$0x1F200] =	vst v63  }
0x34: {  	_ =	swait.ge [sflag:s26], $0x2800  }
0x35: {  	[sflag:s26] =	ssyncset.done $0x0  }
0x36: {  	s6 =	simm.s32 $0x180;
	[sflag:s26] =	ssyncadd.s32 $0xFFFFD800  }
0x37: {  	[spmem:s1] =	stream.indirect.scatter.add.f32 [tilespmem:s23], [sflag:$0x4], $0x80, s6, s22, $0xb8;
	[tilespmem:$0x1F200] =	vst v63  }
0x38: {  	_ =	swait.ge [sflag:s21], $0x2800  }
0x39: {  	[sflag:s21] =	ssyncset.done $0x0  }
0x3a: {  	[sflag:s21] =	ssyncadd.s32 $0xFFFFD800  }
0x3b: {  	[tilespmem:s28], [sflag:$0x4] =	stream.linear.gather [hbm4b:s16+s3], $0x50, $0x38;
	[tilespmem:$0x1F200] =	vst v63  }
0x3c: {  	_ =	swait.ge [sflag:s21], $0x50  }
0x3d: {  	[sflag:s21] =	ssyncset.done $0x0  }
0x3e: {  	[sflag:s21] =	ssyncadd.s32 $0xFFFFFFB0  }
0x3f: {  	[tilespmem:s29], [sflag:$0x3] =	stream.indirect.gather [hbm4b:s4+s22], $0x80, s28, s22, $0xb8;
	[tilespmem:$0x1F200] =	vst v63  }
0x40: {  	_ =	swait.ge [sflag:s30], $0x2800  }
0x41: {  	[sflag:s30] =	ssyncset.done $0x0  }
0x42: {  	s7 =	simm.s32 $0x200;
	[sflag:s30] =	ssyncadd.s32 $0xFFFFD800  }
0x43: {  	[spmem:s1] =	stream.indirect.scatter.add.f32 [tilespmem:s25], [sflag:$0x4], $0x80, s7, s22, $0xb8;
	[tilespmem:$0x1F200] =	vst v63  }
0x44: {  	_ =	swait.ge [sflag:s21], $0x2800  }
0x45: {  	s9 =	sshrl.u32 s15, $0x3;
	[sflag:s21] =	ssyncset.done $0x0  }
0x46: {  	s0 =	sadd.s32 s5, s9;
	[sflag:s21] =	ssyncadd.s32 $0xFFFFD800  }
0x47: {  	[tilespmem:s3], [sflag:$0x4] =	stream.linear.gather [hbm4b:s0+s3], $0x50, $0x38;
	[tilespmem:$0x1F200] =	vst v63  }
0x48: {  	_ =	swait.ge [sflag:s21], $0x50  }
0x49: {  	[sflag:s21] =	ssyncset.done $0x0  }
0x4a: {  	[sflag:s21] =	ssyncadd.s32 $0xFFFFFFB0  }
0x4b: {  	[tilespmem:s23], [sflag:$0x1] =	stream.indirect.gather [hbm4b:s4+s22], $0x80, s3, s22, $0xb8;
	[tilespmem:$0x1F200] =	vst v63  }
0x4c: {  	_ =	swait.ge [sflag:s31], $0x2800  }
0x4d: {  	[sflag:s31] =	ssyncset.done $0x0  }
0x4e: {  	s10 =	simm.s32 $0x280;
	[sflag:s31] =	ssyncadd.s32 $0xFFFFD800  }
0x4f: {  	[spmem:s1] =	stream.indirect.scatter.add.f32 [tilespmem:s29], [sflag:$0x4], $0x80, s10, s22, $0xb8;
	[tilespmem:$0x1F200] =	vst v63  }
0x50: {  	_ =	swait.ge [sflag:s21], $0x2800  }
0x51: {  	[sflag:s21] =	ssyncset.done $0x0  }
0x52: {  	[sflag:s21] =	ssyncadd.s32 $0xFFFFD800  }
0x53: {  	[tilespmem:s24], [sflag:$0x4] =	stream.linear.gather [hbm4b:s14+s3], $0x50, $0x38;
	[tilespmem:$0x1F200] =	vst v63  }
0x54: {  	_ =	swait.ge [sflag:s21], $0x50  }
0x55: {  	s2 =	sadd.s32 $0x1E, s16;
	s6 =	sadd.s32 $0x1E, s14;
	[sflag:s21] =	ssyncset.done $0x0  }
0x56: {  	s7 =	sadd.s32 $0xF0, s15;
	s0 =	simm.s32 $0x600;
	[sflag:s21] =	ssyncadd.s32 $0xFFFFFFB0  }
.LBB2_2:
0x57: {  	[tilespmem:s25], [sflag:$0x2] =	stream.indirect.gather [hbm4b:s4+s22], $0x80, s24, s22, $0xb8;
	[tilespmem:$0x1F200] =	vst v63  }
0x58: {  	s9 =	smov.u32 s0  }
0x59: {  	p1 =	sne.s32 s0, $0xF000;
	s0 =	sadd.s32 $0x600, s0;
	_ =	swait.ge [sflag:s26], $0x2800  }
0x5a: {  	s9 =	sshra.s32 s9, $0x2;
	[sflag:s26] =	ssyncset.done $0x0  }
0x5b: {  	s10 =	sadd.s32 $0x180, s9;
	[sflag:s26] =	ssyncadd.s32 $0xFFFFD800  }
0x5c: {  	[spmem:s1] =	stream.indirect.scatter.add.f32 [tilespmem:s23], [sflag:$0x4], $0x80, s10, s22, $0xb8;
	[tilespmem:$0x1F200] =	vst v63  }
0x5d: {  	_ =	swait.ge [sflag:s21], $0x2800  }
0x5e: {  	[sflag:s21] =	ssyncset.done $0x0  }
0x5f: {  	[sflag:s21] =	ssyncadd.s32 $0xFFFFD800  }
0x60: {  	[tilespmem:s28], [sflag:$0x4] =	stream.linear.gather [hbm4b:s2+s3], $0x50, $0x38;
	[tilespmem:$0x1F200] =	vst v63  }
0x61: {  	_ =	swait.ge [sflag:s21], $0x50  }
0x62: {  	[sflag:s21] =	ssyncset.done $0x0  }
0x63: {  	[sflag:s21] =	ssyncadd.s32 $0xFFFFFFB0  }
0x64: {  	[tilespmem:s29], [sflag:$0x3] =	stream.indirect.gather [hbm4b:s4+s22], $0x80, s28, s22, $0xb8;
	[tilespmem:$0x1F200] =	vst v63  }
0x65: {  	_ =	swait.ge [sflag:s30], $0x2800  }
0x66: {  	[sflag:s30] =	ssyncset.done $0x0  }
0x67: {  	s10 =	sadd.s32 $0x200, s9;
	[sflag:s30] =	ssyncadd.s32 $0xFFFFD800  }
0x68: {  	[spmem:s1] =	stream.indirect.scatter.add.f32 [tilespmem:s25], [sflag:$0x4], $0x80, s10, s22, $0xb8;
	[tilespmem:$0x1F200] =	vst v63  }
0x69: {  	_ =	swait.ge [sflag:s21], $0x2800  }
0x6a: {  	s10 =	sshrl.u32 s7, $0x3;
	[sflag:s21] =	ssyncset.done $0x0  }
0x6b: {  	s10 =	sadd.s32 s5, s10;
	[sflag:s21] =	ssyncadd.s32 $0xFFFFD800  }
0x6c: {  	[tilespmem:s3], [sflag:$0x4] =	stream.linear.gather [hbm4b:s10+s3], $0x50, $0x38;
	[tilespmem:$0x1F200] =	vst v63  }
0x6d: {  	_ =	swait.ge [sflag:s21], $0x50  }
0x6e: {  	[sflag:s21] =	ssyncset.done $0x0  }
0x6f: {  	[sflag:s21] =	ssyncadd.s32 $0xFFFFFFB0  }
0x70: {  	[tilespmem:s23], [sflag:$0x1] =	stream.indirect.gather [hbm4b:s4+s22], $0x80, s3, s22, $0xb8;
	[tilespmem:$0x1F200] =	vst v63  }
0x71: {  	_ =	swait.ge [sflag:s31], $0x2800  }
0x72: {  	[sflag:s31] =	ssyncset.done $0x0  }
0x73: {  	s9 =	sadd.s32 $0x280, s9;
	[sflag:s31] =	ssyncadd.s32 $0xFFFFD800  }
0x74: {  	[spmem:s1] =	stream.indirect.scatter.add.f32 [tilespmem:s29], [sflag:$0x4], $0x80, s9, s22, $0xb8;
	[tilespmem:$0x1F200] =	vst v63  }
0x75: {  	_ =	swait.ge [sflag:s21], $0x2800  }
0x76: {  	[sflag:s21] =	ssyncset.done $0x0  }
.Ltmp0:
0x77: {  	[sflag:s21] =	ssyncadd.s32 $0xFFFFD800;
	(pc) =	sbr.rel @p1 .LBB2_2-.Ltmp0, $4  }
0x78: {  	[tilespmem:s24], [sflag:$0x4] =	stream.linear.gather [hbm4b:s6+s3], $0x50, $0x38;
	[tilespmem:$0x1F200] =	vst v63  }
0x79: {  	_ =	swait.ge [sflag:s21], $0x50  }
0x7a: {  	s2 =	sadd.s32 $0x1E, s2;
	[sflag:s21] =	ssyncset.done $0x0  }
0x7b: {  	s7 =	sadd.s32 $0xF0, s7;
	s6 =	sadd.s32 $0x1E, s6;
	[sflag:s21] =	ssyncadd.s32 $0xFFFFFFB0  }
0x7c: {  	[tilespmem:s25], [sflag:$0x2] =	stream.indirect.gather [hbm4b:s4+s22], $0x80, s24, s22, $0xb8;
	[tilespmem:$0x1F200] =	vst v63  }
0x7d: {  	_ =	swait.ge [sflag:s26], $0x2800  }
0x7e: {  	[sflag:s26] =	ssyncset.done $0x0  }
0x7f: {  	s0 =	simm.s32 $0x3F00;
	[sflag:s26] =	ssyncadd.s32 $0xFFFFD800  }
0x80: {  	[spmem:s1] =	stream.indirect.scatter.add.f32 [tilespmem:s23], [sflag:$0x4], $0x80, s0, s22, $0xb8;
	[tilespmem:$0x1F200] =	vst v63  }
0x81: {  	_ =	swait.ge [sflag:s21], $0x2800  }
0x82: {  	[sflag:s21] =	ssyncset.done $0x0  }
0x83: {  	[sflag:s21] =	ssyncadd.s32 $0xFFFFD800  }
0x84: {  	_ =	swait.ge [sflag:s30], $0x2800  }
0x85: {  	[sflag:s30] =	ssyncset.done $0x0  }
0x86: {  	s10 =	simm.s32 $0x3F80;
	[sflag:s30] =	ssyncadd.s32 $0xFFFFD800  }
0x87: {  	[spmem:s1] =	stream.indirect.scatter.add.f32 [tilespmem:s25], [sflag:$0x4], $0x80, s10, s22, $0xb8;
	[tilespmem:$0x1F200] =	vst v63  }
0x88: {  	_ =	swait.ge [sflag:s21], $0x2800  }
0x89: {  	[sflag:s21] =	ssyncset.done $0x0  }
0x8a: {  	[sflag:s21] =	ssyncadd.s32 $0xFFFFD800  }
0x8b: {  	s0 =	simm.s32 @p0 $0x1FC4;
	[bflag:$0x0] =	sbarrier.arrive $0xFFFF  }
0x8c: {  	[hbm:s12], [sflag:s0] =	dma.local @p0 [spmem:s17], $0x2080  }
0x8d: {  	s0 =	simm.s32 @p0 $0x4  }
0x8e: {  	s20 =	sadd.s32 $0x1, s20;
	_ =	swait.ge @p0 [sflag:s0], $0x2080  }
0x8f: {  	p1 =	sne.s32 s20, s13;
	[sflag:s0] =	ssyncset.done @p0 $0x0  }
.Ltmp1:
0x90: {  	[sflag:s0] =	ssyncadd.s32 @p0 $0xFFFFDF80;
	s0 =	simm.s32 @!p0 $0x4;
	(pc) =	sbr.rel @p1 .LBB2_1-.Ltmp1, $4  }
0x91: {  	[hbm:s11], [sflag:s18] =	dma.local @!p0 [spmem:s19], $0x2780  }
0x92: {  	_ =	swait.ge @!p0 [sflag:s0], $0x2780  }
0x93: {  	[sflag:s0] =	ssyncset.done @!p0 $0x0  }
0x94: {  	[sflag:s0] =	ssyncadd.s32 @!p0 $0xFFFFD880  }
0x95: {  	_ =	sfence.sel $0x180000  }
0x96: {  	[bflag:$0x0] =	sbarrier.arrive $0xFFFF  }
0x97: {  	_ =	strace $0x90000050  }
0x98: {  	s0 =	stileid.u32;
	[bflag:$0x2] =	sbarrier.arrive $0xFFFF  }
0x99: {  	p0 =	sne.s32 s0, $0x0;
	s0 =	rddreg [dreg:$0x2]  }
0x9a: {  	s0 =	sadd.s32 @!p0 $0x100000, s0  }
0x9b: {  	[sflag:s0] =	ssyncadd.tile.s32 @!p0 $0x1;
	_ =	shalt  }
.Lfunc_end2:
_tile_overlayer_lowered:
.L_overlay_start_2:
0x9c: {  	(tag) =	ssettag $0x2  }
0x9d: {  	s0 =	rddreg [dreg:$0x0];
	s2 =	stileid.u32  }
0x9e: {  	s1 =	rddreg [dreg:$0x1];
	p0 =	sne.s32 s2, $0x0  }
0x9f: {  	s3 =	rddreg [dreg:$0x2];
	[bflag:$0x3] =	sbarrier.arrive $0xFFFF;
	s2 =	simm.s32 @!p0 $0x1C04  }
0xa0: {  	[timem:s3], [sflag:s2] =	dma.local @!p0 [hbm:s0], s1  }
0xa1: {  	s0 =	simm.s32 @!p0 $0x4  }
0xa2: {  	_ =	swait.ge @!p0 [sflag:s0], s1  }
0xa3: {  	s1 =	ssub.s32 @!p0 $0x0, s1;
	[sflag:s0] =	ssyncset.done @!p0 $0x0  }
0xa4: {  	[sflag:s0] =	ssyncadd.s32 @!p0 s1  }
0xa5: {  	[bflag:$0x3] =	sbarrier.arrive $0xFFFF  }
0xa6: {  	_ =	shalt  }

</sc_bundles>
